<compile_context>
chip_gen: v7x
topology: tpu7x:2x2x1
jax: 0.10.2.dev20260603
libtpu: 0.0.44.dev20260713+nightly
codegen_flags: <defaults>
</compile_context>

<pallas_src>
import functools

import jax
import jax.numpy as jnp
from jax import lax
from jax.experimental import pallas as pl
from jax.experimental.pallas import tpu as pltpu
from jax.experimental.pallas import tpu_sc as plsc

_RB = 128
_JC = 512
_BIG = 1 << 20


def _sel_body(n_total, n_batches, pcs_ref, pcsT_ref, sel_ref):
    bidx = pl.program_id(0)
    nblk = pl.program_id(1)
    n0 = nblk * _RB

    cx = pcsT_ref[0, :, 0:1]
    cy = pcsT_ref[0, :, 1:2]
    cz = pcsT_ref[0, :, 2:3]
    sqc = cx * cx + cy * cy + cz * cz
    cxb = cx.astype(jnp.bfloat16).astype(jnp.float32) * -2.0
    cyb = cy.astype(jnp.bfloat16).astype(jnp.float32) * -2.0
    czb = cz.astype(jnp.bfloat16).astype(jnp.float32) * -2.0

    rowi = lax.broadcasted_iota(jnp.int32, (_RB, 1), 0)
    nvec = n0 + rowi
    coli = lax.broadcasted_iota(jnp.int32, (_RB, _JC), 1)
    tri = (lax.broadcasted_iota(jnp.int32, (_JC, _JC), 0)
           < lax.broadcasted_iota(jnp.int32, (_JC, _JC), 1)).astype(jnp.float32)

    cnt = jnp.zeros((_RB, 1), jnp.float32)
    best = [jnp.full((_RB, _JC), _BIG, jnp.int32) for _ in range(7)]
    for ci in range(n_total // _JC):
        j0 = ci * _JC
        jx = pcs_ref[0, 0:1, j0:j0 + _JC]
        jy = pcs_ref[0, 1:2, j0:j0 + _JC]
        jz = pcs_ref[0, 2:3, j0:j0 + _JC]
        dx = jx - cx
        dy = jy - cy
        dz = jz - cz
        sqj = jx * jx + jy * jy + jz * jz
        jxb = jx.astype(jnp.bfloat16).astype(jnp.float32)
        jyb = jy.astype(jnp.bfloat16).astype(jnp.float32)
        jzb = jz.astype(jnp.bfloat16).astype(jnp.float32)
        inner2 = cxb * jxb + cyb * jyb + czb * jzb
        d2 = (sqc + sqj) + inner2
        jglob = j0 + coli
        mask = (d2 < (0.2 * 0.2)) & (jglob != nvec)
        mf = mask.astype(jnp.float32)
        rank = jax.lax.dot(mf, tri, preferred_element_type=jnp.float32) + cnt
        elig = mask & (rank < 31.0)
        octv = ((dx > 0).astype(jnp.int32) * 4
                + (dy > 0).astype(jnp.int32) * 2
                + (dz > 0).astype(jnp.int32))
        jelig = jnp.where(elig, jglob, _BIG)
        for o in range(1, 8):
            key = jnp.where(octv == o, jelig, _BIG)
            best[o - 1] = jnp.minimum(best[o - 1], key)
        cnt = rank[:, _JC - 1:_JC] + mf[:, _JC - 1:_JC]

    bofs = bidx * n_total
    zero_row = n_batches * n_total
    cols = [jnp.broadcast_to(nvec + bofs, (_RB, 1))]
    for o in range(7):
        bo = jnp.min(best[o], axis=1, keepdims=True)
        cols.append(jnp.where(bo < _BIG, bo + bofs, zero_row))
    sel_ref[0, :, :] = jnp.concatenate(cols, axis=1)


def _sel_call(pcs, pcsT):
    b, _, n = pcs.shape
    return pl.pallas_call(
        functools.partial(_sel_body, n, b),
        grid=(b, n // _RB),
        in_specs=[
            pl.BlockSpec((1, 3, n), lambda bi, ni: (bi, 0, 0)),
            pl.BlockSpec((1, _RB, 3), lambda bi, ni: (bi, ni, 0)),
        ],
        out_specs=pl.BlockSpec((1, _RB, 8), lambda bi, ni: (bi, ni, 0)),
        out_shape=jax.ShapeDtypeStruct((b, n, 8), jnp.int32),
    )(pcs, pcsT)


_GCHUNK = 128


_NBUF = 4


def _gather_call(table, idx3):
    nw, nit, _ = idx3.shape
    rows = nw * nit * _GCHUNK
    ch = table.shape[1]
    info = plsc.get_sparse_core_info()
    nc = info.num_cores
    per_w = nit * _GCHUNK

    @functools.partial(
        pl.kernel,
        mesh=plsc.VectorSubcoreMesh(core_axis_name="c", subcore_axis_name="s"),
        out_type=jax.ShapeDtypeStruct((rows, ch), jnp.float32),
        scratch_types=(
            [pltpu.VMEM((nit, _GCHUNK), jnp.int32),
             pltpu.VMEM_SHARED(table.shape, jnp.float32)]
            + [pltpu.VMEM((_GCHUNK, ch), jnp.float32) for _ in range(_NBUF)]
            + [pltpu.SemaphoreType.DMA for _ in range(_NBUF)]
        ),
    )
    def gk(table_hbm, idx_hbm, out_hbm, idx_v, table_sh, *bufs_sems):
        bufs = bufs_sems[:_NBUF]
        sems = bufs_sems[_NBUF:]
        sid = lax.axis_index("s")
        wid = sid * nc + lax.axis_index("c")
        base = wid * per_w
        @pl.when(sid == 0)
        def _():
            pltpu.sync_copy(table_hbm, table_sh)
        plsc.subcore_barrier()
        pltpu.sync_copy(idx_hbm.at[wid], idx_v)
        cps = [None] * _NBUF
        for i in range(min(_NBUF, nit)):
            cps[i] = pltpu.async_copy(
                table_sh.at[idx_v.at[i]], bufs[i], sems[i])
        for i in range(nit):
            k = i % _NBUF
            cps[k].wait()
            pltpu.sync_copy(bufs[k], out_hbm.at[pl.ds(base + i * _GCHUNK,
                                                      _GCHUNK)])
            nxt = i + _NBUF
            if nxt < nit:
                cps[k] = pltpu.async_copy(
                    table_sh.at[idx_v.at[nxt]], bufs[k], sems[k])

    return gk(table, idx3)


_MR = 256


def _conv_body(s_ref, w_ref, b_ref, o_ref):
    o_ref[...] = (
        jnp.dot(s_ref[...], w_ref[...], preferred_element_type=jnp.float32)
        + b_ref[...]
    )


def _conv_call(samples2d, w2d, b2d):
    rows, kc = samples2d.shape
    oc = w2d.shape[1]
    return pl.pallas_call(
        _conv_body,
        grid=(rows // _MR,),
        in_specs=[
            pl.BlockSpec((_MR, kc), lambda i: (i, 0)),
            pl.BlockSpec((kc, oc), lambda i: (0, 0)),
            pl.BlockSpec((1, oc), lambda i: (0, 0)),
        ],
        out_specs=pl.BlockSpec((_MR, oc), lambda i: (i, 0)),
        out_shape=jax.ShapeDtypeStruct((rows, oc), jnp.float32),
    )(samples2d, w2d, b2d)


def kernel(x, pcs, W, b):
    bb, c, n = x.shape
    oc = W.shape[0]

    pcsT = jnp.transpose(pcs, (0, 2, 1))
    xT = jnp.transpose(x, (0, 2, 1))
    info = plsc.get_sparse_core_info()
    nw = info.num_cores * info.num_subcores
    nit = (n * 8) // (nw * _GCHUNK)
    parts = []
    for bi in range(bb):
        sel = _sel_call(pcs[bi:bi + 1], pcsT[bi:bi + 1])
        table = jnp.concatenate(
            [xT[bi], jnp.zeros((1, c), jnp.float32)], axis=0)
        parts.append(_gather_call(table, sel.reshape(nw, nit, _GCHUNK)))
    samples = jnp.concatenate(parts, axis=0)

    w8 = jnp.concatenate([W[:, :, 0:1], W[:, :, 2:9]], axis=2)
    w2d = jnp.transpose(w8, (2, 1, 0)).reshape(8 * c, oc)
    out2d = _conv_call(samples.reshape(bb * n, 8 * c), w2d,
                       b.reshape(1, oc))
    return out2d.reshape(bb, n, oc).transpose(0, 2, 1)

# --- scband reference (transcript-rebuilt; emitter-appended) ---
"""Pipeline reference for scband-point-conv-11038065951507 (READ-ONLY COPY).

The authoritative reference and input builder live on the scoring server;
editing this copy changes nothing except your own understanding.
"""

import jax, jax.numpy as jnp
import numpy as np

RADIUS = 0.2
MAX_SAMPLES = 32
IN_CH = 128
OUT_CH = 128
B = 4
N = 2048


def setup_inputs(seed: int = 0) -> dict:
    key = jax.random.key(seed)
    k1, k2, k3 = jax.random.split(key, 3)
    x = jax.random.normal(k1, (B, IN_CH, N), dtype=jnp.float32)
    pcs = jax.random.uniform(k2, (B, 3, N), dtype=jnp.float32)
    # Conv2d(in, out, kernel=[1,9]) weights, xavier_uniform init, bias zeroed
    fan_in = IN_CH * 9
    fan_out = OUT_CH * 9
    limit = float(np.sqrt(6.0 / (fan_in + fan_out)))
    W = jax.random.uniform(k3, (OUT_CH, IN_CH, 9), dtype=jnp.float32, minval=-limit, maxval=limit)
    b = jnp.zeros((OUT_CH,), dtype=jnp.float32)
    return {"x": x, "pcs": pcs, "W": W, "b": b}


def _ball_query(pcs, radius, S):
    # pcs: [B, 3, N] -> group_idx: [B, N, S]; center point first, then
    # in-range points in ascending index order, padded with center index.
    B_, _, N_ = pcs.shape
    sq = jnp.sum(pcs * pcs, axis=1)  # [B, N]
    inner = jnp.einsum('bdn,bdm->bnm', pcs, pcs)
    dist2 = sq[:, :, None] + sq[:, None, :] - 2.0 * inner  # [B, N, N]
    mask = dist2 < (radius * radius)
    jidx = jnp.arange(N_, dtype=jnp.int32)
    keys = jnp.where(mask, jidx[None, None, :], N_)
    eye = jnp.eye(N_, dtype=bool)
    keys = jnp.where(eye[None, :, :], -1, keys)  # force center first
    order = jnp.argsort(keys, axis=-1)[..., :S].astype(jnp.int32)
    skeys = jnp.take_along_axis(keys, order, axis=-1)
    center = jnp.broadcast_to(jidx[None, :, None], (B_, N_, S))
    group_idx = jnp.where(skeys < N_, order, center)
    return group_idx


def _gather_points(x, idx):
    # x: [B, C, N], idx: [B, M] -> [B, C, M]
    return jnp.take_along_axis(x, idx[:, None, :], axis=2)


def _octant_sample(gx, gp, S):
    # gx: [BG, C, S] features, gp: [BG, 3, S] centered coords.
    # For each of 8 octants pick first point index; index 0 (center) or
    # empty octant -> -1 (zero feature). Prepend center (index 0).
    BG = gp.shape[0]
    oct_id = ((gp[:, 0, :] > 0).astype(jnp.int32) * 4
              + (gp[:, 1, :] > 0).astype(jnp.int32) * 2
              + (gp[:, 2, :] > 0).astype(jnp.int32))  # [BG, S]
    sidx = jnp.arange(S, dtype=jnp.int32)
    firsts = []
    for o in range(8):
        k = jnp.where(oct_id == o, sidx[None, :], S)
        firsts.append(jnp.min(k, axis=-1))
    first = jnp.stack(firsts, axis=1)  # [BG, 8]
    oct_idx = jnp.where((first == S) | (first == 0), -1, first)
    idx9 = jnp.concatenate([jnp.zeros((BG, 1), dtype=jnp.int32), oct_idx], axis=1)  # [BG, 9]
    safe = jnp.clip(idx9, 0, S - 1)
    g = jnp.take_along_axis(gx, safe[:, None, :], axis=2)  # [BG, C, 9]
    g = jnp.where((idx9 >= 0)[:, None, :], g, 0.0)
    return g


def reference(x, pcs, W, b):
    B_, C, N_ = x.shape
    S = MAX_SAMPLES
    group_idx = _ball_query(pcs, RADIUS, S)          # [B, N, S]
    flat = group_idx.reshape(B_, N_ * S)
    gx = _gather_points(x, flat).reshape(B_, C, N_, S)
    gp = _gather_points(pcs, flat).reshape(B_, 3, N_, S)
    gp = gp - pcs[:, :, :, None]
    gx2 = jnp.transpose(gx, (0, 2, 1, 3)).reshape(B_ * N_, C, S)
    gp2 = jnp.transpose(gp, (0, 2, 1, 3)).reshape(B_ * N_, 3, S)
    samples = _octant_sample(gx2, gp2, S)            # [B*N, C, 9]
    samples = samples.reshape(B_, N_, C, 9)
    samples = jnp.transpose(samples, (0, 2, 1, 3))   # [B, C, N, 9]
    # Conv2d(C_in, C_out, kernel=[1, 9]) -> squeeze(-1)
    out = jnp.einsum('bcnk,ock->bon', samples, W) + b[None, :, None]
    return out

if __name__ == "__main__":
    import jax
    _d = setup_inputs()
    print(jax.jit(kernel)(*tuple(_d.values())))

</pallas_src>

<mosaic_0001>
#map = affine_map<(d0, d1) -> (0, 0)>
#map1 = affine_map<(d0, d1) -> (0, 0, 0)>
module attributes {stable_mosaic.version = 14 : i64} {
  func.func @gk(%arg0: i32, %arg1: i32, %arg2: memref<2049x128xf32, #tpu.memory_space<hbm>>, %arg3: memref<32x4x128xi32, #tpu.memory_space<hbm>>, %arg4: memref<16384x128xf32, #tpu.memory_space<hbm>>, %arg5: memref<4x128xi32, #tpu.memory_space<vmem>>, %arg6: memref<2049x128xf32, #tpu.memory_space<vmem_shared>>, %arg7: memref<128x128xf32, #tpu.memory_space<vmem>>, %arg8: memref<128x128xf32, #tpu.memory_space<vmem>>, %arg9: memref<128x128xf32, #tpu.memory_space<vmem>>, %arg10: memref<128x128xf32, #tpu.memory_space<vmem>>, %arg11: memref<!tpu.dma_semaphore, #tpu.memory_space<semaphore_mem>>, %arg12: memref<!tpu.dma_semaphore, #tpu.memory_space<semaphore_mem>>, %arg13: memref<!tpu.dma_semaphore, #tpu.memory_space<semaphore_mem>>, %arg14: memref<!tpu.dma_semaphore, #tpu.memory_space<semaphore_mem>>) attributes {dimension_semantics = [#tpu.dimension_semantics<core_parallel>, #tpu.dimension_semantics<subcore_parallel>], iteration_bounds = array<i64: 2, 16>, scalar_prefetch = 0 : i64, scratch_operands = 10 : i64, tpu.core_type = #tpu.core_type<sc_vector_subcore>, window_params = [{transform_indices = #map}, {transform_indices = #map1}, {transform_indices = #map}]} {
    %mul3A = arith.constant 2 : i32
    %mul3A_0 = arith.muli %arg1, %mul3A : i32
    %add3A = arith.addi %mul3A_0, %arg0 : i32
    %mul3A_1 = arith.constant 512 : i32
    %mul3A_2 = arith.muli %add3A, %mul3A_1 : i32
    %eq3A = arith.constant 0 : i32
    %eq3A_3 = arith.cmpi eq, %arg1, %eq3A : i32
    %convert_element_type3A = arith.extui %eq3A_3 : i1 to i32
    %cond3A = arith.constant 0 : i32
    %cond3A_4 = arith.cmpi ne, %convert_element_type3A, %cond3A : i32
    scf.if %cond3A_4 {
      "tpu.region"() ({
        %run_scoped3A = tpu.sem_alloc : memref<!tpu.dma_semaphore, #tpu.memory_space<semaphore_mem>>
        tpu.enqueue_dma source(%arg2 : memref<2049x128xf32, #tpu.memory_space<hbm>>) target(%arg6 : memref<2049x128xf32, #tpu.memory_space<vmem_shared>>) target_semaphore(%run_scoped3A : memref<!tpu.dma_semaphore, #tpu.memory_space<semaphore_mem>>)
        tpu.wait_dma2 semaphore(%run_scoped3A : memref<!tpu.dma_semaphore, #tpu.memory_space<semaphore_mem>>) src(%arg2 : memref<2049x128xf32, #tpu.memory_space<hbm>>) dst(%arg6 : memref<2049x128xf32, #tpu.memory_space<vmem_shared>>)
        tpu.yield
      }) : () -> ()
    } else {
    }
    %barrier3A = arith.constant 0 : index
    tpu.barrier barrier_id(%barrier3A)
    "tpu.region"() ({
      %run_scoped3A = tpu.sem_alloc : memref<!tpu.dma_semaphore, #tpu.memory_space<semaphore_mem>>
      %dma_start3A_67 = arith.constant 0 : i32
      %dma_start3A_68 = arith.constant 0 : i32
      %dma_start3A_69 = tpu.memref_slice %arg3[%add3A, %dma_start3A_67, %dma_start3A_68] : memref<32x4x128xi32, #tpu.memory_space<hbm>> -> memref<1x4x128xi32, #tpu.memory_space<hbm>>
      %dma_start3A_70 = tpu.memref_squeeze %dma_start3A_69 : memref<1x4x128xi32, #tpu.memory_space<hbm>> -> memref<4x128xi32, #tpu.memory_space<hbm>>
      %dma_start3A_71 = arith.constant 0 : i32
      %dma_start3A_72 = arith.constant 0 : i32
      %dma_start3A_73 = tpu.memref_slice %arg3[%add3A, %dma_start3A_71, %dma_start3A_72] : memref<32x4x128xi32, #tpu.memory_space<hbm>> -> memref<1x4x128xi32, #tpu.memory_space<hbm>>
      %dma_start3A_74 = tpu.memref_squeeze %dma_start3A_73 : memref<1x4x128xi32, #tpu.memory_space<hbm>> -> memref<4x128xi32, #tpu.memory_space<hbm>>
      tpu.enqueue_dma source(%dma_start3A_74 : memref<4x128xi32, #tpu.memory_space<hbm>>) target(%arg5 : memref<4x128xi32, #tpu.memory_space<vmem>>) target_semaphore(%run_scoped3A : memref<!tpu.dma_semaphore, #tpu.memory_space<semaphore_mem>>)
      %dma_wait3A_75 = arith.constant 0 : i32
      %dma_wait3A_76 = arith.constant 0 : i32
      %dma_wait3A_77 = tpu.memref_slice %arg3[%add3A, %dma_wait3A_75, %dma_wait3A_76] : memref<32x4x128xi32, #tpu.memory_space<hbm>> -> memref<1x4x128xi32, #tpu.memory_space<hbm>>
      %dma_wait3A_78 = tpu.memref_squeeze %dma_wait3A_77 : memref<1x4x128xi32, #tpu.memory_space<hbm>> -> memref<4x128xi32, #tpu.memory_space<hbm>>
      %dma_wait3A_79 = arith.constant 0 : i32
      %dma_wait3A_80 = arith.constant 0 : i32
      %dma_wait3A_81 = tpu.memref_slice %arg3[%add3A, %dma_wait3A_79, %dma_wait3A_80] : memref<32x4x128xi32, #tpu.memory_space<hbm>> -> memref<1x4x128xi32, #tpu.memory_space<hbm>>
      %dma_wait3A_82 = tpu.memref_squeeze %dma_wait3A_81 : memref<1x4x128xi32, #tpu.memory_space<hbm>> -> memref<4x128xi32, #tpu.memory_space<hbm>>
      tpu.wait_dma2 semaphore(%run_scoped3A : memref<!tpu.dma_semaphore, #tpu.memory_space<semaphore_mem>>) src(%dma_wait3A_82 : memref<4x128xi32, #tpu.memory_space<hbm>>) dst(%arg5 : memref<4x128xi32, #tpu.memory_space<vmem>>)
      tpu.yield
    }) : () -> ()
    %dma_start3A = arith.constant 0 : i32
    %dma_start3A_5 = arith.constant 0 : i32
    %dma_start3A_6 = tpu.memref_slice %arg5[%dma_start3A, %dma_start3A_5] : memref<4x128xi32, #tpu.memory_space<vmem>> -> memref<1x128xi32, #tpu.memory_space<vmem>>
    %dma_start3A_7 = tpu.memref_squeeze %dma_start3A_6 : memref<1x128xi32, #tpu.memory_space<vmem>> -> memref<128xi32, #tpu.memory_space<vmem>>
    %dma_start3A_8 = arith.constant 0 : i32
    %dma_start3A_9 = arith.constant 0 : i32
    %dma_start3A_10 = tpu.memref_slice %arg6[%dma_start3A_8, %dma_start3A_9] : memref<2049x128xf32, #tpu.memory_space<vmem_shared>> -> memref<2049x128xf32, #tpu.memory_space<vmem_shared>>
    tpu.enqueue_indirect_dma source(%dma_start3A_10 : memref<2049x128xf32, #tpu.memory_space<vmem_shared>>) target(%arg7 : memref<128x128xf32, #tpu.memory_space<vmem>>) offsets(%dma_start3A_7 : memref<128xi32, #tpu.memory_space<vmem>>) semaphore(%arg11 : memref<!tpu.dma_semaphore, #tpu.memory_space<semaphore_mem>>)
    %dma_start3A_11 = arith.constant 1 : i32
    %dma_start3A_12 = arith.constant 0 : i32
    %dma_start3A_13 = tpu.memref_slice %arg5[%dma_start3A_11, %dma_start3A_12] : memref<4x128xi32, #tpu.memory_space<vmem>> -> memref<1x128xi32, #tpu.memory_space<vmem>>
    %dma_start3A_14 = tpu.memref_squeeze %dma_start3A_13 : memref<1x128xi32, #tpu.memory_space<vmem>> -> memref<128xi32, #tpu.memory_space<vmem>>
    %dma_start3A_15 = arith.constant 0 : i32
    %dma_start3A_16 = arith.constant 0 : i32
    %dma_start3A_17 = tpu.memref_slice %arg6[%dma_start3A_15, %dma_start3A_16] : memref<2049x128xf32, #tpu.memory_space<vmem_shared>> -> memref<2049x128xf32, #tpu.memory_space<vmem_shared>>
    tpu.enqueue_indirect_dma source(%dma_start3A_17 : memref<2049x128xf32, #tpu.memory_space<vmem_shared>>) target(%arg8 : memref<128x128xf32, #tpu.memory_space<vmem>>) offsets(%dma_start3A_14 : memref<128xi32, #tpu.memory_space<vmem>>) semaphore(%arg12 : memref<!tpu.dma_semaphore, #tpu.memory_space<semaphore_mem>>)
    %dma_start3A_18 = arith.constant 2 : i32
    %dma_start3A_19 = arith.constant 0 : i32
    %dma_start3A_20 = tpu.memref_slice %arg5[%dma_start3A_18, %dma_start3A_19] : memref<4x128xi32, #tpu.memory_space<vmem>> -> memref<1x128xi32, #tpu.memory_space<vmem>>
    %dma_start3A_21 = tpu.memref_squeeze %dma_start3A_20 : memref<1x128xi32, #tpu.memory_space<vmem>> -> memref<128xi32, #tpu.memory_space<vmem>>
    %dma_start3A_22 = arith.constant 0 : i32
    %dma_start3A_23 = arith.constant 0 : i32
    %dma_start3A_24 = tpu.memref_slice %arg6[%dma_start3A_22, %dma_start3A_23] : memref<2049x128xf32, #tpu.memory_space<vmem_shared>> -> memref<2049x128xf32, #tpu.memory_space<vmem_shared>>
    tpu.enqueue_indirect_dma source(%dma_start3A_24 : memref<2049x128xf32, #tpu.memory_space<vmem_shared>>) target(%arg9 : memref<128x128xf32, #tpu.memory_space<vmem>>) offsets(%dma_start3A_21 : memref<128xi32, #tpu.memory_space<vmem>>) semaphore(%arg13 : memref<!tpu.dma_semaphore, #tpu.memory_space<semaphore_mem>>)
    %dma_start3A_25 = arith.constant 3 : i32
    %dma_start3A_26 = arith.constant 0 : i32
    %dma_start3A_27 = tpu.memref_slice %arg5[%dma_start3A_25, %dma_start3A_26] : memref<4x128xi32, #tpu.memory_space<vmem>> -> memref<1x128xi32, #tpu.memory_space<vmem>>
    %dma_start3A_28 = tpu.memref_squeeze %dma_start3A_27 : memref<1x128xi32, #tpu.memory_space<vmem>> -> memref<128xi32, #tpu.memory_space<vmem>>
    %dma_start3A_29 = arith.constant 0 : i32
    %dma_start3A_30 = arith.constant 0 : i32
    %dma_start3A_31 = tpu.memref_slice %arg6[%dma_start3A_29, %dma_start3A_30] : memref<2049x128xf32, #tpu.memory_space<vmem_shared>> -> memref<2049x128xf32, #tpu.memory_space<vmem_shared>>
    tpu.enqueue_indirect_dma source(%dma_start3A_31 : memref<2049x128xf32, #tpu.memory_space<vmem_shared>>) target(%arg10 : memref<128x128xf32, #tpu.memory_space<vmem>>) offsets(%dma_start3A_28 : memref<128xi32, #tpu.memory_space<vmem>>) semaphore(%arg14 : memref<!tpu.dma_semaphore, #tpu.memory_space<semaphore_mem>>)
    %dma_wait3A = arith.constant 0 : i32
    %dma_wait3A_32 = arith.constant 0 : i32
    %dma_wait3A_33 = tpu.memref_slice %arg5[%dma_wait3A, %dma_wait3A_32] : memref<4x128xi32, #tpu.memory_space<vmem>> -> memref<1x128xi32, #tpu.memory_space<vmem>>
    %dma_wait3A_34 = tpu.memref_squeeze %dma_wait3A_33 : memref<1x128xi32, #tpu.memory_space<vmem>> -> memref<128xi32, #tpu.memory_space<vmem>>
    %dma_wait3A_35 = arith.constant 0 : i32
    %dma_wait3A_36 = arith.constant 0 : i32
    %dma_wait3A_37 = tpu.memref_slice %arg6[%dma_wait3A_35, %dma_wait3A_36] : memref<2049x128xf32, #tpu.memory_space<vmem_shared>> -> memref<2049x128xf32, #tpu.memory_space<vmem_shared>>
    tpu.wait_indirect_dma semaphore(%arg11 : memref<!tpu.dma_semaphore, #tpu.memory_space<semaphore_mem>>) src(%dma_wait3A_37 : memref<2049x128xf32, #tpu.memory_space<vmem_shared>>) dst(%arg7 : memref<128x128xf32, #tpu.memory_space<vmem>>)
    %add3A_38 = arith.constant 0 : i32
    %add3A_39 = arith.addi %mul3A_2, %add3A_38 : i32
    "tpu.region"() ({
      %run_scoped3A = tpu.sem_alloc : memref<!tpu.dma_semaphore, #tpu.memory_space<semaphore_mem>>
      %dma_start3A_67 = arith.constant 0 : i32
      %dma_start3A_68 = tpu.memref_slice %arg4[%add3A_39, %dma_start3A_67] : memref<16384x128xf32, #tpu.memory_space<hbm>> -> memref<128x128xf32, #tpu.memory_space<hbm>>
      %dma_start3A_69 = arith.constant 0 : i32
      %dma_start3A_70 = tpu.memref_slice %arg4[%add3A_39, %dma_start3A_69] : memref<16384x128xf32, #tpu.memory_space<hbm>> -> memref<128x128xf32, #tpu.memory_space<hbm>>
      tpu.enqueue_dma source(%arg7 : memref<128x128xf32, #tpu.memory_space<vmem>>) target(%dma_start3A_70 : memref<128x128xf32, #tpu.memory_space<hbm>>) target_semaphore(%run_scoped3A : memref<!tpu.dma_semaphore, #tpu.memory_space<semaphore_mem>>)
      %dma_wait3A_71 = arith.constant 0 : i32
      %dma_wait3A_72 = tpu.memref_slice %arg4[%add3A_39, %dma_wait3A_71] : memref<16384x128xf32, #tpu.memory_space<hbm>> -> memref<128x128xf32, #tpu.memory_space<hbm>>
      %dma_wait3A_73 = arith.constant 0 : i32
      %dma_wait3A_74 = tpu.memref_slice %arg4[%add3A_39, %dma_wait3A_73] : memref<16384x128xf32, #tpu.memory_space<hbm>> -> memref<128x128xf32, #tpu.memory_space<hbm>>
      tpu.wait_dma2 semaphore(%run_scoped3A : memref<!tpu.dma_semaphore, #tpu.memory_space<semaphore_mem>>) src(%arg7 : memref<128x128xf32, #tpu.memory_space<vmem>>) dst(%dma_wait3A_74 : memref<128x128xf32, #tpu.memory_space<hbm>>)
      tpu.yield
    }) : () -> ()
    %dma_wait3A_40 = arith.constant 1 : i32
    %dma_wait3A_41 = arith.constant 0 : i32
    %dma_wait3A_42 = tpu.memref_slice %arg5[%dma_wait3A_40, %dma_wait3A_41] : memref<4x128xi32, #tpu.memory_space<vmem>> -> memref<1x128xi32, #tpu.memory_space<vmem>>
    %dma_wait3A_43 = tpu.memref_squeeze %dma_wait3A_42 : memref<1x128xi32, #tpu.memory_space<vmem>> -> memref<128xi32, #tpu.memory_space<vmem>>
    %dma_wait3A_44 = arith.constant 0 : i32
    %dma_wait3A_45 = arith.constant 0 : i32
    %dma_wait3A_46 = tpu.memref_slice %arg6[%dma_wait3A_44, %dma_wait3A_45] : memref<2049x128xf32, #tpu.memory_space<vmem_shared>> -> memref<2049x128xf32, #tpu.memory_space<vmem_shared>>
    tpu.wait_indirect_dma semaphore(%arg12 : memref<!tpu.dma_semaphore, #tpu.memory_space<semaphore_mem>>) src(%dma_wait3A_46 : memref<2049x128xf32, #tpu.memory_space<vmem_shared>>) dst(%arg8 : memref<128x128xf32, #tpu.memory_space<vmem>>)
    %add3A_47 = arith.constant 128 : i32
    %add3A_48 = arith.addi %mul3A_2, %add3A_47 : i32
    "tpu.region"() ({
      %run_scoped3A = tpu.sem_alloc : memref<!tpu.dma_semaphore, #tpu.memory_space<semaphore_mem>>
      %dma_start3A_67 = arith.constant 0 : i32
      %dma_start3A_68 = tpu.memref_slice %arg4[%add3A_48, %dma_start3A_67] : memref<16384x128xf32, #tpu.memory_space<hbm>> -> memref<128x128xf32, #tpu.memory_space<hbm>>
      %dma_start3A_69 = arith.constant 0 : i32
      %dma_start3A_70 = tpu.memref_slice %arg4[%add3A_48, %dma_start3A_69] : memref<16384x128xf32, #tpu.memory_space<hbm>> -> memref<128x128xf32, #tpu.memory_space<hbm>>
      tpu.enqueue_dma source(%arg8 : memref<128x128xf32, #tpu.memory_space<vmem>>) target(%dma_start3A_70 : memref<128x128xf32, #tpu.memory_space<hbm>>) target_semaphore(%run_scoped3A : memref<!tpu.dma_semaphore, #tpu.memory_space<semaphore_mem>>)
      %dma_wait3A_71 = arith.constant 0 : i32
      %dma_wait3A_72 = tpu.memref_slice %arg4[%add3A_48, %dma_wait3A_71] : memref<16384x128xf32, #tpu.memory_space<hbm>> -> memref<128x128xf32, #tpu.memory_space<hbm>>
      %dma_wait3A_73 = arith.constant 0 : i32
      %dma_wait3A_74 = tpu.memref_slice %arg4[%add3A_48, %dma_wait3A_73] : memref<16384x128xf32, #tpu.memory_space<hbm>> -> memref<128x128xf32, #tpu.memory_space<hbm>>
      tpu.wait_dma2 semaphore(%run_scoped3A : memref<!tpu.dma_semaphore, #tpu.memory_space<semaphore_mem>>) src(%arg8 : memref<128x128xf32, #tpu.memory_space<vmem>>) dst(%dma_wait3A_74 : memref<128x128xf32, #tpu.memory_space<hbm>>)
      tpu.yield
    }) : () -> ()
    %dma_wait3A_49 = arith.constant 2 : i32
    %dma_wait3A_50 = arith.constant 0 : i32
    %dma_wait3A_51 = tpu.memref_slice %arg5[%dma_wait3A_49, %dma_wait3A_50] : memref<4x128xi32, #tpu.memory_space<vmem>> -> memref<1x128xi32, #tpu.memory_space<vmem>>
    %dma_wait3A_52 = tpu.memref_squeeze %dma_wait3A_51 : memref<1x128xi32, #tpu.memory_space<vmem>> -> memref<128xi32, #tpu.memory_space<vmem>>
    %dma_wait3A_53 = arith.constant 0 : i32
    %dma_wait3A_54 = arith.constant 0 : i32
    %dma_wait3A_55 = tpu.memref_slice %arg6[%dma_wait3A_53, %dma_wait3A_54] : memref<2049x128xf32, #tpu.memory_space<vmem_shared>> -> memref<2049x128xf32, #tpu.memory_space<vmem_shared>>
    tpu.wait_indirect_dma semaphore(%arg13 : memref<!tpu.dma_semaphore, #tpu.memory_space<semaphore_mem>>) src(%dma_wait3A_55 : memref<2049x128xf32, #tpu.memory_space<vmem_shared>>) dst(%arg9 : memref<128x128xf32, #tpu.memory_space<vmem>>)
    %add3A_56 = arith.constant 256 : i32
    %add3A_57 = arith.addi %mul3A_2, %add3A_56 : i32
    "tpu.region"() ({
      %run_scoped3A = tpu.sem_alloc : memref<!tpu.dma_semaphore, #tpu.memory_space<semaphore_mem>>
      %dma_start3A_67 = arith.constant 0 : i32
      %dma_start3A_68 = tpu.memref_slice %arg4[%add3A_57, %dma_start3A_67] : memref<16384x128xf32, #tpu.memory_space<hbm>> -> memref<128x128xf32, #tpu.memory_space<hbm>>
      %dma_start3A_69 = arith.constant 0 : i32
      %dma_start3A_70 = tpu.memref_slice %arg4[%add3A_57, %dma_start3A_69] : memref<16384x128xf32, #tpu.memory_space<hbm>> -> memref<128x128xf32, #tpu.memory_space<hbm>>
      tpu.enqueue_dma source(%arg9 : memref<128x128xf32, #tpu.memory_space<vmem>>) target(%dma_start3A_70 : memref<128x128xf32, #tpu.memory_space<hbm>>) target_semaphore(%run_scoped3A : memref<!tpu.dma_semaphore, #tpu.memory_space<semaphore_mem>>)
      %dma_wait3A_71 = arith.constant 0 : i32
      %dma_wait3A_72 = tpu.memref_slice %arg4[%add3A_57, %dma_wait3A_71] : memref<16384x128xf32, #tpu.memory_space<hbm>> -> memref<128x128xf32, #tpu.memory_space<hbm>>
      %dma_wait3A_73 = arith.constant 0 : i32
      %dma_wait3A_74 = tpu.memref_slice %arg4[%add3A_57, %dma_wait3A_73] : memref<16384x128xf32, #tpu.memory_space<hbm>> -> memref<128x128xf32, #tpu.memory_space<hbm>>
      tpu.wait_dma2 semaphore(%run_scoped3A : memref<!tpu.dma_semaphore, #tpu.memory_space<semaphore_mem>>) src(%arg9 : memref<128x128xf32, #tpu.memory_space<vmem>>) dst(%dma_wait3A_74 : memref<128x128xf32, #tpu.memory_space<hbm>>)
      tpu.yield
    }) : () -> ()
    %dma_wait3A_58 = arith.constant 3 : i32
    %dma_wait3A_59 = arith.constant 0 : i32
    %dma_wait3A_60 = tpu.memref_slice %arg5[%dma_wait3A_58, %dma_wait3A_59] : memref<4x128xi32, #tpu.memory_space<vmem>> -> memref<1x128xi32, #tpu.memory_space<vmem>>
    %dma_wait3A_61 = tpu.memref_squeeze %dma_wait3A_60 : memref<1x128xi32, #tpu.memory_space<vmem>> -> memref<128xi32, #tpu.memory_space<vmem>>
    %dma_wait3A_62 = arith.constant 0 : i32
    %dma_wait3A_63 = arith.constant 0 : i32
    %dma_wait3A_64 = tpu.memref_slice %arg6[%dma_wait3A_62, %dma_wait3A_63] : memref<2049x128xf32, #tpu.memory_space<vmem_shared>> -> memref<2049x128xf32, #tpu.memory_space<vmem_shared>>
    tpu.wait_indirect_dma semaphore(%arg14 : memref<!tpu.dma_semaphore, #tpu.memory_space<semaphore_mem>>) src(%dma_wait3A_64 : memref<2049x128xf32, #tpu.memory_space<vmem_shared>>) dst(%arg10 : memref<128x128xf32, #tpu.memory_space<vmem>>)
    %add3A_65 = arith.constant 384 : i32
    %add3A_66 = arith.addi %mul3A_2, %add3A_65 : i32
    "tpu.region"() ({
      %run_scoped3A = tpu.sem_alloc : memref<!tpu.dma_semaphore, #tpu.memory_space<semaphore_mem>>
      %dma_start3A_67 = arith.constant 0 : i32
      %dma_start3A_68 = tpu.memref_slice %arg4[%add3A_66, %dma_start3A_67] : memref<16384x128xf32, #tpu.memory_space<hbm>> -> memref<128x128xf32, #tpu.memory_space<hbm>>
      %dma_start3A_69 = arith.constant 0 : i32
      %dma_start3A_70 = tpu.memref_slice %arg4[%add3A_66, %dma_start3A_69] : memref<16384x128xf32, #tpu.memory_space<hbm>> -> memref<128x128xf32, #tpu.memory_space<hbm>>
      tpu.enqueue_dma source(%arg10 : memref<128x128xf32, #tpu.memory_space<vmem>>) target(%dma_start3A_70 : memref<128x128xf32, #tpu.memory_space<hbm>>) target_semaphore(%run_scoped3A : memref<!tpu.dma_semaphore, #tpu.memory_space<semaphore_mem>>)
      %dma_wait3A_71 = arith.constant 0 : i32
      %dma_wait3A_72 = tpu.memref_slice %arg4[%add3A_66, %dma_wait3A_71] : memref<16384x128xf32, #tpu.memory_space<hbm>> -> memref<128x128xf32, #tpu.memory_space<hbm>>
      %dma_wait3A_73 = arith.constant 0 : i32
      %dma_wait3A_74 = tpu.memref_slice %arg4[%add3A_66, %dma_wait3A_73] : memref<16384x128xf32, #tpu.memory_space<hbm>> -> memref<128x128xf32, #tpu.memory_space<hbm>>
      tpu.wait_dma2 semaphore(%run_scoped3A : memref<!tpu.dma_semaphore, #tpu.memory_space<semaphore_mem>>) src(%arg10 : memref<128x128xf32, #tpu.memory_space<vmem>>) dst(%dma_wait3A_74 : memref<128x128xf32, #tpu.memory_space<hbm>>)
      tpu.yield
    }) : () -> ()
    return
  }
}

#map = affine_map<(d0, d1) -> (0, 0)>
#map1 = affine_map<(d0, d1) -> (0, 0, 0)>
module attributes {stable_mosaic.version = 14 : i64} {
  func.func @gk(%arg0: i32, %arg1: i32, %arg2: memref<2049x128xf32, #tpu.memory_space<hbm>>, %arg3: memref<32x4x128xi32, #tpu.memory_space<hbm>>, %arg4: memref<16384x128xf32, #tpu.memory_space<hbm>>, %arg5: memref<4x128xi32, #tpu.memory_space<vmem>>, %arg6: memref<2049x128xf32, #tpu.memory_space<vmem_shared>>, %arg7: memref<128x128xf32, #tpu.memory_space<vmem>>, %arg8: memref<128x128xf32, #tpu.memory_space<vmem>>, %arg9: memref<128x128xf32, #tpu.memory_space<vmem>>, %arg10: memref<128x128xf32, #tpu.memory_space<vmem>>, %arg11: memref<!tpu.dma_semaphore, #tpu.memory_space<semaphore_mem>>, %arg12: memref<!tpu.dma_semaphore, #tpu.memory_space<semaphore_mem>>, %arg13: memref<!tpu.dma_semaphore, #tpu.memory_space<semaphore_mem>>, %arg14: memref<!tpu.dma_semaphore, #tpu.memory_space<semaphore_mem>>) attributes {dimension_semantics = [#tpu.dimension_semantics<core_parallel>, #tpu.dimension_semantics<subcore_parallel>], iteration_bounds = array<i64: 2, 16>, scalar_prefetch = 0 : i64, scratch_operands = 10 : i64, tpu.core_type = #tpu.core_type<sc_vector_subcore>, window_params = [{transform_indices = #map}, {transform_indices = #map1}, {transform_indices = #map}]} {
    %mul3A = arith.constant 2 : i32
    %mul3A_0 = arith.muli %arg1, %mul3A : i32
    %add3A = arith.addi %mul3A_0, %arg0 : i32
    %mul3A_1 = arith.constant 512 : i32
    %mul3A_2 = arith.muli %add3A, %mul3A_1 : i32
    %eq3A = arith.constant 0 : i32
    %eq3A_3 = arith.cmpi eq, %arg1, %eq3A : i32
    %convert_element_type3A = arith.extui %eq3A_3 : i1 to i32
    %cond3A = arith.constant 0 : i32
    %cond3A_4 = arith.cmpi ne, %convert_element_type3A, %cond3A : i32
    scf.if %cond3A_4 {
      "tpu.region"() ({
        %run_scoped3A = tpu.sem_alloc : memref<!tpu.dma_semaphore, #tpu.memory_space<semaphore_mem>>
        tpu.enqueue_dma source(%arg2 : memref<2049x128xf32, #tpu.memory_space<hbm>>) target(%arg6 : memref<2049x128xf32, #tpu.memory_space<vmem_shared>>) target_semaphore(%run_scoped3A : memref<!tpu.dma_semaphore, #tpu.memory_space<semaphore_mem>>)
        tpu.wait_dma2 semaphore(%run_scoped3A : memref<!tpu.dma_semaphore, #tpu.memory_space<semaphore_mem>>) src(%arg2 : memref<2049x128xf32, #tpu.memory_space<hbm>>) dst(%arg6 : memref<2049x128xf32, #tpu.memory_space<vmem_shared>>)
        tpu.yield
      }) : () -> ()
    } else {
    }
    %barrier3A = arith.constant 0 : index
    tpu.barrier barrier_id(%barrier3A)
    "tpu.region"() ({
      %run_scoped3A = tpu.sem_alloc : memref<!tpu.dma_semaphore, #tpu.memory_space<semaphore_mem>>
      %dma_start3A_67 = arith.constant 0 : i32
      %dma_start3A_68 = arith.constant 0 : i32
      %dma_start3A_69 = tpu.memref_slice %arg3[%add3A, %dma_start3A_67, %dma_start3A_68] : memref<32x4x128xi32, #tpu.memory_space<hbm>> -> memref<1x4x128xi32, #tpu.memory_space<hbm>>
      %dma_start3A_70 = tpu.memref_squeeze %dma_start3A_69 : memref<1x4x128xi32, #tpu.memory_space<hbm>> -> memref<4x128xi32, #tpu.memory_space<hbm>>
      %dma_start3A_71 = arith.constant 0 : i32
      %dma_start3A_72 = arith.constant 0 : i32
      %dma_start3A_73 = tpu.memref_slice %arg3[%add3A, %dma_start3A_71, %dma_start3A_72] : memref<32x4x128xi32, #tpu.memory_space<hbm>> -> memref<1x4x128xi32, #tpu.memory_space<hbm>>
      %dma_start3A_74 = tpu.memref_squeeze %dma_start3A_73 : memref<1x4x128xi32, #tpu.memory_space<hbm>> -> memref<4x128xi32, #tpu.memory_space<hbm>>
      tpu.enqueue_dma source(%dma_start3A_74 : memref<4x128xi32, #tpu.memory_space<hbm>>) target(%arg5 : memref<4x128xi32, #tpu.memory_space<vmem>>) target_semaphore(%run_scoped3A : memref<!tpu.dma_semaphore, #tpu.memory_space<semaphore_mem>>)
      %dma_wait3A_75 = arith.constant 0 : i32
      %dma_wait3A_76 = arith.constant 0 : i32
      %dma_wait3A_77 = tpu.memref_slice %arg3[%add3A, %dma_wait3A_75, %dma_wait3A_76] : memref<32x4x128xi32, #tpu.memory_space<hbm>> -> memref<1x4x128xi32, #tpu.memory_space<hbm>>
      %dma_wait3A_78 = tpu.memref_squeeze %dma_wait3A_77 : memref<1x4x128xi32, #tpu.memory_space<hbm>> -> memref<4x128xi32, #tpu.memory_space<hbm>>
      %dma_wait3A_79 = arith.constant 0 : i32
      %dma_wait3A_80 = arith.constant 0 : i32
      %dma_wait3A_81 = tpu.memref_slice %arg3[%add3A, %dma_wait3A_79, %dma_wait3A_80] : memref<32x4x128xi32, #tpu.memory_space<hbm>> -> memref<1x4x128xi32, #tpu.memory_space<hbm>>
      %dma_wait3A_82 = tpu.memref_squeeze %dma_wait3A_81 : memref<1x4x128xi32, #tpu.memory_space<hbm>> -> memref<4x128xi32, #tpu.memory_space<hbm>>
      tpu.wait_dma2 semaphore(%run_scoped3A : memref<!tpu.dma_semaphore, #tpu.memory_space<semaphore_mem>>) src(%dma_wait3A_82 : memref<4x128xi32, #tpu.memory_space<hbm>>) dst(%arg5 : memref<4x128xi32, #tpu.memory_space<vmem>>)
      tpu.yield
    }) : () -> ()
    %dma_start3A = arith.constant 0 : i32
    %dma_start3A_5 = arith.constant 0 : i32
    %dma_start3A_6 = tpu.memref_slice %arg5[%dma_start3A, %dma_start3A_5] : memref<4x128xi32, #tpu.memory_space<vmem>> -> memref<1x128xi32, #tpu.memory_space<vmem>>
    %dma_start3A_7 = tpu.memref_squeeze %dma_start3A_6 : memref<1x128xi32, #tpu.memory_space<vmem>> -> memref<128xi32, #tpu.memory_space<vmem>>
    %dma_start3A_8 = arith.constant 0 : i32
    %dma_start3A_9 = arith.constant 0 : i32
    %dma_start3A_10 = tpu.memref_slice %arg6[%dma_start3A_8, %dma_start3A_9] : memref<2049x128xf32, #tpu.memory_space<vmem_shared>> -> memref<2049x128xf32, #tpu.memory_space<vmem_shared>>
    tpu.enqueue_indirect_dma source(%dma_start3A_10 : memref<2049x128xf32, #tpu.memory_space<vmem_shared>>) target(%arg7 : memref<128x128xf32, #tpu.memory_space<vmem>>) offsets(%dma_start3A_7 : memref<128xi32, #tpu.memory_space<vmem>>) semaphore(%arg11 : memref<!tpu.dma_semaphore, #tpu.memory_space<semaphore_mem>>)
    %dma_start3A_11 = arith.constant 1 : i32
    %dma_start3A_12 = arith.constant 0 : i32
    %dma_start3A_13 = tpu.memref_slice %arg5[%dma_start3A_11, %dma_start3A_12] : memref<4x128xi32, #tpu.memory_space<vmem>> -> memref<1x128xi32, #tpu.memory_space<vmem>>
    %dma_start3A_14 = tpu.memref_squeeze %dma_start3A_13 : memref<1x128xi32, #tpu.memory_space<vmem>> -> memref<128xi32, #tpu.memory_space<vmem>>
    %dma_start3A_15 = arith.constant 0 : i32
    %dma_start3A_16 = arith.constant 0 : i32
    %dma_start3A_17 = tpu.memref_slice %arg6[%dma_start3A_15, %dma_start3A_16] : memref<2049x128xf32, #tpu.memory_space<vmem_shared>> -> memref<2049x128xf32, #tpu.memory_space<vmem_shared>>
    tpu.enqueue_indirect_dma source(%dma_start3A_17 : memref<2049x128xf32, #tpu.memory_space<vmem_shared>>) target(%arg8 : memref<128x128xf32, #tpu.memory_space<vmem>>) offsets(%dma_start3A_14 : memref<128xi32, #tpu.memory_space<vmem>>) semaphore(%arg12 : memref<!tpu.dma_semaphore, #tpu.memory_space<semaphore_mem>>)
    %dma_start3A_18 = arith.constant 2 : i32
    %dma_start3A_19 = arith.constant 0 : i32
    %dma_start3A_20 = tpu.memref_slice %arg5[%dma_start3A_18, %dma_start3A_19] : memref<4x128xi32, #tpu.memory_space<vmem>> -> memref<1x128xi32, #tpu.memory_space<vmem>>
    %dma_start3A_21 = tpu.memref_squeeze %dma_start3A_20 : memref<1x128xi32, #tpu.memory_space<vmem>> -> memref<128xi32, #tpu.memory_space<vmem>>
    %dma_start3A_22 = arith.constant 0 : i32
    %dma_start3A_23 = arith.constant 0 : i32
    %dma_start3A_24 = tpu.memref_slice %arg6[%dma_start3A_22, %dma_start3A_23] : memref<2049x128xf32, #tpu.memory_space<vmem_shared>> -> memref<2049x128xf32, #tpu.memory_space<vmem_shared>>
    tpu.enqueue_indirect_dma source(%dma_start3A_24 : memref<2049x128xf32, #tpu.memory_space<vmem_shared>>) target(%arg9 : memref<128x128xf32, #tpu.memory_space<vmem>>) offsets(%dma_start3A_21 : memref<128xi32, #tpu.memory_space<vmem>>) semaphore(%arg13 : memref<!tpu.dma_semaphore, #tpu.memory_space<semaphore_mem>>)
    %dma_start3A_25 = arith.constant 3 : i32
    %dma_start3A_26 = arith.constant 0 : i32
    %dma_start3A_27 = tpu.memref_slice %arg5[%dma_start3A_25, %dma_start3A_26] : memref<4x128xi32, #tpu.memory_space<vmem>> -> memref<1x128xi32, #tpu.memory_space<vmem>>
    %dma_start3A_28 = tpu.memref_squeeze %dma_start3A_27 : memref<1x128xi32, #tpu.memory_space<vmem>> -> memref<128xi32, #tpu.memory_space<vmem>>
    %dma_start3A_29 = arith.constant 0 : i32
    %dma_start3A_30 = arith.constant 0 : i32
    %dma_start3A_31 = tpu.memref_slice %arg6[%dma_start3A_29, %dma_start3A_30] : memref<2049x128xf32, #tpu.memory_space<vmem_shared>> -> memref<2049x128xf32, #tpu.memory_space<vmem_shared>>
    tpu.enqueue_indirect_dma source(%dma_start3A_31 : memref<2049x128xf32, #tpu.memory_space<vmem_shared>>) target(%arg10 : memref<128x128xf32, #tpu.memory_space<vmem>>) offsets(%dma_start3A_28 : memref<128xi32, #tpu.memory_space<vmem>>) semaphore(%arg14 : memref<!tpu.dma_semaphore, #tpu.memory_space<semaphore_mem>>)
    %dma_wait3A = arith.constant 0 : i32
    %dma_wait3A_32 = arith.constant 0 : i32
    %dma_wait3A_33 = tpu.memref_slice %arg5[%dma_wait3A, %dma_wait3A_32] : memref<4x128xi32, #tpu.memory_space<vmem>> -> memref<1x128xi32, #tpu.memory_space<vmem>>
    %dma_wait3A_34 = tpu.memref_squeeze %dma_wait3A_33 : memref<1x128xi32, #tpu.memory_space<vmem>> -> memref<128xi32, #tpu.memory_space<vmem>>
    %dma_wait3A_35 = arith.constant 0 : i32
    %dma_wait3A_36 = arith.constant 0 : i32
    %dma_wait3A_37 = tpu.memref_slice %arg6[%dma_wait3A_35, %dma_wait3A_36] : memref<2049x128xf32, #tpu.memory_space<vmem_shared>> -> memref<2049x128xf32, #tpu.memory_space<vmem_shared>>
    tpu.wait_indirect_dma semaphore(%arg11 : memref<!tpu.dma_semaphore, #tpu.memory_space<semaphore_mem>>) src(%dma_wait3A_37 : memref<2049x128xf32, #tpu.memory_space<vmem_shared>>) dst(%arg7 : memref<128x128xf32, #tpu.memory_space<vmem>>)
    %add3A_38 = arith.constant 0 : i32
    %add3A_39 = arith.addi %mul3A_2, %add3A_38 : i32
    "tpu.region"() ({
      %run_scoped3A = tpu.sem_alloc : memref<!tpu.dma_semaphore, #tpu.memory_space<semaphore_mem>>
      %dma_start3A_67 = arith.constant 0 : i32
      %dma_start3A_68 = tpu.memref_slice %arg4[%add3A_39, %dma_start3A_67] : memref<16384x128xf32, #tpu.memory_space<hbm>> -> memref<128x128xf32, #tpu.memory_space<hbm>>
      %dma_start3A_69 = arith.constant 0 : i32
      %dma_start3A_70 = tpu.memref_slice %arg4[%add3A_39, %dma_start3A_69] : memref<16384x128xf32, #tpu.memory_space<hbm>> -> memref<128x128xf32, #tpu.memory_space<hbm>>
      tpu.enqueue_dma source(%arg7 : memref<128x128xf32, #tpu.memory_space<vmem>>) target(%dma_start3A_70 : memref<128x128xf32, #tpu.memory_space<hbm>>) target_semaphore(%run_scoped3A : memref<!tpu.dma_semaphore, #tpu.memory_space<semaphore_mem>>)
      %dma_wait3A_71 = arith.constant 0 : i32
      %dma_wait3A_72 = tpu.memref_slice %arg4[%add3A_39, %dma_wait3A_71] : memref<16384x128xf32, #tpu.memory_space<hbm>> -> memref<128x128xf32, #tpu.memory_space<hbm>>
      %dma_wait3A_73 = arith.constant 0 : i32
      %dma_wait3A_74 = tpu.memref_slice %arg4[%add3A_39, %dma_wait3A_73] : memref<16384x128xf32, #tpu.memory_space<hbm>> -> memref<128x128xf32, #tpu.memory_space<hbm>>
      tpu.wait_dma2 semaphore(%run_scoped3A : memref<!tpu.dma_semaphore, #tpu.memory_space<semaphore_mem>>) src(%arg7 : memref<128x128xf32, #tpu.memory_space<vmem>>) dst(%dma_wait3A_74 : memref<128x128xf32, #tpu.memory_space<hbm>>)
      tpu.yield
    }) : () -> ()
    %dma_wait3A_40 = arith.constant 1 : i32
    %dma_wait3A_41 = arith.constant 0 : i32
    %dma_wait3A_42 = tpu.memref_slice %arg5[%dma_wait3A_40, %dma_wait3A_41] : memref<4x128xi32, #tpu.memory_space<vmem>> -> memref<1x128xi32, #tpu.memory_space<vmem>>
    %dma_wait3A_43 = tpu.memref_squeeze %dma_wait3A_42 : memref<1x128xi32, #tpu.memory_space<vmem>> -> memref<128xi32, #tpu.memory_space<vmem>>
    %dma_wait3A_44 = arith.constant 0 : i32
    %dma_wait3A_45 = arith.constant 0 : i32
    %dma_wait3A_46 = tpu.memref_slice %arg6[%dma_wait3A_44, %dma_wait3A_45] : memref<2049x128xf32, #tpu.memory_space<vmem_shared>> -> memref<2049x128xf32, #tpu.memory_space<vmem_shared>>
    tpu.wait_indirect_dma semaphore(%arg12 : memref<!tpu.dma_semaphore, #tpu.memory_space<semaphore_mem>>) src(%dma_wait3A_46 : memref<2049x128xf32, #tpu.memory_space<vmem_shared>>) dst(%arg8 : memref<128x128xf32, #tpu.memory_space<vmem>>)
    %add3A_47 = arith.constant 128 : i32
    %add3A_48 = arith.addi %mul3A_2, %add3A_47 : i32
    "tpu.region"() ({
      %run_scoped3A = tpu.sem_alloc : memref<!tpu.dma_semaphore, #tpu.memory_space<semaphore_mem>>
      %dma_start3A_67 = arith.constant 0 : i32
      %dma_start3A_68 = tpu.memref_slice %arg4[%add3A_48, %dma_start3A_67] : memref<16384x128xf32, #tpu.memory_space<hbm>> -> memref<128x128xf32, #tpu.memory_space<hbm>>
      %dma_start3A_69 = arith.constant 0 : i32
      %dma_start3A_70 = tpu.memref_slice %arg4[%add3A_48, %dma_start3A_69] : memref<16384x128xf32, #tpu.memory_space<hbm>> -> memref<128x128xf32, #tpu.memory_space<hbm>>
      tpu.enqueue_dma source(%arg8 : memref<128x128xf32, #tpu.memory_space<vmem>>) target(%dma_start3A_70 : memref<128x128xf32, #tpu.memory_space<hbm>>) target_semaphore(%run_scoped3A : memref<!tpu.dma_semaphore, #tpu.memory_space<semaphore_mem>>)
      %dma_wait3A_71 = arith.constant 0 : i32
      %dma_wait3A_72 = tpu.memref_slice %arg4[%add3A_48, %dma_wait3A_71] : memref<16384x128xf32, #tpu.memory_space<hbm>> -> memref<128x128xf32, #tpu.memory_space<hbm>>
      %dma_wait3A_73 = arith.constant 0 : i32
      %dma_wait3A_74 = tpu.memref_slice %arg4[%add3A_48, %dma_wait3A_73] : memref<16384x128xf32, #tpu.memory_space<hbm>> -> memref<128x128xf32, #tpu.memory_space<hbm>>
      tpu.wait_dma2 semaphore(%run_scoped3A : memref<!tpu.dma_semaphore, #tpu.memory_space<semaphore_mem>>) src(%arg8 : memref<128x128xf32, #tpu.memory_space<vmem>>) dst(%dma_wait3A_74 : memref<128x128xf32, #tpu.memory_space<hbm>>)
      tpu.yield
    }) : () -> ()
    %dma_wait3A_49 = arith.constant 2 : i32
    %dma_wait3A_50 = arith.constant 0 : i32
    %dma_wait3A_51 = tpu.memref_slice %arg5[%dma_wait3A_49, %dma_wait3A_50] : memref<4x128xi32, #tpu.memory_space<vmem>> -> memref<1x128xi32, #tpu.memory_space<vmem>>
    %dma_wait3A_52 = tpu.memref_squeeze %dma_wait3A_51 : memref<1x128xi32, #tpu.memory_space<vmem>> -> memref<128xi32, #tpu.memory_space<vmem>>
    %dma_wait3A_53 = arith.constant 0 : i32
    %dma_wait3A_54 = arith.constant 0 : i32
    %dma_wait3A_55 = tpu.memref_slice %arg6[%dma_wait3A_53, %dma_wait3A_54] : memref<2049x128xf32, #tpu.memory_space<vmem_shared>> -> memref<2049x128xf32, #tpu.memory_space<vmem_shared>>
    tpu.wait_indirect_dma semaphore(%arg13 : memref<!tpu.dma_semaphore, #tpu.memory_space<semaphore_mem>>) src(%dma_wait3A_55 : memref<2049x128xf32, #tpu.memory_space<vmem_shared>>) dst(%arg9 : memref<128x128xf32, #tpu.memory_space<vmem>>)
    %add3A_56 = arith.constant 256 : i32
    %add3A_57 = arith.addi %mul3A_2, %add3A_56 : i32
    "tpu.region"() ({
      %run_scoped3A = tpu.sem_alloc : memref<!tpu.dma_semaphore, #tpu.memory_space<semaphore_mem>>
      %dma_start3A_67 = arith.constant 0 : i32
      %dma_start3A_68 = tpu.memref_slice %arg4[%add3A_57, %dma_start3A_67] : memref<16384x128xf32, #tpu.memory_space<hbm>> -> memref<128x128xf32, #tpu.memory_space<hbm>>
      %dma_start3A_69 = arith.constant 0 : i32
      %dma_start3A_70 = tpu.memref_slice %arg4[%add3A_57, %dma_start3A_69] : memref<16384x128xf32, #tpu.memory_space<hbm>> -> memref<128x128xf32, #tpu.memory_space<hbm>>
      tpu.enqueue_dma source(%arg9 : memref<128x128xf32, #tpu.memory_space<vmem>>) target(%dma_start3A_70 : memref<128x128xf32, #tpu.memory_space<hbm>>) target_semaphore(%run_scoped3A : memref<!tpu.dma_semaphore, #tpu.memory_space<semaphore_mem>>)
      %dma_wait3A_71 = arith.constant 0 : i32
      %dma_wait3A_72 = tpu.memref_slice %arg4[%add3A_57, %dma_wait3A_71] : memref<16384x128xf32, #tpu.memory_space<hbm>> -> memref<128x128xf32, #tpu.memory_space<hbm>>
      %dma_wait3A_73 = arith.constant 0 : i32
      %dma_wait3A_74 = tpu.memref_slice %arg4[%add3A_57, %dma_wait3A_73] : memref<16384x128xf32, #tpu.memory_space<hbm>> -> memref<128x128xf32, #tpu.memory_space<hbm>>
      tpu.wait_dma2 semaphore(%run_scoped3A : memref<!tpu.dma_semaphore, #tpu.memory_space<semaphore_mem>>) src(%arg9 : memref<128x128xf32, #tpu.memory_space<vmem>>) dst(%dma_wait3A_74 : memref<128x128xf32, #tpu.memory_space<hbm>>)
      tpu.yield
    }) : () -> ()
    %dma_wait3A_58 = arith.constant 3 : i32
    %dma_wait3A_59 = arith.constant 0 : i32
    %dma_wait3A_60 = tpu.memref_slice %arg5[%dma_wait3A_58, %dma_wait3A_59] : memref<4x128xi32, #tpu.memory_space<vmem>> -> memref<1x128xi32, #tpu.memory_space<vmem>>
    %dma_wait3A_61 = tpu.memref_squeeze %dma_wait3A_60 : memref<1x128xi32, #tpu.memory_space<vmem>> -> memref<128xi32, #tpu.memory_space<vmem>>
    %dma_wait3A_62 = arith.constant 0 : i32
    %dma_wait3A_63 = arith.constant 0 : i32
    %dma_wait3A_64 = tpu.memref_slice %arg6[%dma_wait3A_62, %dma_wait3A_63] : memref<2049x128xf32, #tpu.memory_space<vmem_shared>> -> memref<2049x128xf32, #tpu.memory_space<vmem_shared>>
    tpu.wait_indirect_dma semaphore(%arg14 : memref<!tpu.dma_semaphore, #tpu.memory_space<semaphore_mem>>) src(%dma_wait3A_64 : memref<2049x128xf32, #tpu.memory_space<vmem_shared>>) dst(%arg10 : memref<128x128xf32, #tpu.memory_space<vmem>>)
    %add3A_65 = arith.constant 384 : i32
    %add3A_66 = arith.addi %mul3A_2, %add3A_65 : i32
    "tpu.region"() ({
      %run_scoped3A = tpu.sem_alloc : memref<!tpu.dma_semaphore, #tpu.memory_space<semaphore_mem>>
      %dma_start3A_67 = arith.constant 0 : i32
      %dma_start3A_68 = tpu.memref_slice %arg4[%add3A_66, %dma_start3A_67] : memref<16384x128xf32, #tpu.memory_space<hbm>> -> memref<128x128xf32, #tpu.memory_space<hbm>>
      %dma_start3A_69 = arith.constant 0 : i32
      %dma_start3A_70 = tpu.memref_slice %arg4[%add3A_66, %dma_start3A_69] : memref<16384x128xf32, #tpu.memory_space<hbm>> -> memref<128x128xf32, #tpu.memory_space<hbm>>
      tpu.enqueue_dma source(%arg10 : memref<128x128xf32, #tpu.memory_space<vmem>>) target(%dma_start3A_70 : memref<128x128xf32, #tpu.memory_space<hbm>>) target_semaphore(%run_scoped3A : memref<!tpu.dma_semaphore, #tpu.memory_space<semaphore_mem>>)
      %dma_wait3A_71 = arith.constant 0 : i32
      %dma_wait3A_72 = tpu.memref_slice %arg4[%add3A_66, %dma_wait3A_71] : memref<16384x128xf32, #tpu.memory_space<hbm>> -> memref<128x128xf32, #tpu.memory_space<hbm>>
      %dma_wait3A_73 = arith.constant 0 : i32
      %dma_wait3A_74 = tpu.memref_slice %arg4[%add3A_66, %dma_wait3A_73] : memref<16384x128xf32, #tpu.memory_space<hbm>> -> memref<128x128xf32, #tpu.memory_space<hbm>>
      tpu.wait_dma2 semaphore(%run_scoped3A : memref<!tpu.dma_semaphore, #tpu.memory_space<semaphore_mem>>) src(%arg10 : memref<128x128xf32, #tpu.memory_space<vmem>>) dst(%dma_wait3A_74 : memref<128x128xf32, #tpu.memory_space<hbm>>)
      tpu.yield
    }) : () -> ()
    return
  }
}

#map = affine_map<(d0, d1) -> (0, 0)>
#map1 = affine_map<(d0, d1) -> (0, 0, 0)>
module attributes {stable_mosaic.version = 14 : i64} {
  func.func @gk(%arg0: i32, %arg1: i32, %arg2: memref<2049x128xf32, #tpu.memory_space<hbm>>, %arg3: memref<32x4x128xi32, #tpu.memory_space<hbm>>, %arg4: memref<16384x128xf32, #tpu.memory_space<hbm>>, %arg5: memref<4x128xi32, #tpu.memory_space<vmem>>, %arg6: memref<2049x128xf32, #tpu.memory_space<vmem_shared>>, %arg7: memref<128x128xf32, #tpu.memory_space<vmem>>, %arg8: memref<128x128xf32, #tpu.memory_space<vmem>>, %arg9: memref<128x128xf32, #tpu.memory_space<vmem>>, %arg10: memref<128x128xf32, #tpu.memory_space<vmem>>, %arg11: memref<!tpu.dma_semaphore, #tpu.memory_space<semaphore_mem>>, %arg12: memref<!tpu.dma_semaphore, #tpu.memory_space<semaphore_mem>>, %arg13: memref<!tpu.dma_semaphore, #tpu.memory_space<semaphore_mem>>, %arg14: memref<!tpu.dma_semaphore, #tpu.memory_space<semaphore_mem>>) attributes {dimension_semantics = [#tpu.dimension_semantics<core_parallel>, #tpu.dimension_semantics<subcore_parallel>], iteration_bounds = array<i64: 2, 16>, scalar_prefetch = 0 : i64, scratch_operands = 10 : i64, tpu.core_type = #tpu.core_type<sc_vector_subcore>, window_params = [{transform_indices = #map}, {transform_indices = #map1}, {transform_indices = #map}]} {
    %mul3A = arith.constant 2 : i32
    %mul3A_0 = arith.muli %arg1, %mul3A : i32
    %add3A = arith.addi %mul3A_0, %arg0 : i32
    %mul3A_1 = arith.constant 512 : i32
    %mul3A_2 = arith.muli %add3A, %mul3A_1 : i32
    %eq3A = arith.constant 0 : i32
    %eq3A_3 = arith.cmpi eq, %arg1, %eq3A : i32
    %convert_element_type3A = arith.extui %eq3A_3 : i1 to i32
    %cond3A = arith.constant 0 : i32
    %cond3A_4 = arith.cmpi ne, %convert_element_type3A, %cond3A : i32
    scf.if %cond3A_4 {
      "tpu.region"() ({
        %run_scoped3A = tpu.sem_alloc : memref<!tpu.dma_semaphore, #tpu.memory_space<semaphore_mem>>
        tpu.enqueue_dma source(%arg2 : memref<2049x128xf32, #tpu.memory_space<hbm>>) target(%arg6 : memref<2049x128xf32, #tpu.memory_space<vmem_shared>>) target_semaphore(%run_scoped3A : memref<!tpu.dma_semaphore, #tpu.memory_space<semaphore_mem>>)
        tpu.wait_dma2 semaphore(%run_scoped3A : memref<!tpu.dma_semaphore, #tpu.memory_space<semaphore_mem>>) src(%arg2 : memref<2049x128xf32, #tpu.memory_space<hbm>>) dst(%arg6 : memref<2049x128xf32, #tpu.memory_space<vmem_shared>>)
        tpu.yield
      }) : () -> ()
    } else {
    }
    %barrier3A = arith.constant 0 : index
    tpu.barrier barrier_id(%barrier3A)
    "tpu.region"() ({
      %run_scoped3A = tpu.sem_alloc : memref<!tpu.dma_semaphore, #tpu.memory_space<semaphore_mem>>
      %dma_start3A_67 = arith.constant 0 : i32
      %dma_start3A_68 = arith.constant 0 : i32
      %dma_start3A_69 = tpu.memref_slice %arg3[%add3A, %dma_start3A_67, %dma_start3A_68] : memref<32x4x128xi32, #tpu.memory_space<hbm>> -> memref<1x4x128xi32, #tpu.memory_space<hbm>>
      %dma_start3A_70 = tpu.memref_squeeze %dma_start3A_69 : memref<1x4x128xi32, #tpu.memory_space<hbm>> -> memref<4x128xi32, #tpu.memory_space<hbm>>
      %dma_start3A_71 = arith.constant 0 : i32
      %dma_start3A_72 = arith.constant 0 : i32
      %dma_start3A_73 = tpu.memref_slice %arg3[%add3A, %dma_start3A_71, %dma_start3A_72] : memref<32x4x128xi32, #tpu.memory_space<hbm>> -> memref<1x4x128xi32, #tpu.memory_space<hbm>>
      %dma_start3A_74 = tpu.memref_squeeze %dma_start3A_73 : memref<1x4x128xi32, #tpu.memory_space<hbm>> -> memref<4x128xi32, #tpu.memory_space<hbm>>
      tpu.enqueue_dma source(%dma_start3A_74 : memref<4x128xi32, #tpu.memory_space<hbm>>) target(%arg5 : memref<4x128xi32, #tpu.memory_space<vmem>>) target_semaphore(%run_scoped3A : memref<!tpu.dma_semaphore, #tpu.memory_space<semaphore_mem>>)
      %dma_wait3A_75 = arith.constant 0 : i32
      %dma_wait3A_76 = arith.constant 0 : i32
      %dma_wait3A_77 = tpu.memref_slice %arg3[%add3A, %dma_wait3A_75, %dma_wait3A_76] : memref<32x4x128xi32, #tpu.memory_space<hbm>> -> memref<1x4x128xi32, #tpu.memory_space<hbm>>
      %dma_wait3A_78 = tpu.memref_squeeze %dma_wait3A_77 : memref<1x4x128xi32, #tpu.memory_space<hbm>> -> memref<4x128xi32, #tpu.memory_space<hbm>>
      %dma_wait3A_79 = arith.constant 0 : i32
      %dma_wait3A_80 = arith.constant 0 : i32
      %dma_wait3A_81 = tpu.memref_slice %arg3[%add3A, %dma_wait3A_79, %dma_wait3A_80] : memref<32x4x128xi32, #tpu.memory_space<hbm>> -> memref<1x4x128xi32, #tpu.memory_space<hbm>>
      %dma_wait3A_82 = tpu.memref_squeeze %dma_wait3A_81 : memref<1x4x128xi32, #tpu.memory_space<hbm>> -> memref<4x128xi32, #tpu.memory_space<hbm>>
      tpu.wait_dma2 semaphore(%run_scoped3A : memref<!tpu.dma_semaphore, #tpu.memory_space<semaphore_mem>>) src(%dma_wait3A_82 : memref<4x128xi32, #tpu.memory_space<hbm>>) dst(%arg5 : memref<4x128xi32, #tpu.memory_space<vmem>>)
      tpu.yield
    }) : () -> ()
    %dma_start3A = arith.constant 0 : i32
    %dma_start3A_5 = arith.constant 0 : i32
    %dma_start3A_6 = tpu.memref_slice %arg5[%dma_start3A, %dma_start3A_5] : memref<4x128xi32, #tpu.memory_space<vmem>> -> memref<1x128xi32, #tpu.memory_space<vmem>>
    %dma_start3A_7 = tpu.memref_squeeze %dma_start3A_6 : memref<1x128xi32, #tpu.memory_space<vmem>> -> memref<128xi32, #tpu.memory_space<vmem>>
    %dma_start3A_8 = arith.constant 0 : i32
    %dma_start3A_9 = arith.constant 0 : i32
    %dma_start3A_10 = tpu.memref_slice %arg6[%dma_start3A_8, %dma_start3A_9] : memref<2049x128xf32, #tpu.memory_space<vmem_shared>> -> memref<2049x128xf32, #tpu.memory_space<vmem_shared>>
    tpu.enqueue_indirect_dma source(%dma_start3A_10 : memref<2049x128xf32, #tpu.memory_space<vmem_shared>>) target(%arg7 : memref<128x128xf32, #tpu.memory_space<vmem>>) offsets(%dma_start3A_7 : memref<128xi32, #tpu.memory_space<vmem>>) semaphore(%arg11 : memref<!tpu.dma_semaphore, #tpu.memory_space<semaphore_mem>>)
    %dma_start3A_11 = arith.constant 1 : i32
    %dma_start3A_12 = arith.constant 0 : i32
    %dma_start3A_13 = tpu.memref_slice %arg5[%dma_start3A_11, %dma_start3A_12] : memref<4x128xi32, #tpu.memory_space<vmem>> -> memref<1x128xi32, #tpu.memory_space<vmem>>
    %dma_start3A_14 = tpu.memref_squeeze %dma_start3A_13 : memref<1x128xi32, #tpu.memory_space<vmem>> -> memref<128xi32, #tpu.memory_space<vmem>>
    %dma_start3A_15 = arith.constant 0 : i32
    %dma_start3A_16 = arith.constant 0 : i32
    %dma_start3A_17 = tpu.memref_slice %arg6[%dma_start3A_15, %dma_start3A_16] : memref<2049x128xf32, #tpu.memory_space<vmem_shared>> -> memref<2049x128xf32, #tpu.memory_space<vmem_shared>>
    tpu.enqueue_indirect_dma source(%dma_start3A_17 : memref<2049x128xf32, #tpu.memory_space<vmem_shared>>) target(%arg8 : memref<128x128xf32, #tpu.memory_space<vmem>>) offsets(%dma_start3A_14 : memref<128xi32, #tpu.memory_space<vmem>>) semaphore(%arg12 : memref<!tpu.dma_semaphore, #tpu.memory_space<semaphore_mem>>)
    %dma_start3A_18 = arith.constant 2 : i32
    %dma_start3A_19 = arith.constant 0 : i32
    %dma_start3A_20 = tpu.memref_slice %arg5[%dma_start3A_18, %dma_start3A_19] : memref<4x128xi32, #tpu.memory_space<vmem>> -> memref<1x128xi32, #tpu.memory_space<vmem>>
    %dma_start3A_21 = tpu.memref_squeeze %dma_start3A_20 : memref<1x128xi32, #tpu.memory_space<vmem>> -> memref<128xi32, #tpu.memory_space<vmem>>
    %dma_start3A_22 = arith.constant 0 : i32
    %dma_start3A_23 = arith.constant 0 : i32
    %dma_start3A_24 = tpu.memref_slice %arg6[%dma_start3A_22, %dma_start3A_23] : memref<2049x128xf32, #tpu.memory_space<vmem_shared>> -> memref<2049x128xf32, #tpu.memory_space<vmem_shared>>
    tpu.enqueue_indirect_dma source(%dma_start3A_24 : memref<2049x128xf32, #tpu.memory_space<vmem_shared>>) target(%arg9 : memref<128x128xf32, #tpu.memory_space<vmem>>) offsets(%dma_start3A_21 : memref<128xi32, #tpu.memory_space<vmem>>) semaphore(%arg13 : memref<!tpu.dma_semaphore, #tpu.memory_space<semaphore_mem>>)
    %dma_start3A_25 = arith.constant 3 : i32
    %dma_start3A_26 = arith.constant 0 : i32
    %dma_start3A_27 = tpu.memref_slice %arg5[%dma_start3A_25, %dma_start3A_26] : memref<4x128xi32, #tpu.memory_space<vmem>> -> memref<1x128xi32, #tpu.memory_space<vmem>>
    %dma_start3A_28 = tpu.memref_squeeze %dma_start3A_27 : memref<1x128xi32, #tpu.memory_space<vmem>> -> memref<128xi32, #tpu.memory_space<vmem>>
    %dma_start3A_29 = arith.constant 0 : i32
    %dma_start3A_30 = arith.constant 0 : i32
    %dma_start3A_31 = tpu.memref_slice %arg6[%dma_start3A_29, %dma_start3A_30] : memref<2049x128xf32, #tpu.memory_space<vmem_shared>> -> memref<2049x128xf32, #tpu.memory_space<vmem_shared>>
    tpu.enqueue_indirect_dma source(%dma_start3A_31 : memref<2049x128xf32, #tpu.memory_space<vmem_shared>>) target(%arg10 : memref<128x128xf32, #tpu.memory_space<vmem>>) offsets(%dma_start3A_28 : memref<128xi32, #tpu.memory_space<vmem>>) semaphore(%arg14 : memref<!tpu.dma_semaphore, #tpu.memory_space<semaphore_mem>>)
    %dma_wait3A = arith.constant 0 : i32
    %dma_wait3A_32 = arith.constant 0 : i32
    %dma_wait3A_33 = tpu.memref_slice %arg5[%dma_wait3A, %dma_wait3A_32] : memref<4x128xi32, #tpu.memory_space<vmem>> -> memref<1x128xi32, #tpu.memory_space<vmem>>
    %dma_wait3A_34 = tpu.memref_squeeze %dma_wait3A_33 : memref<1x128xi32, #tpu.memory_space<vmem>> -> memref<128xi32, #tpu.memory_space<vmem>>
    %dma_wait3A_35 = arith.constant 0 : i32
    %dma_wait3A_36 = arith.constant 0 : i32
    %dma_wait3A_37 = tpu.memref_slice %arg6[%dma_wait3A_35, %dma_wait3A_36] : memref<2049x128xf32, #tpu.memory_space<vmem_shared>> -> memref<2049x128xf32, #tpu.memory_space<vmem_shared>>
    tpu.wait_indirect_dma semaphore(%arg11 : memref<!tpu.dma_semaphore, #tpu.memory_space<semaphore_mem>>) src(%dma_wait3A_37 : memref<2049x128xf32, #tpu.memory_space<vmem_shared>>) dst(%arg7 : memref<128x128xf32, #tpu.memory_space<vmem>>)
    %add3A_38 = arith.constant 0 : i32
    %add3A_39 = arith.addi %mul3A_2, %add3A_38 : i32
    "tpu.region"() ({
      %run_scoped3A = tpu.sem_alloc : memref<!tpu.dma_semaphore, #tpu.memory_space<semaphore_mem>>
      %dma_start3A_67 = arith.constant 0 : i32
      %dma_start3A_68 = tpu.memref_slice %arg4[%add3A_39, %dma_start3A_67] : memref<16384x128xf32, #tpu.memory_space<hbm>> -> memref<128x128xf32, #tpu.memory_space<hbm>>
      %dma_start3A_69 = arith.constant 0 : i32
      %dma_start3A_70 = tpu.memref_slice %arg4[%add3A_39, %dma_start3A_69] : memref<16384x128xf32, #tpu.memory_space<hbm>> -> memref<128x128xf32, #tpu.memory_space<hbm>>
      tpu.enqueue_dma source(%arg7 : memref<128x128xf32, #tpu.memory_space<vmem>>) target(%dma_start3A_70 : memref<128x128xf32, #tpu.memory_space<hbm>>) target_semaphore(%run_scoped3A : memref<!tpu.dma_semaphore, #tpu.memory_space<semaphore_mem>>)
      %dma_wait3A_71 = arith.constant 0 : i32
      %dma_wait3A_72 = tpu.memref_slice %arg4[%add3A_39, %dma_wait3A_71] : memref<16384x128xf32, #tpu.memory_space<hbm>> -> memref<128x128xf32, #tpu.memory_space<hbm>>
      %dma_wait3A_73 = arith.constant 0 : i32
      %dma_wait3A_74 = tpu.memref_slice %arg4[%add3A_39, %dma_wait3A_73] : memref<16384x128xf32, #tpu.memory_space<hbm>> -> memref<128x128xf32, #tpu.memory_space<hbm>>
      tpu.wait_dma2 semaphore(%run_scoped3A : memref<!tpu.dma_semaphore, #tpu.memory_space<semaphore_mem>>) src(%arg7 : memref<128x128xf32, #tpu.memory_space<vmem>>) dst(%dma_wait3A_74 : memref<128x128xf32, #tpu.memory_space<hbm>>)
      tpu.yield
    }) : () -> ()
    %dma_wait3A_40 = arith.constant 1 : i32
    %dma_wait3A_41 = arith.constant 0 : i32
    %dma_wait3A_42 = tpu.memref_slice %arg5[%dma_wait3A_40, %dma_wait3A_41] : memref<4x128xi32, #tpu.memory_space<vmem>> -> memref<1x128xi32, #tpu.memory_space<vmem>>
    %dma_wait3A_43 = tpu.memref_squeeze %dma_wait3A_42 : memref<1x128xi32, #tpu.memory_space<vmem>> -> memref<128xi32, #tpu.memory_space<vmem>>
    %dma_wait3A_44 = arith.constant 0 : i32
    %dma_wait3A_45 = arith.constant 0 : i32
    %dma_wait3A_46 = tpu.memref_slice %arg6[%dma_wait3A_44, %dma_wait3A_45] : memref<2049x128xf32, #tpu.memory_space<vmem_shared>> -> memref<2049x128xf32, #tpu.memory_space<vmem_shared>>
    tpu.wait_indirect_dma semaphore(%arg12 : memref<!tpu.dma_semaphore, #tpu.memory_space<semaphore_mem>>) src(%dma_wait3A_46 : memref<2049x128xf32, #tpu.memory_space<vmem_shared>>) dst(%arg8 : memref<128x128xf32, #tpu.memory_space<vmem>>)
    %add3A_47 = arith.constant 128 : i32
    %add3A_48 = arith.addi %mul3A_2, %add3A_47 : i32
    "tpu.region"() ({
      %run_scoped3A = tpu.sem_alloc : memref<!tpu.dma_semaphore, #tpu.memory_space<semaphore_mem>>
      %dma_start3A_67 = arith.constant 0 : i32
      %dma_start3A_68 = tpu.memref_slice %arg4[%add3A_48, %dma_start3A_67] : memref<16384x128xf32, #tpu.memory_space<hbm>> -> memref<128x128xf32, #tpu.memory_space<hbm>>
      %dma_start3A_69 = arith.constant 0 : i32
      %dma_start3A_70 = tpu.memref_slice %arg4[%add3A_48, %dma_start3A_69] : memref<16384x128xf32, #tpu.memory_space<hbm>> -> memref<128x128xf32, #tpu.memory_space<hbm>>
      tpu.enqueue_dma source(%arg8 : memref<128x128xf32, #tpu.memory_space<vmem>>) target(%dma_start3A_70 : memref<128x128xf32, #tpu.memory_space<hbm>>) target_semaphore(%run_scoped3A : memref<!tpu.dma_semaphore, #tpu.memory_space<semaphore_mem>>)
      %dma_wait3A_71 = arith.constant 0 : i32
      %dma_wait3A_72 = tpu.memref_slice %arg4[%add3A_48, %dma_wait3A_71] : memref<16384x128xf32, #tpu.memory_space<hbm>> -> memref<128x128xf32, #tpu.memory_space<hbm>>
      %dma_wait3A_73 = arith.constant 0 : i32
      %dma_wait3A_74 = tpu.memref_slice %arg4[%add3A_48, %dma_wait3A_73] : memref<16384x128xf32, #tpu.memory_space<hbm>> -> memref<128x128xf32, #tpu.memory_space<hbm>>
      tpu.wait_dma2 semaphore(%run_scoped3A : memref<!tpu.dma_semaphore, #tpu.memory_space<semaphore_mem>>) src(%arg8 : memref<128x128xf32, #tpu.memory_space<vmem>>) dst(%dma_wait3A_74 : memref<128x128xf32, #tpu.memory_space<hbm>>)
      tpu.yield
    }) : () -> ()
    %dma_wait3A_49 = arith.constant 2 : i32
    %dma_wait3A_50 = arith.constant 0 : i32
    %dma_wait3A_51 = tpu.memref_slice %arg5[%dma_wait3A_49, %dma_wait3A_50] : memref<4x128xi32, #tpu.memory_space<vmem>> -> memref<1x128xi32, #tpu.memory_space<vmem>>
    %dma_wait3A_52 = tpu.memref_squeeze %dma_wait3A_51 : memref<1x128xi32, #tpu.memory_space<vmem>> -> memref<128xi32, #tpu.memory_space<vmem>>
    %dma_wait3A_53 = arith.constant 0 : i32
    %dma_wait3A_54 = arith.constant 0 : i32
    %dma_wait3A_55 = tpu.memref_slice %arg6[%dma_wait3A_53, %dma_wait3A_54] : memref<2049x128xf32, #tpu.memory_space<vmem_shared>> -> memref<2049x128xf32, #tpu.memory_space<vmem_shared>>
    tpu.wait_indirect_dma semaphore(%arg13 : memref<!tpu.dma_semaphore, #tpu.memory_space<semaphore_mem>>) src(%dma_wait3A_55 : memref<2049x128xf32, #tpu.memory_space<vmem_shared>>) dst(%arg9 : memref<128x128xf32, #tpu.memory_space<vmem>>)
    %add3A_56 = arith.constant 256 : i32
    %add3A_57 = arith.addi %mul3A_2, %add3A_56 : i32
    "tpu.region"() ({
      %run_scoped3A = tpu.sem_alloc : memref<!tpu.dma_semaphore, #tpu.memory_space<semaphore_mem>>
      %dma_start3A_67 = arith.constant 0 : i32
      %dma_start3A_68 = tpu.memref_slice %arg4[%add3A_57, %dma_start3A_67] : memref<16384x128xf32, #tpu.memory_space<hbm>> -> memref<128x128xf32, #tpu.memory_space<hbm>>
      %dma_start3A_69 = arith.constant 0 : i32
      %dma_start3A_70 = tpu.memref_slice %arg4[%add3A_57, %dma_start3A_69] : memref<16384x128xf32, #tpu.memory_space<hbm>> -> memref<128x128xf32, #tpu.memory_space<hbm>>
      tpu.enqueue_dma source(%arg9 : memref<128x128xf32, #tpu.memory_space<vmem>>) target(%dma_start3A_70 : memref<128x128xf32, #tpu.memory_space<hbm>>) target_semaphore(%run_scoped3A : memref<!tpu.dma_semaphore, #tpu.memory_space<semaphore_mem>>)
      %dma_wait3A_71 = arith.constant 0 : i32
      %dma_wait3A_72 = tpu.memref_slice %arg4[%add3A_57, %dma_wait3A_71] : memref<16384x128xf32, #tpu.memory_space<hbm>> -> memref<128x128xf32, #tpu.memory_space<hbm>>
      %dma_wait3A_73 = arith.constant 0 : i32
      %dma_wait3A_74 = tpu.memref_slice %arg4[%add3A_57, %dma_wait3A_73] : memref<16384x128xf32, #tpu.memory_space<hbm>> -> memref<128x128xf32, #tpu.memory_space<hbm>>
      tpu.wait_dma2 semaphore(%run_scoped3A : memref<!tpu.dma_semaphore, #tpu.memory_space<semaphore_mem>>) src(%arg9 : memref<128x128xf32, #tpu.memory_space<vmem>>) dst(%dma_wait3A_74 : memref<128x128xf32, #tpu.memory_space<hbm>>)
      tpu.yield
    }) : () -> ()
    %dma_wait3A_58 = arith.constant 3 : i32
    %dma_wait3A_59 = arith.constant 0 : i32
    %dma_wait3A_60 = tpu.memref_slice %arg5[%dma_wait3A_58, %dma_wait3A_59] : memref<4x128xi32, #tpu.memory_space<vmem>> -> memref<1x128xi32, #tpu.memory_space<vmem>>
    %dma_wait3A_61 = tpu.memref_squeeze %dma_wait3A_60 : memref<1x128xi32, #tpu.memory_space<vmem>> -> memref<128xi32, #tpu.memory_space<vmem>>
    %dma_wait3A_62 = arith.constant 0 : i32
    %dma_wait3A_63 = arith.constant 0 : i32
    %dma_wait3A_64 = tpu.memref_slice %arg6[%dma_wait3A_62, %dma_wait3A_63] : memref<2049x128xf32, #tpu.memory_space<vmem_shared>> -> memref<2049x128xf32, #tpu.memory_space<vmem_shared>>
    tpu.wait_indirect_dma semaphore(%arg14 : memref<!tpu.dma_semaphore, #tpu.memory_space<semaphore_mem>>) src(%dma_wait3A_64 : memref<2049x128xf32, #tpu.memory_space<vmem_shared>>) dst(%arg10 : memref<128x128xf32, #tpu.memory_space<vmem>>)
    %add3A_65 = arith.constant 384 : i32
    %add3A_66 = arith.addi %mul3A_2, %add3A_65 : i32
    "tpu.region"() ({
      %run_scoped3A = tpu.sem_alloc : memref<!tpu.dma_semaphore, #tpu.memory_space<semaphore_mem>>
      %dma_start3A_67 = arith.constant 0 : i32
      %dma_start3A_68 = tpu.memref_slice %arg4[%add3A_66, %dma_start3A_67] : memref<16384x128xf32, #tpu.memory_space<hbm>> -> memref<128x128xf32, #tpu.memory_space<hbm>>
      %dma_start3A_69 = arith.constant 0 : i32
      %dma_start3A_70 = tpu.memref_slice %arg4[%add3A_66, %dma_start3A_69] : memref<16384x128xf32, #tpu.memory_space<hbm>> -> memref<128x128xf32, #tpu.memory_space<hbm>>
      tpu.enqueue_dma source(%arg10 : memref<128x128xf32, #tpu.memory_space<vmem>>) target(%dma_start3A_70 : memref<128x128xf32, #tpu.memory_space<hbm>>) target_semaphore(%run_scoped3A : memref<!tpu.dma_semaphore, #tpu.memory_space<semaphore_mem>>)
      %dma_wait3A_71 = arith.constant 0 : i32
      %dma_wait3A_72 = tpu.memref_slice %arg4[%add3A_66, %dma_wait3A_71] : memref<16384x128xf32, #tpu.memory_space<hbm>> -> memref<128x128xf32, #tpu.memory_space<hbm>>
      %dma_wait3A_73 = arith.constant 0 : i32
      %dma_wait3A_74 = tpu.memref_slice %arg4[%add3A_66, %dma_wait3A_73] : memref<16384x128xf32, #tpu.memory_space<hbm>> -> memref<128x128xf32, #tpu.memory_space<hbm>>
      tpu.wait_dma2 semaphore(%run_scoped3A : memref<!tpu.dma_semaphore, #tpu.memory_space<semaphore_mem>>) src(%arg10 : memref<128x128xf32, #tpu.memory_space<vmem>>) dst(%dma_wait3A_74 : memref<128x128xf32, #tpu.memory_space<hbm>>)
      tpu.yield
    }) : () -> ()
    return
  }
}

#map = affine_map<(d0, d1) -> (0, 0)>
#map1 = affine_map<(d0, d1) -> (0, 0, 0)>
module attributes {stable_mosaic.version = 14 : i64} {
  func.func @gk(%arg0: i32, %arg1: i32, %arg2: memref<2049x128xf32, #tpu.memory_space<hbm>>, %arg3: memref<32x4x128xi32, #tpu.memory_space<hbm>>, %arg4: memref<16384x128xf32, #tpu.memory_space<hbm>>, %arg5: memref<4x128xi32, #tpu.memory_space<vmem>>, %arg6: memref<2049x128xf32, #tpu.memory_space<vmem_shared>>, %arg7: memref<128x128xf32, #tpu.memory_space<vmem>>, %arg8: memref<128x128xf32, #tpu.memory_space<vmem>>, %arg9: memref<128x128xf32, #tpu.memory_space<vmem>>, %arg10: memref<128x128xf32, #tpu.memory_space<vmem>>, %arg11: memref<!tpu.dma_semaphore, #tpu.memory_space<semaphore_mem>>, %arg12: memref<!tpu.dma_semaphore, #tpu.memory_space<semaphore_mem>>, %arg13: memref<!tpu.dma_semaphore, #tpu.memory_space<semaphore_mem>>, %arg14: memref<!tpu.dma_semaphore, #tpu.memory_space<semaphore_mem>>) attributes {dimension_semantics = [#tpu.dimension_semantics<core_parallel>, #tpu.dimension_semantics<subcore_parallel>], iteration_bounds = array<i64: 2, 16>, scalar_prefetch = 0 : i64, scratch_operands = 10 : i64, tpu.core_type = #tpu.core_type<sc_vector_subcore>, window_params = [{transform_indices = #map}, {transform_indices = #map1}, {transform_indices = #map}]} {
    %mul3A = arith.constant 2 : i32
    %mul3A_0 = arith.muli %arg1, %mul3A : i32
    %add3A = arith.addi %mul3A_0, %arg0 : i32
    %mul3A_1 = arith.constant 512 : i32
    %mul3A_2 = arith.muli %add3A, %mul3A_1 : i32
    %eq3A = arith.constant 0 : i32
    %eq3A_3 = arith.cmpi eq, %arg1, %eq3A : i32
    %convert_element_type3A = arith.extui %eq3A_3 : i1 to i32
    %cond3A = arith.constant 0 : i32
    %cond3A_4 = arith.cmpi ne, %convert_element_type3A, %cond3A : i32
    scf.if %cond3A_4 {
      "tpu.region"() ({
        %run_scoped3A = tpu.sem_alloc : memref<!tpu.dma_semaphore, #tpu.memory_space<semaphore_mem>>
        tpu.enqueue_dma source(%arg2 : memref<2049x128xf32, #tpu.memory_space<hbm>>) target(%arg6 : memref<2049x128xf32, #tpu.memory_space<vmem_shared>>) target_semaphore(%run_scoped3A : memref<!tpu.dma_semaphore, #tpu.memory_space<semaphore_mem>>)
        tpu.wait_dma2 semaphore(%run_scoped3A : memref<!tpu.dma_semaphore, #tpu.memory_space<semaphore_mem>>) src(%arg2 : memref<2049x128xf32, #tpu.memory_space<hbm>>) dst(%arg6 : memref<2049x128xf32, #tpu.memory_space<vmem_shared>>)
        tpu.yield
      }) : () -> ()
    } else {
    }
    %barrier3A = arith.constant 0 : index
    tpu.barrier barrier_id(%barrier3A)
    "tpu.region"() ({
      %run_scoped3A = tpu.sem_alloc : memref<!tpu.dma_semaphore, #tpu.memory_space<semaphore_mem>>
      %dma_start3A_67 = arith.constant 0 : i32
      %dma_start3A_68 = arith.constant 0 : i32
      %dma_start3A_69 = tpu.memref_slice %arg3[%add3A, %dma_start3A_67, %dma_start3A_68] : memref<32x4x128xi32, #tpu.memory_space<hbm>> -> memref<1x4x128xi32, #tpu.memory_space<hbm>>
      %dma_start3A_70 = tpu.memref_squeeze %dma_start3A_69 : memref<1x4x128xi32, #tpu.memory_space<hbm>> -> memref<4x128xi32, #tpu.memory_space<hbm>>
      %dma_start3A_71 = arith.constant 0 : i32
      %dma_start3A_72 = arith.constant 0 : i32
      %dma_start3A_73 = tpu.memref_slice %arg3[%add3A, %dma_start3A_71, %dma_start3A_72] : memref<32x4x128xi32, #tpu.memory_space<hbm>> -> memref<1x4x128xi32, #tpu.memory_space<hbm>>
      %dma_start3A_74 = tpu.memref_squeeze %dma_start3A_73 : memref<1x4x128xi32, #tpu.memory_space<hbm>> -> memref<4x128xi32, #tpu.memory_space<hbm>>
      tpu.enqueue_dma source(%dma_start3A_74 : memref<4x128xi32, #tpu.memory_space<hbm>>) target(%arg5 : memref<4x128xi32, #tpu.memory_space<vmem>>) target_semaphore(%run_scoped3A : memref<!tpu.dma_semaphore, #tpu.memory_space<semaphore_mem>>)
      %dma_wait3A_75 = arith.constant 0 : i32
      %dma_wait3A_76 = arith.constant 0 : i32
      %dma_wait3A_77 = tpu.memref_slice %arg3[%add3A, %dma_wait3A_75, %dma_wait3A_76] : memref<32x4x128xi32, #tpu.memory_space<hbm>> -> memref<1x4x128xi32, #tpu.memory_space<hbm>>
      %dma_wait3A_78 = tpu.memref_squeeze %dma_wait3A_77 : memref<1x4x128xi32, #tpu.memory_space<hbm>> -> memref<4x128xi32, #tpu.memory_space<hbm>>
      %dma_wait3A_79 = arith.constant 0 : i32
      %dma_wait3A_80 = arith.constant 0 : i32
      %dma_wait3A_81 = tpu.memref_slice %arg3[%add3A, %dma_wait3A_79, %dma_wait3A_80] : memref<32x4x128xi32, #tpu.memory_space<hbm>> -> memref<1x4x128xi32, #tpu.memory_space<hbm>>
      %dma_wait3A_82 = tpu.memref_squeeze %dma_wait3A_81 : memref<1x4x128xi32, #tpu.memory_space<hbm>> -> memref<4x128xi32, #tpu.memory_space<hbm>>
      tpu.wait_dma2 semaphore(%run_scoped3A : memref<!tpu.dma_semaphore, #tpu.memory_space<semaphore_mem>>) src(%dma_wait3A_82 : memref<4x128xi32, #tpu.memory_space<hbm>>) dst(%arg5 : memref<4x128xi32, #tpu.memory_space<vmem>>)
      tpu.yield
    }) : () -> ()
    %dma_start3A = arith.constant 0 : i32
    %dma_start3A_5 = arith.constant 0 : i32
    %dma_start3A_6 = tpu.memref_slice %arg5[%dma_start3A, %dma_start3A_5] : memref<4x128xi32, #tpu.memory_space<vmem>> -> memref<1x128xi32, #tpu.memory_space<vmem>>
    %dma_start3A_7 = tpu.memref_squeeze %dma_start3A_6 : memref<1x128xi32, #tpu.memory_space<vmem>> -> memref<128xi32, #tpu.memory_space<vmem>>
    %dma_start3A_8 = arith.constant 0 : i32
    %dma_start3A_9 = arith.constant 0 : i32
    %dma_start3A_10 = tpu.memref_slice %arg6[%dma_start3A_8, %dma_start3A_9] : memref<2049x128xf32, #tpu.memory_space<vmem_shared>> -> memref<2049x128xf32, #tpu.memory_space<vmem_shared>>
    tpu.enqueue_indirect_dma source(%dma_start3A_10 : memref<2049x128xf32, #tpu.memory_space<vmem_shared>>) target(%arg7 : memref<128x128xf32, #tpu.memory_space<vmem>>) offsets(%dma_start3A_7 : memref<128xi32, #tpu.memory_space<vmem>>) semaphore(%arg11 : memref<!tpu.dma_semaphore, #tpu.memory_space<semaphore_mem>>)
    %dma_start3A_11 = arith.constant 1 : i32
    %dma_start3A_12 = arith.constant 0 : i32
    %dma_start3A_13 = tpu.memref_slice %arg5[%dma_start3A_11, %dma_start3A_12] : memref<4x128xi32, #tpu.memory_space<vmem>> -> memref<1x128xi32, #tpu.memory_space<vmem>>
    %dma_start3A_14 = tpu.memref_squeeze %dma_start3A_13 : memref<1x128xi32, #tpu.memory_space<vmem>> -> memref<128xi32, #tpu.memory_space<vmem>>
    %dma_start3A_15 = arith.constant 0 : i32
    %dma_start3A_16 = arith.constant 0 : i32
    %dma_start3A_17 = tpu.memref_slice %arg6[%dma_start3A_15, %dma_start3A_16] : memref<2049x128xf32, #tpu.memory_space<vmem_shared>> -> memref<2049x128xf32, #tpu.memory_space<vmem_shared>>
    tpu.enqueue_indirect_dma source(%dma_start3A_17 : memref<2049x128xf32, #tpu.memory_space<vmem_shared>>) target(%arg8 : memref<128x128xf32, #tpu.memory_space<vmem>>) offsets(%dma_start3A_14 : memref<128xi32, #tpu.memory_space<vmem>>) semaphore(%arg12 : memref<!tpu.dma_semaphore, #tpu.memory_space<semaphore_mem>>)
    %dma_start3A_18 = arith.constant 2 : i32
    %dma_start3A_19 = arith.constant 0 : i32
    %dma_start3A_20 = tpu.memref_slice %arg5[%dma_start3A_18, %dma_start3A_19] : memref<4x128xi32, #tpu.memory_space<vmem>> -> memref<1x128xi32, #tpu.memory_space<vmem>>
    %dma_start3A_21 = tpu.memref_squeeze %dma_start3A_20 : memref<1x128xi32, #tpu.memory_space<vmem>> -> memref<128xi32, #tpu.memory_space<vmem>>
    %dma_start3A_22 = arith.constant 0 : i32
    %dma_start3A_23 = arith.constant 0 : i32
    %dma_start3A_24 = tpu.memref_slice %arg6[%dma_start3A_22, %dma_start3A_23] : memref<2049x128xf32, #tpu.memory_space<vmem_shared>> -> memref<2049x128xf32, #tpu.memory_space<vmem_shared>>
    tpu.enqueue_indirect_dma source(%dma_start3A_24 : memref<2049x128xf32, #tpu.memory_space<vmem_shared>>) target(%arg9 : memref<128x128xf32, #tpu.memory_space<vmem>>) offsets(%dma_start3A_21 : memref<128xi32, #tpu.memory_space<vmem>>) semaphore(%arg13 : memref<!tpu.dma_semaphore, #tpu.memory_space<semaphore_mem>>)
    %dma_start3A_25 = arith.constant 3 : i32
    %dma_start3A_26 = arith.constant 0 : i32
    %dma_start3A_27 = tpu.memref_slice %arg5[%dma_start3A_25, %dma_start3A_26] : memref<4x128xi32, #tpu.memory_space<vmem>> -> memref<1x128xi32, #tpu.memory_space<vmem>>
    %dma_start3A_28 = tpu.memref_squeeze %dma_start3A_27 : memref<1x128xi32, #tpu.memory_space<vmem>> -> memref<128xi32, #tpu.memory_space<vmem>>
    %dma_start3A_29 = arith.constant 0 : i32
    %dma_start3A_30 = arith.constant 0 : i32
    %dma_start3A_31 = tpu.memref_slice %arg6[%dma_start3A_29, %dma_start3A_30] : memref<2049x128xf32, #tpu.memory_space<vmem_shared>> -> memref<2049x128xf32, #tpu.memory_space<vmem_shared>>
    tpu.enqueue_indirect_dma source(%dma_start3A_31 : memref<2049x128xf32, #tpu.memory_space<vmem_shared>>) target(%arg10 : memref<128x128xf32, #tpu.memory_space<vmem>>) offsets(%dma_start3A_28 : memref<128xi32, #tpu.memory_space<vmem>>) semaphore(%arg14 : memref<!tpu.dma_semaphore, #tpu.memory_space<semaphore_mem>>)
    %dma_wait3A = arith.constant 0 : i32
    %dma_wait3A_32 = arith.constant 0 : i32
    %dma_wait3A_33 = tpu.memref_slice %arg5[%dma_wait3A, %dma_wait3A_32] : memref<4x128xi32, #tpu.memory_space<vmem>> -> memref<1x128xi32, #tpu.memory_space<vmem>>
    %dma_wait3A_34 = tpu.memref_squeeze %dma_wait3A_33 : memref<1x128xi32, #tpu.memory_space<vmem>> -> memref<128xi32, #tpu.memory_space<vmem>>
    %dma_wait3A_35 = arith.constant 0 : i32
    %dma_wait3A_36 = arith.constant 0 : i32
    %dma_wait3A_37 = tpu.memref_slice %arg6[%dma_wait3A_35, %dma_wait3A_36] : memref<2049x128xf32, #tpu.memory_space<vmem_shared>> -> memref<2049x128xf32, #tpu.memory_space<vmem_shared>>
    tpu.wait_indirect_dma semaphore(%arg11 : memref<!tpu.dma_semaphore, #tpu.memory_space<semaphore_mem>>) src(%dma_wait3A_37 : memref<2049x128xf32, #tpu.memory_space<vmem_shared>>) dst(%arg7 : memref<128x128xf32, #tpu.memory_space<vmem>>)
    %add3A_38 = arith.constant 0 : i32
    %add3A_39 = arith.addi %mul3A_2, %add3A_38 : i32
    "tpu.region"() ({
      %run_scoped3A = tpu.sem_alloc : memref<!tpu.dma_semaphore, #tpu.memory_space<semaphore_mem>>
      %dma_start3A_67 = arith.constant 0 : i32
      %dma_start3A_68 = tpu.memref_slice %arg4[%add3A_39, %dma_start3A_67] : memref<16384x128xf32, #tpu.memory_space<hbm>> -> memref<128x128xf32, #tpu.memory_space<hbm>>
      %dma_start3A_69 = arith.constant 0 : i32
      %dma_start3A_70 = tpu.memref_slice %arg4[%add3A_39, %dma_start3A_69] : memref<16384x128xf32, #tpu.memory_space<hbm>> -> memref<128x128xf32, #tpu.memory_space<hbm>>
      tpu.enqueue_dma source(%arg7 : memref<128x128xf32, #tpu.memory_space<vmem>>) target(%dma_start3A_70 : memref<128x128xf32, #tpu.memory_space<hbm>>) target_semaphore(%run_scoped3A : memref<!tpu.dma_semaphore, #tpu.memory_space<semaphore_mem>>)
      %dma_wait3A_71 = arith.constant 0 : i32
      %dma_wait3A_72 = tpu.memref_slice %arg4[%add3A_39, %dma_wait3A_71] : memref<16384x128xf32, #tpu.memory_space<hbm>> -> memref<128x128xf32, #tpu.memory_space<hbm>>
      %dma_wait3A_73 = arith.constant 0 : i32
      %dma_wait3A_74 = tpu.memref_slice %arg4[%add3A_39, %dma_wait3A_73] : memref<16384x128xf32, #tpu.memory_space<hbm>> -> memref<128x128xf32, #tpu.memory_space<hbm>>
      tpu.wait_dma2 semaphore(%run_scoped3A : memref<!tpu.dma_semaphore, #tpu.memory_space<semaphore_mem>>) src(%arg7 : memref<128x128xf32, #tpu.memory_space<vmem>>) dst(%dma_wait3A_74 : memref<128x128xf32, #tpu.memory_space<hbm>>)
      tpu.yield
    }) : () -> ()
    %dma_wait3A_40 = arith.constant 1 : i32
    %dma_wait3A_41 = arith.constant 0 : i32
    %dma_wait3A_42 = tpu.memref_slice %arg5[%dma_wait3A_40, %dma_wait3A_41] : memref<4x128xi32, #tpu.memory_space<vmem>> -> memref<1x128xi32, #tpu.memory_space<vmem>>
    %dma_wait3A_43 = tpu.memref_squeeze %dma_wait3A_42 : memref<1x128xi32, #tpu.memory_space<vmem>> -> memref<128xi32, #tpu.memory_space<vmem>>
    %dma_wait3A_44 = arith.constant 0 : i32
    %dma_wait3A_45 = arith.constant 0 : i32
    %dma_wait3A_46 = tpu.memref_slice %arg6[%dma_wait3A_44, %dma_wait3A_45] : memref<2049x128xf32, #tpu.memory_space<vmem_shared>> -> memref<2049x128xf32, #tpu.memory_space<vmem_shared>>
    tpu.wait_indirect_dma semaphore(%arg12 : memref<!tpu.dma_semaphore, #tpu.memory_space<semaphore_mem>>) src(%dma_wait3A_46 : memref<2049x128xf32, #tpu.memory_space<vmem_shared>>) dst(%arg8 : memref<128x128xf32, #tpu.memory_space<vmem>>)
    %add3A_47 = arith.constant 128 : i32
    %add3A_48 = arith.addi %mul3A_2, %add3A_47 : i32
    "tpu.region"() ({
      %run_scoped3A = tpu.sem_alloc : memref<!tpu.dma_semaphore, #tpu.memory_space<semaphore_mem>>
      %dma_start3A_67 = arith.constant 0 : i32
      %dma_start3A_68 = tpu.memref_slice %arg4[%add3A_48, %dma_start3A_67] : memref<16384x128xf32, #tpu.memory_space<hbm>> -> memref<128x128xf32, #tpu.memory_space<hbm>>
      %dma_start3A_69 = arith.constant 0 : i32
      %dma_start3A_70 = tpu.memref_slice %arg4[%add3A_48, %dma_start3A_69] : memref<16384x128xf32, #tpu.memory_space<hbm>> -> memref<128x128xf32, #tpu.memory_space<hbm>>
      tpu.enqueue_dma source(%arg8 : memref<128x128xf32, #tpu.memory_space<vmem>>) target(%dma_start3A_70 : memref<128x128xf32, #tpu.memory_space<hbm>>) target_semaphore(%run_scoped3A : memref<!tpu.dma_semaphore, #tpu.memory_space<semaphore_mem>>)
      %dma_wait3A_71 = arith.constant 0 : i32
      %dma_wait3A_72 = tpu.memref_slice %arg4[%add3A_48, %dma_wait3A_71] : memref<16384x128xf32, #tpu.memory_space<hbm>> -> memref<128x128xf32, #tpu.memory_space<hbm>>
      %dma_wait3A_73 = arith.constant 0 : i32
      %dma_wait3A_74 = tpu.memref_slice %arg4[%add3A_48, %dma_wait3A_73] : memref<16384x128xf32, #tpu.memory_space<hbm>> -> memref<128x128xf32, #tpu.memory_space<hbm>>
      tpu.wait_dma2 semaphore(%run_scoped3A : memref<!tpu.dma_semaphore, #tpu.memory_space<semaphore_mem>>) src(%arg8 : memref<128x128xf32, #tpu.memory_space<vmem>>) dst(%dma_wait3A_74 : memref<128x128xf32, #tpu.memory_space<hbm>>)
      tpu.yield
    }) : () -> ()
    %dma_wait3A_49 = arith.constant 2 : i32
    %dma_wait3A_50 = arith.constant 0 : i32
    %dma_wait3A_51 = tpu.memref_slice %arg5[%dma_wait3A_49, %dma_wait3A_50] : memref<4x128xi32, #tpu.memory_space<vmem>> -> memref<1x128xi32, #tpu.memory_space<vmem>>
    %dma_wait3A_52 = tpu.memref_squeeze %dma_wait3A_51 : memref<1x128xi32, #tpu.memory_space<vmem>> -> memref<128xi32, #tpu.memory_space<vmem>>
    %dma_wait3A_53 = arith.constant 0 : i32
    %dma_wait3A_54 = arith.constant 0 : i32
    %dma_wait3A_55 = tpu.memref_slice %arg6[%dma_wait3A_53, %dma_wait3A_54] : memref<2049x128xf32, #tpu.memory_space<vmem_shared>> -> memref<2049x128xf32, #tpu.memory_space<vmem_shared>>
    tpu.wait_indirect_dma semaphore(%arg13 : memref<!tpu.dma_semaphore, #tpu.memory_space<semaphore_mem>>) src(%dma_wait3A_55 : memref<2049x128xf32, #tpu.memory_space<vmem_shared>>) dst(%arg9 : memref<128x128xf32, #tpu.memory_space<vmem>>)
    %add3A_56 = arith.constant 256 : i32
    %add3A_57 = arith.addi %mul3A_2, %add3A_56 : i32
    "tpu.region"() ({
      %run_scoped3A = tpu.sem_alloc : memref<!tpu.dma_semaphore, #tpu.memory_space<semaphore_mem>>
      %dma_start3A_67 = arith.constant 0 : i32
      %dma_start3A_68 = tpu.memref_slice %arg4[%add3A_57, %dma_start3A_67] : memref<16384x128xf32, #tpu.memory_space<hbm>> -> memref<128x128xf32, #tpu.memory_space<hbm>>
      %dma_start3A_69 = arith.constant 0 : i32
      %dma_start3A_70 = tpu.memref_slice %arg4[%add3A_57, %dma_start3A_69] : memref<16384x128xf32, #tpu.memory_space<hbm>> -> memref<128x128xf32, #tpu.memory_space<hbm>>
      tpu.enqueue_dma source(%arg9 : memref<128x128xf32, #tpu.memory_space<vmem>>) target(%dma_start3A_70 : memref<128x128xf32, #tpu.memory_space<hbm>>) target_semaphore(%run_scoped3A : memref<!tpu.dma_semaphore, #tpu.memory_space<semaphore_mem>>)
      %dma_wait3A_71 = arith.constant 0 : i32
      %dma_wait3A_72 = tpu.memref_slice %arg4[%add3A_57, %dma_wait3A_71] : memref<16384x128xf32, #tpu.memory_space<hbm>> -> memref<128x128xf32, #tpu.memory_space<hbm>>
      %dma_wait3A_73 = arith.constant 0 : i32
      %dma_wait3A_74 = tpu.memref_slice %arg4[%add3A_57, %dma_wait3A_73] : memref<16384x128xf32, #tpu.memory_space<hbm>> -> memref<128x128xf32, #tpu.memory_space<hbm>>
      tpu.wait_dma2 semaphore(%run_scoped3A : memref<!tpu.dma_semaphore, #tpu.memory_space<semaphore_mem>>) src(%arg9 : memref<128x128xf32, #tpu.memory_space<vmem>>) dst(%dma_wait3A_74 : memref<128x128xf32, #tpu.memory_space<hbm>>)
      tpu.yield
    }) : () -> ()
    %dma_wait3A_58 = arith.constant 3 : i32
    %dma_wait3A_59 = arith.constant 0 : i32
    %dma_wait3A_60 = tpu.memref_slice %arg5[%dma_wait3A_58, %dma_wait3A_59] : memref<4x128xi32, #tpu.memory_space<vmem>> -> memref<1x128xi32, #tpu.memory_space<vmem>>
    %dma_wait3A_61 = tpu.memref_squeeze %dma_wait3A_60 : memref<1x128xi32, #tpu.memory_space<vmem>> -> memref<128xi32, #tpu.memory_space<vmem>>
    %dma_wait3A_62 = arith.constant 0 : i32
    %dma_wait3A_63 = arith.constant 0 : i32
    %dma_wait3A_64 = tpu.memref_slice %arg6[%dma_wait3A_62, %dma_wait3A_63] : memref<2049x128xf32, #tpu.memory_space<vmem_shared>> -> memref<2049x128xf32, #tpu.memory_space<vmem_shared>>
    tpu.wait_indirect_dma semaphore(%arg14 : memref<!tpu.dma_semaphore, #tpu.memory_space<semaphore_mem>>) src(%dma_wait3A_64 : memref<2049x128xf32, #tpu.memory_space<vmem_shared>>) dst(%arg10 : memref<128x128xf32, #tpu.memory_space<vmem>>)
    %add3A_65 = arith.constant 384 : i32
    %add3A_66 = arith.addi %mul3A_2, %add3A_65 : i32
    "tpu.region"() ({
      %run_scoped3A = tpu.sem_alloc : memref<!tpu.dma_semaphore, #tpu.memory_space<semaphore_mem>>
      %dma_start3A_67 = arith.constant 0 : i32
      %dma_start3A_68 = tpu.memref_slice %arg4[%add3A_66, %dma_start3A_67] : memref<16384x128xf32, #tpu.memory_space<hbm>> -> memref<128x128xf32, #tpu.memory_space<hbm>>
      %dma_start3A_69 = arith.constant 0 : i32
      %dma_start3A_70 = tpu.memref_slice %arg4[%add3A_66, %dma_start3A_69] : memref<16384x128xf32, #tpu.memory_space<hbm>> -> memref<128x128xf32, #tpu.memory_space<hbm>>
      tpu.enqueue_dma source(%arg10 : memref<128x128xf32, #tpu.memory_space<vmem>>) target(%dma_start3A_70 : memref<128x128xf32, #tpu.memory_space<hbm>>) target_semaphore(%run_scoped3A : memref<!tpu.dma_semaphore, #tpu.memory_space<semaphore_mem>>)
      %dma_wait3A_71 = arith.constant 0 : i32
      %dma_wait3A_72 = tpu.memref_slice %arg4[%add3A_66, %dma_wait3A_71] : memref<16384x128xf32, #tpu.memory_space<hbm>> -> memref<128x128xf32, #tpu.memory_space<hbm>>
      %dma_wait3A_73 = arith.constant 0 : i32
      %dma_wait3A_74 = tpu.memref_slice %arg4[%add3A_66, %dma_wait3A_73] : memref<16384x128xf32, #tpu.memory_space<hbm>> -> memref<128x128xf32, #tpu.memory_space<hbm>>
      tpu.wait_dma2 semaphore(%run_scoped3A : memref<!tpu.dma_semaphore, #tpu.memory_space<semaphore_mem>>) src(%arg10 : memref<128x128xf32, #tpu.memory_space<vmem>>) dst(%dma_wait3A_74 : memref<128x128xf32, #tpu.memory_space<hbm>>)
      tpu.yield
    }) : () -> ()
    return
  }
}

module attributes {stable_mosaic.version = 14 : i64} {
  func.func @_sel_body(%arg0: i32, %arg1: i32, %arg2: memref<1x3x2048xf32, #tpu.memory_space<vmem>>, %arg3: memref<1x128x3xf32, #tpu.memory_space<vmem>>, %arg4: memref<1x128x8xi32, #tpu.memory_space<vmem>>) attributes {dimension_semantics = [#tpu.dimension_semantics<arbitrary>, #tpu.dimension_semantics<arbitrary>], iteration_bounds = array<i64: 1, 16>, scalar_prefetch = 0 : i64, scratch_operands = 0 : i64, tpu.core_type = #tpu.core_type<tc>, window_params = [{transform_indices = @transform_0, window_bounds = array<i64: 1, 3, 2048>}, {transform_indices = @transform_1, window_bounds = array<i64: 1, 128, 3>}, {transform_indices = @transform_2, window_bounds = array<i64: 1, 128, 8>}]} {
    %mul3A = arith.constant 128 : i32
    %mul3A_0 = arith.muli %arg1, %mul3A : i32
    %get3A = arith.constant 0 : index
    %get3A_1 = arith.constant 0 : index
    %get3A_2 = arith.constant 0 : index
    %get3A_3 = vector.load %arg3[%get3A, %get3A_1, %get3A_2] : memref<1x128x3xf32, #tpu.memory_space<vmem>>, vector<1x128x1xf32>
    %get3A_4 = vector.shape_cast %get3A_3 : vector<1x128x1xf32> to vector<128x1xf32>
    %get3A_5 = arith.constant 0 : index
    %get3A_6 = arith.constant 0 : index
    %get3A_7 = arith.constant 1 : index
    %get3A_8 = vector.load %arg3[%get3A_5, %get3A_6, %get3A_7] : memref<1x128x3xf32, #tpu.memory_space<vmem>>, vector<1x128x1xf32>
    %get3A_9 = vector.shape_cast %get3A_8 : vector<1x128x1xf32> to vector<128x1xf32>
    %get3A_10 = arith.constant 0 : index
    %get3A_11 = arith.constant 0 : index
    %get3A_12 = arith.constant 2 : index
    %get3A_13 = vector.load %arg3[%get3A_10, %get3A_11, %get3A_12] : memref<1x128x3xf32, #tpu.memory_space<vmem>>, vector<1x128x1xf32>
    %get3A_14 = vector.shape_cast %get3A_13 : vector<1x128x1xf32> to vector<128x1xf32>
    %mul3A_15 = arith.mulf %get3A_4, %get3A_4 : vector<128x1xf32>
    %mul3A_16 = arith.mulf %get3A_9, %get3A_9 : vector<128x1xf32>
    %add3A = arith.addf %mul3A_15, %mul3A_16 : vector<128x1xf32>
    %mul3A_17 = arith.mulf %get3A_14, %get3A_14 : vector<128x1xf32>
    %add3A_18 = arith.addf %add3A, %mul3A_17 : vector<128x1xf32>
    %convert_element_type3A = arith.truncf %get3A_4 : vector<128x1xf32> to vector<128x1xbf16>
    %convert_element_type3A_19 = arith.extf %convert_element_type3A : vector<128x1xbf16> to vector<128x1xf32>
    %mul3A_20 = arith.constant -2.000000e+00 : f32
    %mul3A_21 = vector.broadcast %mul3A_20 : f32 to vector<128x1xf32>
    %mul3A_22 = arith.mulf %convert_element_type3A_19, %mul3A_21 : vector<128x1xf32>
    %convert_element_type3A_23 = arith.truncf %get3A_9 : vector<128x1xf32> to vector<128x1xbf16>
    %convert_element_type3A_24 = arith.extf %convert_element_type3A_23 : vector<128x1xbf16> to vector<128x1xf32>
    %mul3A_25 = arith.constant -2.000000e+00 : f32
    %mul3A_26 = vector.broadcast %mul3A_25 : f32 to vector<128x1xf32>
    %mul3A_27 = arith.mulf %convert_element_type3A_24, %mul3A_26 : vector<128x1xf32>
    %convert_element_type3A_28 = arith.truncf %get3A_14 : vector<128x1xf32> to vector<128x1xbf16>
    %convert_element_type3A_29 = arith.extf %convert_element_type3A_28 : vector<128x1xbf16> to vector<128x1xf32>
    %mul3A_30 = arith.constant -2.000000e+00 : f32
    %mul3A_31 = vector.broadcast %mul3A_30 : f32 to vector<128x1xf32>
    %mul3A_32 = arith.mulf %convert_element_type3A_29, %mul3A_31 : vector<128x1xf32>
    %iota3A = tpu.iota {dimensions = array<i32: 0>} : vector<128x1xi32>
    %add3A_33 = vector.broadcast %mul3A_0 : i32 to vector<128x1xi32>
    %add3A_34 = arith.addi %add3A_33, %iota3A : vector<128x1xi32>
    %iota3A_35 = tpu.iota {dimensions = array<i32: 1>} : vector<128x512xi32>
    %iota3A_36 = tpu.iota {dimensions = array<i32: 0>} : vector<512x512xi32>
    %iota3A_37 = tpu.iota {dimensions = array<i32: 1>} : vector<512x512xi32>
    %lt3A = arith.cmpi slt, %iota3A_36, %iota3A_37 : vector<512x512xi32>
    %convert_element_type3A_38 = arith.extui %lt3A : vector<512x512xi1> to vector<512x512xi32>
    %convert_element_type3A_39 = arith.sitofp %convert_element_type3A_38 : vector<512x512xi32> to vector<512x512xf32>
    %broadcast_in_dim3A = arith.constant 0.000000e+00 : f32
    %broadcast_in_dim3A_40 = vector.broadcast %broadcast_in_dim3A : f32 to vector<128x1xf32>
    %broadcast_in_dim3A_41 = arith.constant 1048576 : i32
    %broadcast_in_dim3A_42 = vector.broadcast %broadcast_in_dim3A_41 : i32 to vector<128x512xi32>
    %broadcast_in_dim3A_43 = arith.constant 1048576 : i32
    %broadcast_in_dim3A_44 = vector.broadcast %broadcast_in_dim3A_43 : i32 to vector<128x512xi32>
    %broadcast_in_dim3A_45 = arith.constant 1048576 : i32
    %broadcast_in_dim3A_46 = vector.broadcast %broadcast_in_dim3A_45 : i32 to vector<128x512xi32>
    %broadcast_in_dim3A_47 = arith.constant 1048576 : i32
    %broadcast_in_dim3A_48 = vector.broadcast %broadcast_in_dim3A_47 : i32 to vector<128x512xi32>
    %broadcast_in_dim3A_49 = arith.constant 1048576 : i32
    %broadcast_in_dim3A_50 = vector.broadcast %broadcast_in_dim3A_49 : i32 to vector<128x512xi32>
    %broadcast_in_dim3A_51 = arith.constant 1048576 : i32
    %broadcast_in_dim3A_52 = vector.broadcast %broadcast_in_dim3A_51 : i32 to vector<128x512xi32>
    %broadcast_in_dim3A_53 = arith.constant 1048576 : i32
    %broadcast_in_dim3A_54 = vector.broadcast %broadcast_in_dim3A_53 : i32 to vector<128x512xi32>
    %get3A_55 = arith.constant 0 : index
    %get3A_56 = arith.constant 0 : index
    %get3A_57 = arith.constant 0 : index
    %get3A_58 = vector.load %arg2[%get3A_55, %get3A_56, %get3A_57] : memref<1x3x2048xf32, #tpu.memory_space<vmem>>, vector<1x1x512xf32>
    %get3A_59 = vector.shape_cast %get3A_58 : vector<1x1x512xf32> to vector<1x512xf32>
    %get3A_60 = arith.constant 0 : index
    %get3A_61 = arith.constant 1 : index
    %get3A_62 = arith.constant 0 : index
    %get3A_63 = vector.load %arg2[%get3A_60, %get3A_61, %get3A_62] : memref<1x3x2048xf32, #tpu.memory_space<vmem>>, vector<1x1x512xf32>
    %get3A_64 = vector.shape_cast %get3A_63 : vector<1x1x512xf32> to vector<1x512xf32>
    %get3A_65 = arith.constant 0 : index
    %get3A_66 = arith.constant 2 : index
    %get3A_67 = arith.constant 0 : index
    %get3A_68 = vector.load %arg2[%get3A_65, %get3A_66, %get3A_67] : memref<1x3x2048xf32, #tpu.memory_space<vmem>>, vector<1x1x512xf32>
    %get3A_69 = vector.shape_cast %get3A_68 : vector<1x1x512xf32> to vector<1x512xf32>
    %sub3A = vector.broadcast %get3A_59 : vector<1x512xf32> to vector<128x512xf32>
    %sub3A_70 = vector.broadcast %get3A_4 : vector<128x1xf32> to vector<128x512xf32>
    %sub3A_71 = arith.subf %sub3A, %sub3A_70 : vector<128x512xf32>
    %sub3A_72 = vector.broadcast %get3A_64 : vector<1x512xf32> to vector<128x512xf32>
    %sub3A_73 = vector.broadcast %get3A_9 : vector<128x1xf32> to vector<128x512xf32>
    %sub3A_74 = arith.subf %sub3A_72, %sub3A_73 : vector<128x512xf32>
    %sub3A_75 = vector.broadcast %get3A_69 : vector<1x512xf32> to vector<128x512xf32>
    %sub3A_76 = vector.broadcast %get3A_14 : vector<128x1xf32> to vector<128x512xf32>
    %sub3A_77 = arith.subf %sub3A_75, %sub3A_76 : vector<128x512xf32>
    %mul3A_78 = arith.mulf %get3A_59, %get3A_59 : vector<1x512xf32>
    %mul3A_79 = arith.mulf %get3A_64, %get3A_64 : vector<1x512xf32>
    %add3A_80 = arith.addf %mul3A_78, %mul3A_79 : vector<1x512xf32>
    %mul3A_81 = arith.mulf %get3A_69, %get3A_69 : vector<1x512xf32>
    %add3A_82 = arith.addf %add3A_80, %mul3A_81 : vector<1x512xf32>
    %convert_element_type3A_83 = arith.truncf %get3A_59 : vector<1x512xf32> to vector<1x512xbf16>
    %convert_element_type3A_84 = arith.extf %convert_element_type3A_83 : vector<1x512xbf16> to vector<1x512xf32>
    %convert_element_type3A_85 = arith.truncf %get3A_64 : vector<1x512xf32> to vector<1x512xbf16>
    %convert_element_type3A_86 = arith.extf %convert_element_type3A_85 : vector<1x512xbf16> to vector<1x512xf32>
    %convert_element_type3A_87 = arith.truncf %get3A_69 : vector<1x512xf32> to vector<1x512xbf16>
    %convert_element_type3A_88 = arith.extf %convert_element_type3A_87 : vector<1x512xbf16> to vector<1x512xf32>
    %mul3A_89 = vector.broadcast %mul3A_22 : vector<128x1xf32> to vector<128x512xf32>
    %mul3A_90 = vector.broadcast %convert_element_type3A_84 : vector<1x512xf32> to vector<128x512xf32>
    %mul3A_91 = arith.mulf %mul3A_89, %mul3A_90 : vector<128x512xf32>
    %mul3A_92 = vector.broadcast %mul3A_27 : vector<128x1xf32> to vector<128x512xf32>
    %mul3A_93 = vector.broadcast %convert_element_type3A_86 : vector<1x512xf32> to vector<128x512xf32>
    %mul3A_94 = arith.mulf %mul3A_92, %mul3A_93 : vector<128x512xf32>
    %add3A_95 = arith.addf %mul3A_91, %mul3A_94 : vector<128x512xf32>
    %mul3A_96 = vector.broadcast %mul3A_32 : vector<128x1xf32> to vector<128x512xf32>
    %mul3A_97 = vector.broadcast %convert_element_type3A_88 : vector<1x512xf32> to vector<128x512xf32>
    %mul3A_98 = arith.mulf %mul3A_96, %mul3A_97 : vector<128x512xf32>
    %add3A_99 = arith.addf %add3A_95, %mul3A_98 : vector<128x512xf32>
    %add3A_100 = vector.broadcast %add3A_18 : vector<128x1xf32> to vector<128x512xf32>
    %add3A_101 = vector.broadcast %add3A_82 : vector<1x512xf32> to vector<128x512xf32>
    %add3A_102 = arith.addf %add3A_100, %add3A_101 : vector<128x512xf32>
    %add3A_103 = arith.addf %add3A_102, %add3A_99 : vector<128x512xf32>
    %add3A_104 = arith.constant 0 : i32
    %add3A_105 = vector.broadcast %add3A_104 : i32 to vector<128x512xi32>
    %add3A_106 = arith.addi %add3A_105, %iota3A_35 : vector<128x512xi32>
    %lt3A_107 = arith.constant 4.000000e-02 : f32
    %lt3A_108 = vector.broadcast %lt3A_107 : f32 to vector<128x512xf32>
    %lt3A_109 = arith.cmpf olt, %add3A_103, %lt3A_108 : vector<128x512xf32>
    %ne3A = vector.broadcast %add3A_34 : vector<128x1xi32> to vector<128x512xi32>
    %ne3A_110 = arith.cmpi ne, %add3A_106, %ne3A : vector<128x512xi32>
    %and3A = arith.andi %lt3A_109, %ne3A_110 : vector<128x512xi1>
    %convert_element_type3A_111 = arith.extui %and3A : vector<128x512xi1> to vector<128x512xi32>
    %convert_element_type3A_112 = arith.sitofp %convert_element_type3A_111 : vector<128x512xi32> to vector<128x512xf32>
    %dot_general3A = arith.constant dense<0.000000e+00> : vector<128x512xf32>
    %dot_general3A_113 = tpu.matmul %convert_element_type3A_112, %convert_element_type3A_39, %dot_general3A {dimension_numbers = #tpu.dot_dimension_numbers<[1], [0], [0], [1], [0, 0, 1, 1], [], []>, transpose_lhs_hint = false} : vector<128x512xf32>, vector<512x512xf32>, vector<128x512xf32> -> vector<128x512xf32>
    %add3A_114 = vector.broadcast %broadcast_in_dim3A_40 : vector<128x1xf32> to vector<128x512xf32>
    %add3A_115 = arith.addf %dot_general3A_113, %add3A_114 : vector<128x512xf32>
    %lt3A_116 = arith.constant 3.100000e+01 : f32
    %lt3A_117 = vector.broadcast %lt3A_116 : f32 to vector<128x512xf32>
    %lt3A_118 = arith.cmpf olt, %add3A_115, %lt3A_117 : vector<128x512xf32>
    %and3A_119 = arith.andi %and3A, %lt3A_118 : vector<128x512xi1>
    %gt3A = arith.constant 0.000000e+00 : f32
    %gt3A_120 = vector.broadcast %gt3A : f32 to vector<128x512xf32>
    %gt3A_121 = arith.cmpf ogt, %sub3A_71, %gt3A_120 : vector<128x512xf32>
    %convert_element_type3A_122 = arith.extui %gt3A_121 : vector<128x512xi1> to vector<128x512xi32>
    %mul3A_123 = arith.constant 4 : i32
    %mul3A_124 = vector.broadcast %mul3A_123 : i32 to vector<128x512xi32>
    %mul3A_125 = arith.muli %convert_element_type3A_122, %mul3A_124 : vector<128x512xi32>
    %gt3A_126 = arith.constant 0.000000e+00 : f32
    %gt3A_127 = vector.broadcast %gt3A_126 : f32 to vector<128x512xf32>
    %gt3A_128 = arith.cmpf ogt, %sub3A_74, %gt3A_127 : vector<128x512xf32>
    %convert_element_type3A_129 = arith.extui %gt3A_128 : vector<128x512xi1> to vector<128x512xi32>
    %mul3A_130 = arith.constant 2 : i32
    %mul3A_131 = vector.broadcast %mul3A_130 : i32 to vector<128x512xi32>
    %mul3A_132 = arith.muli %convert_element_type3A_129, %mul3A_131 : vector<128x512xi32>
    %add3A_133 = arith.addi %mul3A_125, %mul3A_132 : vector<128x512xi32>
    %gt3A_134 = arith.constant 0.000000e+00 : f32
    %gt3A_135 = vector.broadcast %gt3A_134 : f32 to vector<128x512xf32>
    %gt3A_136 = arith.cmpf ogt, %sub3A_77, %gt3A_135 : vector<128x512xf32>
    %convert_element_type3A_137 = arith.extui %gt3A_136 : vector<128x512xi1> to vector<128x512xi32>
    %add3A_138 = arith.addi %add3A_133, %convert_element_type3A_137 : vector<128x512xi32>
    %jit3A = arith.constant 1048576 : i32
    %broadcast_in_dim3A_139 = vector.broadcast %jit3A : i32 to vector<128x512xi32>
    %select_n3A = arith.select %and3A_119, %add3A_106, %broadcast_in_dim3A_139 : vector<128x512xi1>, vector<128x512xi32>
    %eq3A = arith.constant 1 : i32
    %eq3A_140 = vector.broadcast %eq3A : i32 to vector<128x512xi32>
    %eq3A_141 = arith.cmpi eq, %add3A_138, %eq3A_140 : vector<128x512xi32>
    %jit3A_142 = arith.constant 1048576 : i32
    %broadcast_in_dim3A_143 = vector.broadcast %jit3A_142 : i32 to vector<128x512xi32>
    %select_n3A_144 = arith.select %eq3A_141, %select_n3A, %broadcast_in_dim3A_143 : vector<128x512xi1>, vector<128x512xi32>
    %min3A = arith.minsi %broadcast_in_dim3A_42, %select_n3A_144 : vector<128x512xi32>
    %eq3A_145 = arith.constant 2 : i32
    %eq3A_146 = vector.broadcast %eq3A_145 : i32 to vector<128x512xi32>
    %eq3A_147 = arith.cmpi eq, %add3A_138, %eq3A_146 : vector<128x512xi32>
    %jit3A_148 = arith.constant 1048576 : i32
    %broadcast_in_dim3A_149 = vector.broadcast %jit3A_148 : i32 to vector<128x512xi32>
    %select_n3A_150 = arith.select %eq3A_147, %select_n3A, %broadcast_in_dim3A_149 : vector<128x512xi1>, vector<128x512xi32>
    %min3A_151 = arith.minsi %broadcast_in_dim3A_44, %select_n3A_150 : vector<128x512xi32>
    %eq3A_152 = arith.constant 3 : i32
    %eq3A_153 = vector.broadcast %eq3A_152 : i32 to vector<128x512xi32>
    %eq3A_154 = arith.cmpi eq, %add3A_138, %eq3A_153 : vector<128x512xi32>
    %jit3A_155 = arith.constant 1048576 : i32
    %broadcast_in_dim3A_156 = vector.broadcast %jit3A_155 : i32 to vector<128x512xi32>
    %select_n3A_157 = arith.select %eq3A_154, %select_n3A, %broadcast_in_dim3A_156 : vector<128x512xi1>, vector<128x512xi32>
    %min3A_158 = arith.minsi %broadcast_in_dim3A_46, %select_n3A_157 : vector<128x512xi32>
    %eq3A_159 = arith.constant 4 : i32
    %eq3A_160 = vector.broadcast %eq3A_159 : i32 to vector<128x512xi32>
    %eq3A_161 = arith.cmpi eq, %add3A_138, %eq3A_160 : vector<128x512xi32>
    %jit3A_162 = arith.constant 1048576 : i32
    %broadcast_in_dim3A_163 = vector.broadcast %jit3A_162 : i32 to vector<128x512xi32>
    %select_n3A_164 = arith.select %eq3A_161, %select_n3A, %broadcast_in_dim3A_163 : vector<128x512xi1>, vector<128x512xi32>
    %min3A_165 = arith.minsi %broadcast_in_dim3A_48, %select_n3A_164 : vector<128x512xi32>
    %eq3A_166 = arith.constant 5 : i32
    %eq3A_167 = vector.broadcast %eq3A_166 : i32 to vector<128x512xi32>
    %eq3A_168 = arith.cmpi eq, %add3A_138, %eq3A_167 : vector<128x512xi32>
    %jit3A_169 = arith.constant 1048576 : i32
    %broadcast_in_dim3A_170 = vector.broadcast %jit3A_169 : i32 to vector<128x512xi32>
    %select_n3A_171 = arith.select %eq3A_168, %select_n3A, %broadcast_in_dim3A_170 : vector<128x512xi1>, vector<128x512xi32>
    %min3A_172 = arith.minsi %broadcast_in_dim3A_50, %select_n3A_171 : vector<128x512xi32>
    %eq3A_173 = arith.constant 6 : i32
    %eq3A_174 = vector.broadcast %eq3A_173 : i32 to vector<128x512xi32>
    %eq3A_175 = arith.cmpi eq, %add3A_138, %eq3A_174 : vector<128x512xi32>
    %jit3A_176 = arith.constant 1048576 : i32
    %broadcast_in_dim3A_177 = vector.broadcast %jit3A_176 : i32 to vector<128x512xi32>
    %select_n3A_178 = arith.select %eq3A_175, %select_n3A, %broadcast_in_dim3A_177 : vector<128x512xi1>, vector<128x512xi32>
    %min3A_179 = arith.minsi %broadcast_in_dim3A_52, %select_n3A_178 : vector<128x512xi32>
    %eq3A_180 = arith.constant 7 : i32
    %eq3A_181 = vector.broadcast %eq3A_180 : i32 to vector<128x512xi32>
    %eq3A_182 = arith.cmpi eq, %add3A_138, %eq3A_181 : vector<128x512xi32>
    %jit3A_183 = arith.constant 1048576 : i32
    %broadcast_in_dim3A_184 = vector.broadcast %jit3A_183 : i32 to vector<128x512xi32>
    %select_n3A_185 = arith.select %eq3A_182, %select_n3A, %broadcast_in_dim3A_184 : vector<128x512xi1>, vector<128x512xi32>
    %min3A_186 = arith.minsi %broadcast_in_dim3A_54, %select_n3A_185 : vector<128x512xi32>
    %slice3A = vector.extract_strided_slice %add3A_115 {offsets = [0, 511], sizes = [128, 1], strides = [1, 1]} : vector<128x512xf32> to vector<128x1xf32>
    %slice3A_187 = vector.extract_strided_slice %convert_element_type3A_112 {offsets = [0, 511], sizes = [128, 1], strides = [1, 1]} : vector<128x512xf32> to vector<128x1xf32>
    %add3A_188 = arith.addf %slice3A, %slice3A_187 : vector<128x1xf32>
    %get3A_189 = arith.constant 0 : index
    %get3A_190 = arith.constant 0 : index
    %get3A_191 = arith.constant 512 : index
    %get3A_192 = vector.load %arg2[%get3A_189, %get3A_190, %get3A_191] : memref<1x3x2048xf32, #tpu.memory_space<vmem>>, vector<1x1x512xf32>
    %get3A_193 = vector.shape_cast %get3A_192 : vector<1x1x512xf32> to vector<1x512xf32>
    %get3A_194 = arith.constant 0 : index
    %get3A_195 = arith.constant 1 : index
    %get3A_196 = arith.constant 512 : index
    %get3A_197 = vector.load %arg2[%get3A_194, %get3A_195, %get3A_196] : memref<1x3x2048xf32, #tpu.memory_space<vmem>>, vector<1x1x512xf32>
    %get3A_198 = vector.shape_cast %get3A_197 : vector<1x1x512xf32> to vector<1x512xf32>
    %get3A_199 = arith.constant 0 : index
    %get3A_200 = arith.constant 2 : index
    %get3A_201 = arith.constant 512 : index
    %get3A_202 = vector.load %arg2[%get3A_199, %get3A_200, %get3A_201] : memref<1x3x2048xf32, #tpu.memory_space<vmem>>, vector<1x1x512xf32>
    %get3A_203 = vector.shape_cast %get3A_202 : vector<1x1x512xf32> to vector<1x512xf32>
    %sub3A_204 = vector.broadcast %get3A_193 : vector<1x512xf32> to vector<128x512xf32>
    %sub3A_205 = vector.broadcast %get3A_4 : vector<128x1xf32> to vector<128x512xf32>
    %sub3A_206 = arith.subf %sub3A_204, %sub3A_205 : vector<128x512xf32>
    %sub3A_207 = vector.broadcast %get3A_198 : vector<1x512xf32> to vector<128x512xf32>
    %sub3A_208 = vector.broadcast %get3A_9 : vector<128x1xf32> to vector<128x512xf32>
    %sub3A_209 = arith.subf %sub3A_207, %sub3A_208 : vector<128x512xf32>
    %sub3A_210 = vector.broadcast %get3A_203 : vector<1x512xf32> to vector<128x512xf32>
    %sub3A_211 = vector.broadcast %get3A_14 : vector<128x1xf32> to vector<128x512xf32>
    %sub3A_212 = arith.subf %sub3A_210, %sub3A_211 : vector<128x512xf32>
    %mul3A_213 = arith.mulf %get3A_193, %get3A_193 : vector<1x512xf32>
    %mul3A_214 = arith.mulf %get3A_198, %get3A_198 : vector<1x512xf32>
    %add3A_215 = arith.addf %mul3A_213, %mul3A_214 : vector<1x512xf32>
    %mul3A_216 = arith.mulf %get3A_203, %get3A_203 : vector<1x512xf32>
    %add3A_217 = arith.addf %add3A_215, %mul3A_216 : vector<1x512xf32>
    %convert_element_type3A_218 = arith.truncf %get3A_193 : vector<1x512xf32> to vector<1x512xbf16>
    %convert_element_type3A_219 = arith.extf %convert_element_type3A_218 : vector<1x512xbf16> to vector<1x512xf32>
    %convert_element_type3A_220 = arith.truncf %get3A_198 : vector<1x512xf32> to vector<1x512xbf16>
    %convert_element_type3A_221 = arith.extf %convert_element_type3A_220 : vector<1x512xbf16> to vector<1x512xf32>
    %convert_element_type3A_222 = arith.truncf %get3A_203 : vector<1x512xf32> to vector<1x512xbf16>
    %convert_element_type3A_223 = arith.extf %convert_element_type3A_222 : vector<1x512xbf16> to vector<1x512xf32>
    %mul3A_224 = vector.broadcast %mul3A_22 : vector<128x1xf32> to vector<128x512xf32>
    %mul3A_225 = vector.broadcast %convert_element_type3A_219 : vector<1x512xf32> to vector<128x512xf32>
    %mul3A_226 = arith.mulf %mul3A_224, %mul3A_225 : vector<128x512xf32>
    %mul3A_227 = vector.broadcast %mul3A_27 : vector<128x1xf32> to vector<128x512xf32>
    %mul3A_228 = vector.broadcast %convert_element_type3A_221 : vector<1x512xf32> to vector<128x512xf32>
    %mul3A_229 = arith.mulf %mul3A_227, %mul3A_228 : vector<128x512xf32>
    %add3A_230 = arith.addf %mul3A_226, %mul3A_229 : vector<128x512xf32>
    %mul3A_231 = vector.broadcast %mul3A_32 : vector<128x1xf32> to vector<128x512xf32>
    %mul3A_232 = vector.broadcast %convert_element_type3A_223 : vector<1x512xf32> to vector<128x512xf32>
    %mul3A_233 = arith.mulf %mul3A_231, %mul3A_232 : vector<128x512xf32>
    %add3A_234 = arith.addf %add3A_230, %mul3A_233 : vector<128x512xf32>
    %add3A_235 = vector.broadcast %add3A_18 : vector<128x1xf32> to vector<128x512xf32>
    %add3A_236 = vector.broadcast %add3A_217 : vector<1x512xf32> to vector<128x512xf32>
    %add3A_237 = arith.addf %add3A_235, %add3A_236 : vector<128x512xf32>
    %add3A_238 = arith.addf %add3A_237, %add3A_234 : vector<128x512xf32>
    %add3A_239 = arith.constant 512 : i32
    %add3A_240 = vector.broadcast %add3A_239 : i32 to vector<128x512xi32>
    %add3A_241 = arith.addi %add3A_240, %iota3A_35 : vector<128x512xi32>
    %lt3A_242 = arith.constant 4.000000e-02 : f32
    %lt3A_243 = vector.broadcast %lt3A_242 : f32 to vector<128x512xf32>
    %lt3A_244 = arith.cmpf olt, %add3A_238, %lt3A_243 : vector<128x512xf32>
    %ne3A_245 = vector.broadcast %add3A_34 : vector<128x1xi32> to vector<128x512xi32>
    %ne3A_246 = arith.cmpi ne, %add3A_241, %ne3A_245 : vector<128x512xi32>
    %and3A_247 = arith.andi %lt3A_244, %ne3A_246 : vector<128x512xi1>
    %convert_element_type3A_248 = arith.extui %and3A_247 : vector<128x512xi1> to vector<128x512xi32>
    %convert_element_type3A_249 = arith.sitofp %convert_element_type3A_248 : vector<128x512xi32> to vector<128x512xf32>
    %dot_general3A_250 = arith.constant dense<0.000000e+00> : vector<128x512xf32>
    %dot_general3A_251 = tpu.matmul %convert_element_type3A_249, %convert_element_type3A_39, %dot_general3A_250 {dimension_numbers = #tpu.dot_dimension_numbers<[1], [0], [0], [1], [0, 0, 1, 1], [], []>, transpose_lhs_hint = false} : vector<128x512xf32>, vector<512x512xf32>, vector<128x512xf32> -> vector<128x512xf32>
    %add3A_252 = vector.broadcast %add3A_188 : vector<128x1xf32> to vector<128x512xf32>
    %add3A_253 = arith.addf %dot_general3A_251, %add3A_252 : vector<128x512xf32>
    %lt3A_254 = arith.constant 3.100000e+01 : f32
    %lt3A_255 = vector.broadcast %lt3A_254 : f32 to vector<128x512xf32>
    %lt3A_256 = arith.cmpf olt, %add3A_253, %lt3A_255 : vector<128x512xf32>
    %and3A_257 = arith.andi %and3A_247, %lt3A_256 : vector<128x512xi1>
    %gt3A_258 = arith.constant 0.000000e+00 : f32
    %gt3A_259 = vector.broadcast %gt3A_258 : f32 to vector<128x512xf32>
    %gt3A_260 = arith.cmpf ogt, %sub3A_206, %gt3A_259 : vector<128x512xf32>
    %convert_element_type3A_261 = arith.extui %gt3A_260 : vector<128x512xi1> to vector<128x512xi32>
    %mul3A_262 = arith.constant 4 : i32
    %mul3A_263 = vector.broadcast %mul3A_262 : i32 to vector<128x512xi32>
    %mul3A_264 = arith.muli %convert_element_type3A_261, %mul3A_263 : vector<128x512xi32>
    %gt3A_265 = arith.constant 0.000000e+00 : f32
    %gt3A_266 = vector.broadcast %gt3A_265 : f32 to vector<128x512xf32>
    %gt3A_267 = arith.cmpf ogt, %sub3A_209, %gt3A_266 : vector<128x512xf32>
    %convert_element_type3A_268 = arith.extui %gt3A_267 : vector<128x512xi1> to vector<128x512xi32>
    %mul3A_269 = arith.constant 2 : i32
    %mul3A_270 = vector.broadcast %mul3A_269 : i32 to vector<128x512xi32>
    %mul3A_271 = arith.muli %convert_element_type3A_268, %mul3A_270 : vector<128x512xi32>
    %add3A_272 = arith.addi %mul3A_264, %mul3A_271 : vector<128x512xi32>
    %gt3A_273 = arith.constant 0.000000e+00 : f32
    %gt3A_274 = vector.broadcast %gt3A_273 : f32 to vector<128x512xf32>
    %gt3A_275 = arith.cmpf ogt, %sub3A_212, %gt3A_274 : vector<128x512xf32>
    %convert_element_type3A_276 = arith.extui %gt3A_275 : vector<128x512xi1> to vector<128x512xi32>
    %add3A_277 = arith.addi %add3A_272, %convert_element_type3A_276 : vector<128x512xi32>
    %jit3A_278 = arith.constant 1048576 : i32
    %broadcast_in_dim3A_279 = vector.broadcast %jit3A_278 : i32 to vector<128x512xi32>
    %select_n3A_280 = arith.select %and3A_257, %add3A_241, %broadcast_in_dim3A_279 : vector<128x512xi1>, vector<128x512xi32>
    %eq3A_281 = arith.constant 1 : i32
    %eq3A_282 = vector.broadcast %eq3A_281 : i32 to vector<128x512xi32>
    %eq3A_283 = arith.cmpi eq, %add3A_277, %eq3A_282 : vector<128x512xi32>
    %jit3A_284 = arith.constant 1048576 : i32
    %broadcast_in_dim3A_285 = vector.broadcast %jit3A_284 : i32 to vector<128x512xi32>
    %select_n3A_286 = arith.select %eq3A_283, %select_n3A_280, %broadcast_in_dim3A_285 : vector<128x512xi1>, vector<128x512xi32>
    %min3A_287 = arith.minsi %min3A, %select_n3A_286 : vector<128x512xi32>
    %eq3A_288 = arith.constant 2 : i32
    %eq3A_289 = vector.broadcast %eq3A_288 : i32 to vector<128x512xi32>
    %eq3A_290 = arith.cmpi eq, %add3A_277, %eq3A_289 : vector<128x512xi32>
    %jit3A_291 = arith.constant 1048576 : i32
    %broadcast_in_dim3A_292 = vector.broadcast %jit3A_291 : i32 to vector<128x512xi32>
    %select_n3A_293 = arith.select %eq3A_290, %select_n3A_280, %broadcast_in_dim3A_292 : vector<128x512xi1>, vector<128x512xi32>
    %min3A_294 = arith.minsi %min3A_151, %select_n3A_293 : vector<128x512xi32>
    %eq3A_295 = arith.constant 3 : i32
    %eq3A_296 = vector.broadcast %eq3A_295 : i32 to vector<128x512xi32>
    %eq3A_297 = arith.cmpi eq, %add3A_277, %eq3A_296 : vector<128x512xi32>
    %jit3A_298 = arith.constant 1048576 : i32
    %broadcast_in_dim3A_299 = vector.broadcast %jit3A_298 : i32 to vector<128x512xi32>
    %select_n3A_300 = arith.select %eq3A_297, %select_n3A_280, %broadcast_in_dim3A_299 : vector<128x512xi1>, vector<128x512xi32>
    %min3A_301 = arith.minsi %min3A_158, %select_n3A_300 : vector<128x512xi32>
    %eq3A_302 = arith.constant 4 : i32
    %eq3A_303 = vector.broadcast %eq3A_302 : i32 to vector<128x512xi32>
    %eq3A_304 = arith.cmpi eq, %add3A_277, %eq3A_303 : vector<128x512xi32>
    %jit3A_305 = arith.constant 1048576 : i32
    %broadcast_in_dim3A_306 = vector.broadcast %jit3A_305 : i32 to vector<128x512xi32>
    %select_n3A_307 = arith.select %eq3A_304, %select_n3A_280, %broadcast_in_dim3A_306 : vector<128x512xi1>, vector<128x512xi32>
    %min3A_308 = arith.minsi %min3A_165, %select_n3A_307 : vector<128x512xi32>
    %eq3A_309 = arith.constant 5 : i32
    %eq3A_310 = vector.broadcast %eq3A_309 : i32 to vector<128x512xi32>
    %eq3A_311 = arith.cmpi eq, %add3A_277, %eq3A_310 : vector<128x512xi32>
    %jit3A_312 = arith.constant 1048576 : i32
    %broadcast_in_dim3A_313 = vector.broadcast %jit3A_312 : i32 to vector<128x512xi32>
    %select_n3A_314 = arith.select %eq3A_311, %select_n3A_280, %broadcast_in_dim3A_313 : vector<128x512xi1>, vector<128x512xi32>
    %min3A_315 = arith.minsi %min3A_172, %select_n3A_314 : vector<128x512xi32>
    %eq3A_316 = arith.constant 6 : i32
    %eq3A_317 = vector.broadcast %eq3A_316 : i32 to vector<128x512xi32>
    %eq3A_318 = arith.cmpi eq, %add3A_277, %eq3A_317 : vector<128x512xi32>
    %jit3A_319 = arith.constant 1048576 : i32
    %broadcast_in_dim3A_320 = vector.broadcast %jit3A_319 : i32 to vector<128x512xi32>
    %select_n3A_321 = arith.select %eq3A_318, %select_n3A_280, %broadcast_in_dim3A_320 : vector<128x512xi1>, vector<128x512xi32>
    %min3A_322 = arith.minsi %min3A_179, %select_n3A_321 : vector<128x512xi32>
    %eq3A_323 = arith.constant 7 : i32
    %eq3A_324 = vector.broadcast %eq3A_323 : i32 to vector<128x512xi32>
    %eq3A_325 = arith.cmpi eq, %add3A_277, %eq3A_324 : vector<128x512xi32>
    %jit3A_326 = arith.constant 1048576 : i32
    %broadcast_in_dim3A_327 = vector.broadcast %jit3A_326 : i32 to vector<128x512xi32>
    %select_n3A_328 = arith.select %eq3A_325, %select_n3A_280, %broadcast_in_dim3A_327 : vector<128x512xi1>, vector<128x512xi32>
    %min3A_329 = arith.minsi %min3A_186, %select_n3A_328 : vector<128x512xi32>
    %slice3A_330 = vector.extract_strided_slice %add3A_253 {offsets = [0, 511], sizes = [128, 1], strides = [1, 1]} : vector<128x512xf32> to vector<128x1xf32>
    %slice3A_331 = vector.extract_strided_slice %convert_element_type3A_249 {offsets = [0, 511], sizes = [128, 1], strides = [1, 1]} : vector<128x512xf32> to vector<128x1xf32>
    %add3A_332 = arith.addf %slice3A_330, %slice3A_331 : vector<128x1xf32>
    %get3A_333 = arith.constant 0 : index
    %get3A_334 = arith.constant 0 : index
    %get3A_335 = arith.constant 1024 : index
    %get3A_336 = vector.load %arg2[%get3A_333, %get3A_334, %get3A_335] : memref<1x3x2048xf32, #tpu.memory_space<vmem>>, vector<1x1x512xf32>
    %get3A_337 = vector.shape_cast %get3A_336 : vector<1x1x512xf32> to vector<1x512xf32>
    %get3A_338 = arith.constant 0 : index
    %get3A_339 = arith.constant 1 : index
    %get3A_340 = arith.constant 1024 : index
    %get3A_341 = vector.load %arg2[%get3A_338, %get3A_339, %get3A_340] : memref<1x3x2048xf32, #tpu.memory_space<vmem>>, vector<1x1x512xf32>
    %get3A_342 = vector.shape_cast %get3A_341 : vector<1x1x512xf32> to vector<1x512xf32>
    %get3A_343 = arith.constant 0 : index
    %get3A_344 = arith.constant 2 : index
    %get3A_345 = arith.constant 1024 : index
    %get3A_346 = vector.load %arg2[%get3A_343, %get3A_344, %get3A_345] : memref<1x3x2048xf32, #tpu.memory_space<vmem>>, vector<1x1x512xf32>
    %get3A_347 = vector.shape_cast %get3A_346 : vector<1x1x512xf32> to vector<1x512xf32>
    %sub3A_348 = vector.broadcast %get3A_337 : vector<1x512xf32> to vector<128x512xf32>
    %sub3A_349 = vector.broadcast %get3A_4 : vector<128x1xf32> to vector<128x512xf32>
    %sub3A_350 = arith.subf %sub3A_348, %sub3A_349 : vector<128x512xf32>
    %sub3A_351 = vector.broadcast %get3A_342 : vector<1x512xf32> to vector<128x512xf32>
    %sub3A_352 = vector.broadcast %get3A_9 : vector<128x1xf32> to vector<128x512xf32>
    %sub3A_353 = arith.subf %sub3A_351, %sub3A_352 : vector<128x512xf32>
    %sub3A_354 = vector.broadcast %get3A_347 : vector<1x512xf32> to vector<128x512xf32>
    %sub3A_355 = vector.broadcast %get3A_14 : vector<128x1xf32> to vector<128x512xf32>
    %sub3A_356 = arith.subf %sub3A_354, %sub3A_355 : vector<128x512xf32>
    %mul3A_357 = arith.mulf %get3A_337, %get3A_337 : vector<1x512xf32>
    %mul3A_358 = arith.mulf %get3A_342, %get3A_342 : vector<1x512xf32>
    %add3A_359 = arith.addf %mul3A_357, %mul3A_358 : vector<1x512xf32>
    %mul3A_360 = arith.mulf %get3A_347, %get3A_347 : vector<1x512xf32>
    %add3A_361 = arith.addf %add3A_359, %mul3A_360 : vector<1x512xf32>
    %convert_element_type3A_362 = arith.truncf %get3A_337 : vector<1x512xf32> to vector<1x512xbf16>
    %convert_element_type3A_363 = arith.extf %convert_element_type3A_362 : vector<1x512xbf16> to vector<1x512xf32>
    %convert_element_type3A_364 = arith.truncf %get3A_342 : vector<1x512xf32> to vector<1x512xbf16>
    %convert_element_type3A_365 = arith.extf %convert_element_type3A_364 : vector<1x512xbf16> to vector<1x512xf32>
    %convert_element_type3A_366 = arith.truncf %get3A_347 : vector<1x512xf32> to vector<1x512xbf16>
    %convert_element_type3A_367 = arith.extf %convert_element_type3A_366 : vector<1x512xbf16> to vector<1x512xf32>
    %mul3A_368 = vector.broadcast %mul3A_22 : vector<128x1xf32> to vector<128x512xf32>
    %mul3A_369 = vector.broadcast %convert_element_type3A_363 : vector<1x512xf32> to vector<128x512xf32>
    %mul3A_370 = arith.mulf %mul3A_368, %mul3A_369 : vector<128x512xf32>
    %mul3A_371 = vector.broadcast %mul3A_27 : vector<128x1xf32> to vector<128x512xf32>
    %mul3A_372 = vector.broadcast %convert_element_type3A_365 : vector<1x512xf32> to vector<128x512xf32>
    %mul3A_373 = arith.mulf %mul3A_371, %mul3A_372 : vector<128x512xf32>
    %add3A_374 = arith.addf %mul3A_370, %mul3A_373 : vector<128x512xf32>
    %mul3A_375 = vector.broadcast %mul3A_32 : vector<128x1xf32> to vector<128x512xf32>
    %mul3A_376 = vector.broadcast %convert_element_type3A_367 : vector<1x512xf32> to vector<128x512xf32>
    %mul3A_377 = arith.mulf %mul3A_375, %mul3A_376 : vector<128x512xf32>
    %add3A_378 = arith.addf %add3A_374, %mul3A_377 : vector<128x512xf32>
    %add3A_379 = vector.broadcast %add3A_18 : vector<128x1xf32> to vector<128x512xf32>
    %add3A_380 = vector.broadcast %add3A_361 : vector<1x512xf32> to vector<128x512xf32>
    %add3A_381 = arith.addf %add3A_379, %add3A_380 : vector<128x512xf32>
    %add3A_382 = arith.addf %add3A_381, %add3A_378 : vector<128x512xf32>
    %add3A_383 = arith.constant 1024 : i32
    %add3A_384 = vector.broadcast %add3A_383 : i32 to vector<128x512xi32>
    %add3A_385 = arith.addi %add3A_384, %iota3A_35 : vector<128x512xi32>
    %lt3A_386 = arith.constant 4.000000e-02 : f32
    %lt3A_387 = vector.broadcast %lt3A_386 : f32 to vector<128x512xf32>
    %lt3A_388 = arith.cmpf olt, %add3A_382, %lt3A_387 : vector<128x512xf32>
    %ne3A_389 = vector.broadcast %add3A_34 : vector<128x1xi32> to vector<128x512xi32>
    %ne3A_390 = arith.cmpi ne, %add3A_385, %ne3A_389 : vector<128x512xi32>
    %and3A_391 = arith.andi %lt3A_388, %ne3A_390 : vector<128x512xi1>
    %convert_element_type3A_392 = arith.extui %and3A_391 : vector<128x512xi1> to vector<128x512xi32>
    %convert_element_type3A_393 = arith.sitofp %convert_element_type3A_392 : vector<128x512xi32> to vector<128x512xf32>
    %dot_general3A_394 = arith.constant dense<0.000000e+00> : vector<128x512xf32>
    %dot_general3A_395 = tpu.matmul %convert_element_type3A_393, %convert_element_type3A_39, %dot_general3A_394 {dimension_numbers = #tpu.dot_dimension_numbers<[1], [0], [0], [1], [0, 0, 1, 1], [], []>, transpose_lhs_hint = false} : vector<128x512xf32>, vector<512x512xf32>, vector<128x512xf32> -> vector<128x512xf32>
    %add3A_396 = vector.broadcast %add3A_332 : vector<128x1xf32> to vector<128x512xf32>
    %add3A_397 = arith.addf %dot_general3A_395, %add3A_396 : vector<128x512xf32>
    %lt3A_398 = arith.constant 3.100000e+01 : f32
    %lt3A_399 = vector.broadcast %lt3A_398 : f32 to vector<128x512xf32>
    %lt3A_400 = arith.cmpf olt, %add3A_397, %lt3A_399 : vector<128x512xf32>
    %and3A_401 = arith.andi %and3A_391, %lt3A_400 : vector<128x512xi1>
    %gt3A_402 = arith.constant 0.000000e+00 : f32
    %gt3A_403 = vector.broadcast %gt3A_402 : f32 to vector<128x512xf32>
    %gt3A_404 = arith.cmpf ogt, %sub3A_350, %gt3A_403 : vector<128x512xf32>
    %convert_element_type3A_405 = arith.extui %gt3A_404 : vector<128x512xi1> to vector<128x512xi32>
    %mul3A_406 = arith.constant 4 : i32
    %mul3A_407 = vector.broadcast %mul3A_406 : i32 to vector<128x512xi32>
    %mul3A_408 = arith.muli %convert_element_type3A_405, %mul3A_407 : vector<128x512xi32>
    %gt3A_409 = arith.constant 0.000000e+00 : f32
    %gt3A_410 = vector.broadcast %gt3A_409 : f32 to vector<128x512xf32>
    %gt3A_411 = arith.cmpf ogt, %sub3A_353, %gt3A_410 : vector<128x512xf32>
    %convert_element_type3A_412 = arith.extui %gt3A_411 : vector<128x512xi1> to vector<128x512xi32>
    %mul3A_413 = arith.constant 2 : i32
    %mul3A_414 = vector.broadcast %mul3A_413 : i32 to vector<128x512xi32>
    %mul3A_415 = arith.muli %convert_element_type3A_412, %mul3A_414 : vector<128x512xi32>
    %add3A_416 = arith.addi %mul3A_408, %mul3A_415 : vector<128x512xi32>
    %gt3A_417 = arith.constant 0.000000e+00 : f32
    %gt3A_418 = vector.broadcast %gt3A_417 : f32 to vector<128x512xf32>
    %gt3A_419 = arith.cmpf ogt, %sub3A_356, %gt3A_418 : vector<128x512xf32>
    %convert_element_type3A_420 = arith.extui %gt3A_419 : vector<128x512xi1> to vector<128x512xi32>
    %add3A_421 = arith.addi %add3A_416, %convert_element_type3A_420 : vector<128x512xi32>
    %jit3A_422 = arith.constant 1048576 : i32
    %broadcast_in_dim3A_423 = vector.broadcast %jit3A_422 : i32 to vector<128x512xi32>
    %select_n3A_424 = arith.select %and3A_401, %add3A_385, %broadcast_in_dim3A_423 : vector<128x512xi1>, vector<128x512xi32>
    %eq3A_425 = arith.constant 1 : i32
    %eq3A_426 = vector.broadcast %eq3A_425 : i32 to vector<128x512xi32>
    %eq3A_427 = arith.cmpi eq, %add3A_421, %eq3A_426 : vector<128x512xi32>
    %jit3A_428 = arith.constant 1048576 : i32
    %broadcast_in_dim3A_429 = vector.broadcast %jit3A_428 : i32 to vector<128x512xi32>
    %select_n3A_430 = arith.select %eq3A_427, %select_n3A_424, %broadcast_in_dim3A_429 : vector<128x512xi1>, vector<128x512xi32>
    %min3A_431 = arith.minsi %min3A_287, %select_n3A_430 : vector<128x512xi32>
    %eq3A_432 = arith.constant 2 : i32
    %eq3A_433 = vector.broadcast %eq3A_432 : i32 to vector<128x512xi32>
    %eq3A_434 = arith.cmpi eq, %add3A_421, %eq3A_433 : vector<128x512xi32>
    %jit3A_435 = arith.constant 1048576 : i32
    %broadcast_in_dim3A_436 = vector.broadcast %jit3A_435 : i32 to vector<128x512xi32>
    %select_n3A_437 = arith.select %eq3A_434, %select_n3A_424, %broadcast_in_dim3A_436 : vector<128x512xi1>, vector<128x512xi32>
    %min3A_438 = arith.minsi %min3A_294, %select_n3A_437 : vector<128x512xi32>
    %eq3A_439 = arith.constant 3 : i32
    %eq3A_440 = vector.broadcast %eq3A_439 : i32 to vector<128x512xi32>
    %eq3A_441 = arith.cmpi eq, %add3A_421, %eq3A_440 : vector<128x512xi32>
    %jit3A_442 = arith.constant 1048576 : i32
    %broadcast_in_dim3A_443 = vector.broadcast %jit3A_442 : i32 to vector<128x512xi32>
    %select_n3A_444 = arith.select %eq3A_441, %select_n3A_424, %broadcast_in_dim3A_443 : vector<128x512xi1>, vector<128x512xi32>
    %min3A_445 = arith.minsi %min3A_301, %select_n3A_444 : vector<128x512xi32>
    %eq3A_446 = arith.constant 4 : i32
    %eq3A_447 = vector.broadcast %eq3A_446 : i32 to vector<128x512xi32>
    %eq3A_448 = arith.cmpi eq, %add3A_421, %eq3A_447 : vector<128x512xi32>
    %jit3A_449 = arith.constant 1048576 : i32
    %broadcast_in_dim3A_450 = vector.broadcast %jit3A_449 : i32 to vector<128x512xi32>
    %select_n3A_451 = arith.select %eq3A_448, %select_n3A_424, %broadcast_in_dim3A_450 : vector<128x512xi1>, vector<128x512xi32>
    %min3A_452 = arith.minsi %min3A_308, %select_n3A_451 : vector<128x512xi32>
    %eq3A_453 = arith.constant 5 : i32
    %eq3A_454 = vector.broadcast %eq3A_453 : i32 to vector<128x512xi32>
    %eq3A_455 = arith.cmpi eq, %add3A_421, %eq3A_454 : vector<128x512xi32>
    %jit3A_456 = arith.constant 1048576 : i32
    %broadcast_in_dim3A_457 = vector.broadcast %jit3A_456 : i32 to vector<128x512xi32>
    %select_n3A_458 = arith.select %eq3A_455, %select_n3A_424, %broadcast_in_dim3A_457 : vector<128x512xi1>, vector<128x512xi32>
    %min3A_459 = arith.minsi %min3A_315, %select_n3A_458 : vector<128x512xi32>
    %eq3A_460 = arith.constant 6 : i32
    %eq3A_461 = vector.broadcast %eq3A_460 : i32 to vector<128x512xi32>
    %eq3A_462 = arith.cmpi eq, %add3A_421, %eq3A_461 : vector<128x512xi32>
    %jit3A_463 = arith.constant 1048576 : i32
    %broadcast_in_dim3A_464 = vector.broadcast %jit3A_463 : i32 to vector<128x512xi32>
    %select_n3A_465 = arith.select %eq3A_462, %select_n3A_424, %broadcast_in_dim3A_464 : vector<128x512xi1>, vector<128x512xi32>
    %min3A_466 = arith.minsi %min3A_322, %select_n3A_465 : vector<128x512xi32>
    %eq3A_467 = arith.constant 7 : i32
    %eq3A_468 = vector.broadcast %eq3A_467 : i32 to vector<128x512xi32>
    %eq3A_469 = arith.cmpi eq, %add3A_421, %eq3A_468 : vector<128x512xi32>
    %jit3A_470 = arith.constant 1048576 : i32
    %broadcast_in_dim3A_471 = vector.broadcast %jit3A_470 : i32 to vector<128x512xi32>
    %select_n3A_472 = arith.select %eq3A_469, %select_n3A_424, %broadcast_in_dim3A_471 : vector<128x512xi1>, vector<128x512xi32>
    %min3A_473 = arith.minsi %min3A_329, %select_n3A_472 : vector<128x512xi32>
    %slice3A_474 = vector.extract_strided_slice %add3A_397 {offsets = [0, 511], sizes = [128, 1], strides = [1, 1]} : vector<128x512xf32> to vector<128x1xf32>
    %slice3A_475 = vector.extract_strided_slice %convert_element_type3A_393 {offsets = [0, 511], sizes = [128, 1], strides = [1, 1]} : vector<128x512xf32> to vector<128x1xf32>
    %add3A_476 = arith.addf %slice3A_474, %slice3A_475 : vector<128x1xf32>
    %get3A_477 = arith.constant 0 : index
    %get3A_478 = arith.constant 0 : index
    %get3A_479 = arith.constant 1536 : index
    %get3A_480 = vector.load %arg2[%get3A_477, %get3A_478, %get3A_479] : memref<1x3x2048xf32, #tpu.memory_space<vmem>>, vector<1x1x512xf32>
    %get3A_481 = vector.shape_cast %get3A_480 : vector<1x1x512xf32> to vector<1x512xf32>
    %get3A_482 = arith.constant 0 : index
    %get3A_483 = arith.constant 1 : index
    %get3A_484 = arith.constant 1536 : index
    %get3A_485 = vector.load %arg2[%get3A_482, %get3A_483, %get3A_484] : memref<1x3x2048xf32, #tpu.memory_space<vmem>>, vector<1x1x512xf32>
    %get3A_486 = vector.shape_cast %get3A_485 : vector<1x1x512xf32> to vector<1x512xf32>
    %get3A_487 = arith.constant 0 : index
    %get3A_488 = arith.constant 2 : index
    %get3A_489 = arith.constant 1536 : index
    %get3A_490 = vector.load %arg2[%get3A_487, %get3A_488, %get3A_489] : memref<1x3x2048xf32, #tpu.memory_space<vmem>>, vector<1x1x512xf32>
    %get3A_491 = vector.shape_cast %get3A_490 : vector<1x1x512xf32> to vector<1x512xf32>
    %sub3A_492 = vector.broadcast %get3A_481 : vector<1x512xf32> to vector<128x512xf32>
    %sub3A_493 = vector.broadcast %get3A_4 : vector<128x1xf32> to vector<128x512xf32>
    %sub3A_494 = arith.subf %sub3A_492, %sub3A_493 : vector<128x512xf32>
    %sub3A_495 = vector.broadcast %get3A_486 : vector<1x512xf32> to vector<128x512xf32>
    %sub3A_496 = vector.broadcast %get3A_9 : vector<128x1xf32> to vector<128x512xf32>
    %sub3A_497 = arith.subf %sub3A_495, %sub3A_496 : vector<128x512xf32>
    %sub3A_498 = vector.broadcast %get3A_491 : vector<1x512xf32> to vector<128x512xf32>
    %sub3A_499 = vector.broadcast %get3A_14 : vector<128x1xf32> to vector<128x512xf32>
    %sub3A_500 = arith.subf %sub3A_498, %sub3A_499 : vector<128x512xf32>
    %mul3A_501 = arith.mulf %get3A_481, %get3A_481 : vector<1x512xf32>
    %mul3A_502 = arith.mulf %get3A_486, %get3A_486 : vector<1x512xf32>
    %add3A_503 = arith.addf %mul3A_501, %mul3A_502 : vector<1x512xf32>
    %mul3A_504 = arith.mulf %get3A_491, %get3A_491 : vector<1x512xf32>
    %add3A_505 = arith.addf %add3A_503, %mul3A_504 : vector<1x512xf32>
    %convert_element_type3A_506 = arith.truncf %get3A_481 : vector<1x512xf32> to vector<1x512xbf16>
    %convert_element_type3A_507 = arith.extf %convert_element_type3A_506 : vector<1x512xbf16> to vector<1x512xf32>
    %convert_element_type3A_508 = arith.truncf %get3A_486 : vector<1x512xf32> to vector<1x512xbf16>
    %convert_element_type3A_509 = arith.extf %convert_element_type3A_508 : vector<1x512xbf16> to vector<1x512xf32>
    %convert_element_type3A_510 = arith.truncf %get3A_491 : vector<1x512xf32> to vector<1x512xbf16>
    %convert_element_type3A_511 = arith.extf %convert_element_type3A_510 : vector<1x512xbf16> to vector<1x512xf32>
    %mul3A_512 = vector.broadcast %mul3A_22 : vector<128x1xf32> to vector<128x512xf32>
    %mul3A_513 = vector.broadcast %convert_element_type3A_507 : vector<1x512xf32> to vector<128x512xf32>
    %mul3A_514 = arith.mulf %mul3A_512, %mul3A_513 : vector<128x512xf32>
    %mul3A_515 = vector.broadcast %mul3A_27 : vector<128x1xf32> to vector<128x512xf32>
    %mul3A_516 = vector.broadcast %convert_element_type3A_509 : vector<1x512xf32> to vector<128x512xf32>
    %mul3A_517 = arith.mulf %mul3A_515, %mul3A_516 : vector<128x512xf32>
    %add3A_518 = arith.addf %mul3A_514, %mul3A_517 : vector<128x512xf32>
    %mul3A_519 = vector.broadcast %mul3A_32 : vector<128x1xf32> to vector<128x512xf32>
    %mul3A_520 = vector.broadcast %convert_element_type3A_511 : vector<1x512xf32> to vector<128x512xf32>
    %mul3A_521 = arith.mulf %mul3A_519, %mul3A_520 : vector<128x512xf32>
    %add3A_522 = arith.addf %add3A_518, %mul3A_521 : vector<128x512xf32>
    %add3A_523 = vector.broadcast %add3A_18 : vector<128x1xf32> to vector<128x512xf32>
    %add3A_524 = vector.broadcast %add3A_505 : vector<1x512xf32> to vector<128x512xf32>
    %add3A_525 = arith.addf %add3A_523, %add3A_524 : vector<128x512xf32>
    %add3A_526 = arith.addf %add3A_525, %add3A_522 : vector<128x512xf32>
    %add3A_527 = arith.constant 1536 : i32
    %add3A_528 = vector.broadcast %add3A_527 : i32 to vector<128x512xi32>
    %add3A_529 = arith.addi %add3A_528, %iota3A_35 : vector<128x512xi32>
    %lt3A_530 = arith.constant 4.000000e-02 : f32
    %lt3A_531 = vector.broadcast %lt3A_530 : f32 to vector<128x512xf32>
    %lt3A_532 = arith.cmpf olt, %add3A_526, %lt3A_531 : vector<128x512xf32>
    %ne3A_533 = vector.broadcast %add3A_34 : vector<128x1xi32> to vector<128x512xi32>
    %ne3A_534 = arith.cmpi ne, %add3A_529, %ne3A_533 : vector<128x512xi32>
    %and3A_535 = arith.andi %lt3A_532, %ne3A_534 : vector<128x512xi1>
    %convert_element_type3A_536 = arith.extui %and3A_535 : vector<128x512xi1> to vector<128x512xi32>
    %convert_element_type3A_537 = arith.sitofp %convert_element_type3A_536 : vector<128x512xi32> to vector<128x512xf32>
    %dot_general3A_538 = arith.constant dense<0.000000e+00> : vector<128x512xf32>
    %dot_general3A_539 = tpu.matmul %convert_element_type3A_537, %convert_element_type3A_39, %dot_general3A_538 {dimension_numbers = #tpu.dot_dimension_numbers<[1], [0], [0], [1], [0, 0, 1, 1], [], []>, transpose_lhs_hint = false} : vector<128x512xf32>, vector<512x512xf32>, vector<128x512xf32> -> vector<128x512xf32>
    %add3A_540 = vector.broadcast %add3A_476 : vector<128x1xf32> to vector<128x512xf32>
    %add3A_541 = arith.addf %dot_general3A_539, %add3A_540 : vector<128x512xf32>
    %lt3A_542 = arith.constant 3.100000e+01 : f32
    %lt3A_543 = vector.broadcast %lt3A_542 : f32 to vector<128x512xf32>
    %lt3A_544 = arith.cmpf olt, %add3A_541, %lt3A_543 : vector<128x512xf32>
    %and3A_545 = arith.andi %and3A_535, %lt3A_544 : vector<128x512xi1>
    %gt3A_546 = arith.constant 0.000000e+00 : f32
    %gt3A_547 = vector.broadcast %gt3A_546 : f32 to vector<128x512xf32>
    %gt3A_548 = arith.cmpf ogt, %sub3A_494, %gt3A_547 : vector<128x512xf32>
    %convert_element_type3A_549 = arith.extui %gt3A_548 : vector<128x512xi1> to vector<128x512xi32>
    %mul3A_550 = arith.constant 4 : i32
    %mul3A_551 = vector.broadcast %mul3A_550 : i32 to vector<128x512xi32>
    %mul3A_552 = arith.muli %convert_element_type3A_549, %mul3A_551 : vector<128x512xi32>
    %gt3A_553 = arith.constant 0.000000e+00 : f32
    %gt3A_554 = vector.broadcast %gt3A_553 : f32 to vector<128x512xf32>
    %gt3A_555 = arith.cmpf ogt, %sub3A_497, %gt3A_554 : vector<128x512xf32>
    %convert_element_type3A_556 = arith.extui %gt3A_555 : vector<128x512xi1> to vector<128x512xi32>
    %mul3A_557 = arith.constant 2 : i32
    %mul3A_558 = vector.broadcast %mul3A_557 : i32 to vector<128x512xi32>
    %mul3A_559 = arith.muli %convert_element_type3A_556, %mul3A_558 : vector<128x512xi32>
    %add3A_560 = arith.addi %mul3A_552, %mul3A_559 : vector<128x512xi32>
    %gt3A_561 = arith.constant 0.000000e+00 : f32
    %gt3A_562 = vector.broadcast %gt3A_561 : f32 to vector<128x512xf32>
    %gt3A_563 = arith.cmpf ogt, %sub3A_500, %gt3A_562 : vector<128x512xf32>
    %convert_element_type3A_564 = arith.extui %gt3A_563 : vector<128x512xi1> to vector<128x512xi32>
    %add3A_565 = arith.addi %add3A_560, %convert_element_type3A_564 : vector<128x512xi32>
    %jit3A_566 = arith.constant 1048576 : i32
    %broadcast_in_dim3A_567 = vector.broadcast %jit3A_566 : i32 to vector<128x512xi32>
    %select_n3A_568 = arith.select %and3A_545, %add3A_529, %broadcast_in_dim3A_567 : vector<128x512xi1>, vector<128x512xi32>
    %eq3A_569 = arith.constant 1 : i32
    %eq3A_570 = vector.broadcast %eq3A_569 : i32 to vector<128x512xi32>
    %eq3A_571 = arith.cmpi eq, %add3A_565, %eq3A_570 : vector<128x512xi32>
    %jit3A_572 = arith.constant 1048576 : i32
    %broadcast_in_dim3A_573 = vector.broadcast %jit3A_572 : i32 to vector<128x512xi32>
    %select_n3A_574 = arith.select %eq3A_571, %select_n3A_568, %broadcast_in_dim3A_573 : vector<128x512xi1>, vector<128x512xi32>
    %min3A_575 = arith.minsi %min3A_431, %select_n3A_574 : vector<128x512xi32>
    %eq3A_576 = arith.constant 2 : i32
    %eq3A_577 = vector.broadcast %eq3A_576 : i32 to vector<128x512xi32>
    %eq3A_578 = arith.cmpi eq, %add3A_565, %eq3A_577 : vector<128x512xi32>
    %jit3A_579 = arith.constant 1048576 : i32
    %broadcast_in_dim3A_580 = vector.broadcast %jit3A_579 : i32 to vector<128x512xi32>
    %select_n3A_581 = arith.select %eq3A_578, %select_n3A_568, %broadcast_in_dim3A_580 : vector<128x512xi1>, vector<128x512xi32>
    %min3A_582 = arith.minsi %min3A_438, %select_n3A_581 : vector<128x512xi32>
    %eq3A_583 = arith.constant 3 : i32
    %eq3A_584 = vector.broadcast %eq3A_583 : i32 to vector<128x512xi32>
    %eq3A_585 = arith.cmpi eq, %add3A_565, %eq3A_584 : vector<128x512xi32>
    %jit3A_586 = arith.constant 1048576 : i32
    %broadcast_in_dim3A_587 = vector.broadcast %jit3A_586 : i32 to vector<128x512xi32>
    %select_n3A_588 = arith.select %eq3A_585, %select_n3A_568, %broadcast_in_dim3A_587 : vector<128x512xi1>, vector<128x512xi32>
    %min3A_589 = arith.minsi %min3A_445, %select_n3A_588 : vector<128x512xi32>
    %eq3A_590 = arith.constant 4 : i32
    %eq3A_591 = vector.broadcast %eq3A_590 : i32 to vector<128x512xi32>
    %eq3A_592 = arith.cmpi eq, %add3A_565, %eq3A_591 : vector<128x512xi32>
    %jit3A_593 = arith.constant 1048576 : i32
    %broadcast_in_dim3A_594 = vector.broadcast %jit3A_593 : i32 to vector<128x512xi32>
    %select_n3A_595 = arith.select %eq3A_592, %select_n3A_568, %broadcast_in_dim3A_594 : vector<128x512xi1>, vector<128x512xi32>
    %min3A_596 = arith.minsi %min3A_452, %select_n3A_595 : vector<128x512xi32>
    %eq3A_597 = arith.constant 5 : i32
    %eq3A_598 = vector.broadcast %eq3A_597 : i32 to vector<128x512xi32>
    %eq3A_599 = arith.cmpi eq, %add3A_565, %eq3A_598 : vector<128x512xi32>
    %jit3A_600 = arith.constant 1048576 : i32
    %broadcast_in_dim3A_601 = vector.broadcast %jit3A_600 : i32 to vector<128x512xi32>
    %select_n3A_602 = arith.select %eq3A_599, %select_n3A_568, %broadcast_in_dim3A_601 : vector<128x512xi1>, vector<128x512xi32>
    %min3A_603 = arith.minsi %min3A_459, %select_n3A_602 : vector<128x512xi32>
    %eq3A_604 = arith.constant 6 : i32
    %eq3A_605 = vector.broadcast %eq3A_604 : i32 to vector<128x512xi32>
    %eq3A_606 = arith.cmpi eq, %add3A_565, %eq3A_605 : vector<128x512xi32>
    %jit3A_607 = arith.constant 1048576 : i32
    %broadcast_in_dim3A_608 = vector.broadcast %jit3A_607 : i32 to vector<128x512xi32>
    %select_n3A_609 = arith.select %eq3A_606, %select_n3A_568, %broadcast_in_dim3A_608 : vector<128x512xi1>, vector<128x512xi32>
    %min3A_610 = arith.minsi %min3A_466, %select_n3A_609 : vector<128x512xi32>
    %eq3A_611 = arith.constant 7 : i32
    %eq3A_612 = vector.broadcast %eq3A_611 : i32 to vector<128x512xi32>
    %eq3A_613 = arith.cmpi eq, %add3A_565, %eq3A_612 : vector<128x512xi32>
    %jit3A_614 = arith.constant 1048576 : i32
    %broadcast_in_dim3A_615 = vector.broadcast %jit3A_614 : i32 to vector<128x512xi32>
    %select_n3A_616 = arith.select %eq3A_613, %select_n3A_568, %broadcast_in_dim3A_615 : vector<128x512xi1>, vector<128x512xi32>
    %min3A_617 = arith.minsi %min3A_473, %select_n3A_616 : vector<128x512xi32>
    %mul3A_618 = arith.constant 2048 : i32
    %mul3A_619 = arith.muli %arg0, %mul3A_618 : i32
    %add3A_620 = vector.broadcast %mul3A_619 : i32 to vector<128x1xi32>
    %add3A_621 = arith.addi %add3A_34, %add3A_620 : vector<128x1xi32>
    %reduce_min3A = arith.constant dense<2147483647> : vector<128xi32>
    %reduce_min3A_622 = vector.multi_reduction <minsi>, %min3A_575, %reduce_min3A [1] : vector<128x512xi32> to vector<128xi32>
    %broadcast_in_dim3A_623 = vector.shape_cast %reduce_min3A_622 : vector<128xi32> to vector<128x1xi32>
    %lt3A_624 = arith.constant 1048576 : i32
    %lt3A_625 = vector.broadcast %lt3A_624 : i32 to vector<128x1xi32>
    %lt3A_626 = arith.cmpi slt, %broadcast_in_dim3A_623, %lt3A_625 : vector<128x1xi32>
    %add3A_627 = vector.broadcast %mul3A_619 : i32 to vector<128x1xi32>
    %add3A_628 = arith.addi %broadcast_in_dim3A_623, %add3A_627 : vector<128x1xi32>
    %jit3A_629 = arith.constant 2048 : i32
    %broadcast_in_dim3A_630 = vector.broadcast %jit3A_629 : i32 to vector<128x1xi32>
    %select_n3A_631 = arith.select %lt3A_626, %add3A_628, %broadcast_in_dim3A_630 : vector<128x1xi1>, vector<128x1xi32>
    %reduce_min3A_632 = arith.constant dense<2147483647> : vector<128xi32>
    %reduce_min3A_633 = vector.multi_reduction <minsi>, %min3A_582, %reduce_min3A_632 [1] : vector<128x512xi32> to vector<128xi32>
    %broadcast_in_dim3A_634 = vector.shape_cast %reduce_min3A_633 : vector<128xi32> to vector<128x1xi32>
    %lt3A_635 = arith.constant 1048576 : i32
    %lt3A_636 = vector.broadcast %lt3A_635 : i32 to vector<128x1xi32>
    %lt3A_637 = arith.cmpi slt, %broadcast_in_dim3A_634, %lt3A_636 : vector<128x1xi32>
    %add3A_638 = vector.broadcast %mul3A_619 : i32 to vector<128x1xi32>
    %add3A_639 = arith.addi %broadcast_in_dim3A_634, %add3A_638 : vector<128x1xi32>
    %jit3A_640 = arith.constant 2048 : i32
    %broadcast_in_dim3A_641 = vector.broadcast %jit3A_640 : i32 to vector<128x1xi32>
    %select_n3A_642 = arith.select %lt3A_637, %add3A_639, %broadcast_in_dim3A_641 : vector<128x1xi1>, vector<128x1xi32>
    %reduce_min3A_643 = arith.constant dense<2147483647> : vector<128xi32>
    %reduce_min3A_644 = vector.multi_reduction <minsi>, %min3A_589, %reduce_min3A_643 [1] : vector<128x512xi32> to vector<128xi32>
    %broadcast_in_dim3A_645 = vector.shape_cast %reduce_min3A_644 : vector<128xi32> to vector<128x1xi32>
    %lt3A_646 = arith.constant 1048576 : i32
    %lt3A_647 = vector.broadcast %lt3A_646 : i32 to vector<128x1xi32>
    %lt3A_648 = arith.cmpi slt, %broadcast_in_dim3A_645, %lt3A_647 : vector<128x1xi32>
    %add3A_649 = vector.broadcast %mul3A_619 : i32 to vector<128x1xi32>
    %add3A_650 = arith.addi %broadcast_in_dim3A_645, %add3A_649 : vector<128x1xi32>
    %jit3A_651 = arith.constant 2048 : i32
    %broadcast_in_dim3A_652 = vector.broadcast %jit3A_651 : i32 to vector<128x1xi32>
    %select_n3A_653 = arith.select %lt3A_648, %add3A_650, %broadcast_in_dim3A_652 : vector<128x1xi1>, vector<128x1xi32>
    %reduce_min3A_654 = arith.constant dense<2147483647> : vector<128xi32>
    %reduce_min3A_655 = vector.multi_reduction <minsi>, %min3A_596, %reduce_min3A_654 [1] : vector<128x512xi32> to vector<128xi32>
    %broadcast_in_dim3A_656 = vector.shape_cast %reduce_min3A_655 : vector<128xi32> to vector<128x1xi32>
    %lt3A_657 = arith.constant 1048576 : i32
    %lt3A_658 = vector.broadcast %lt3A_657 : i32 to vector<128x1xi32>
    %lt3A_659 = arith.cmpi slt, %broadcast_in_dim3A_656, %lt3A_658 : vector<128x1xi32>
    %add3A_660 = vector.broadcast %mul3A_619 : i32 to vector<128x1xi32>
    %add3A_661 = arith.addi %broadcast_in_dim3A_656, %add3A_660 : vector<128x1xi32>
    %jit3A_662 = arith.constant 2048 : i32
    %broadcast_in_dim3A_663 = vector.broadcast %jit3A_662 : i32 to vector<128x1xi32>
    %select_n3A_664 = arith.select %lt3A_659, %add3A_661, %broadcast_in_dim3A_663 : vector<128x1xi1>, vector<128x1xi32>
    %reduce_min3A_665 = arith.constant dense<2147483647> : vector<128xi32>
    %reduce_min3A_666 = vector.multi_reduction <minsi>, %min3A_603, %reduce_min3A_665 [1] : vector<128x512xi32> to vector<128xi32>
    %broadcast_in_dim3A_667 = vector.shape_cast %reduce_min3A_666 : vector<128xi32> to vector<128x1xi32>
    %lt3A_668 = arith.constant 1048576 : i32
    %lt3A_669 = vector.broadcast %lt3A_668 : i32 to vector<128x1xi32>
    %lt3A_670 = arith.cmpi slt, %broadcast_in_dim3A_667, %lt3A_669 : vector<128x1xi32>
    %add3A_671 = vector.broadcast %mul3A_619 : i32 to vector<128x1xi32>
    %add3A_672 = arith.addi %broadcast_in_dim3A_667, %add3A_671 : vector<128x1xi32>
    %jit3A_673 = arith.constant 2048 : i32
    %broadcast_in_dim3A_674 = vector.broadcast %jit3A_673 : i32 to vector<128x1xi32>
    %select_n3A_675 = arith.select %lt3A_670, %add3A_672, %broadcast_in_dim3A_674 : vector<128x1xi1>, vector<128x1xi32>
    %reduce_min3A_676 = arith.constant dense<2147483647> : vector<128xi32>
    %reduce_min3A_677 = vector.multi_reduction <minsi>, %min3A_610, %reduce_min3A_676 [1] : vector<128x512xi32> to vector<128xi32>
    %broadcast_in_dim3A_678 = vector.shape_cast %reduce_min3A_677 : vector<128xi32> to vector<128x1xi32>
    %lt3A_679 = arith.constant 1048576 : i32
    %lt3A_680 = vector.broadcast %lt3A_679 : i32 to vector<128x1xi32>
    %lt3A_681 = arith.cmpi slt, %broadcast_in_dim3A_678, %lt3A_680 : vector<128x1xi32>
    %add3A_682 = vector.broadcast %mul3A_619 : i32 to vector<128x1xi32>
    %add3A_683 = arith.addi %broadcast_in_dim3A_678, %add3A_682 : vector<128x1xi32>
    %jit3A_684 = arith.constant 2048 : i32
    %broadcast_in_dim3A_685 = vector.broadcast %jit3A_684 : i32 to vector<128x1xi32>
    %select_n3A_686 = arith.select %lt3A_681, %add3A_683, %broadcast_in_dim3A_685 : vector<128x1xi1>, vector<128x1xi32>
    %reduce_min3A_687 = arith.constant dense<2147483647> : vector<128xi32>
    %reduce_min3A_688 = vector.multi_reduction <minsi>, %min3A_617, %reduce_min3A_687 [1] : vector<128x512xi32> to vector<128xi32>
    %broadcast_in_dim3A_689 = vector.shape_cast %reduce_min3A_688 : vector<128xi32> to vector<128x1xi32>
    %lt3A_690 = arith.constant 1048576 : i32
    %lt3A_691 = vector.broadcast %lt3A_690 : i32 to vector<128x1xi32>
    %lt3A_692 = arith.cmpi slt, %broadcast_in_dim3A_689, %lt3A_691 : vector<128x1xi32>
    %add3A_693 = vector.broadcast %mul3A_619 : i32 to vector<128x1xi32>
    %add3A_694 = arith.addi %broadcast_in_dim3A_689, %add3A_693 : vector<128x1xi32>
    %jit3A_695 = arith.constant 2048 : i32
    %broadcast_in_dim3A_696 = vector.broadcast %jit3A_695 : i32 to vector<128x1xi32>
    %select_n3A_697 = arith.select %lt3A_692, %add3A_694, %broadcast_in_dim3A_696 : vector<128x1xi1>, vector<128x1xi32>
    %concatenate3A = tpu.concatenate %add3A_621, %select_n3A_631, %select_n3A_642, %select_n3A_653, %select_n3A_664, %select_n3A_675, %select_n3A_686, %select_n3A_697 in 1 : vector<128x1xi32>, vector<128x1xi32>, vector<128x1xi32>, vector<128x1xi32>, vector<128x1xi32>, vector<128x1xi32>, vector<128x1xi32>, vector<128x1xi32> -> vector<128x8xi32>
    %swap3A = arith.constant 0 : index
    %swap3A_698 = arith.constant 0 : index
    %swap3A_699 = arith.constant 0 : index
    %swap3A_700 = vector.load %arg4[%swap3A, %swap3A_698, %swap3A_699] : memref<1x128x8xi32, #tpu.memory_space<vmem>>, vector<1x128x8xi32>
    %swap3A_701 = vector.shape_cast %swap3A_700 : vector<1x128x8xi32> to vector<128x8xi32>
    %swap3A_702 = vector.shape_cast %concatenate3A : vector<128x8xi32> to vector<1x128x8xi32>
    tpu.vector_store %arg4[%swap3A, %swap3A_698, %swap3A_699], %swap3A_702 {strides = array<i32>} : memref<1x128x8xi32, #tpu.memory_space<vmem>>, vector<1x128x8xi32>,
    return
  }
  func.func @transform_0(%arg0: i32, %arg1: i32) -> (i32, i32, i32) {
    %c0_i32 = arith.constant 0 : i32
    %c0_i32_0 = arith.constant 0 : i32
    %c0_i32_1 = arith.constant 0 : i32
    return %arg0, %c0_i32, %c0_i32_0 : i32, i32, i32
  }
  func.func @transform_1(%arg0: i32, %arg1: i32) -> (i32, i32, i32) {
    %c0_i32 = arith.constant 0 : i32
    %c0_i32_0 = arith.constant 0 : i32
    return %arg0, %arg1, %c0_i32 : i32, i32, i32
  }
  func.func @transform_2(%arg0: i32, %arg1: i32) -> (i32, i32, i32) {
    %c0_i32 = arith.constant 0 : i32
    %c0_i32_0 = arith.constant 0 : i32
    return %arg0, %arg1, %c0_i32 : i32, i32, i32
  }
}

module attributes {stable_mosaic.version = 14 : i64} {
  func.func @_conv_body(%arg0: i32, %arg1: memref<256x1024xf32, #tpu.memory_space<vmem>>, %arg2: memref<1024x128xf32, #tpu.memory_space<vmem>>, %arg3: memref<1x128xf32, #tpu.memory_space<vmem>>, %arg4: memref<256x128xf32, #tpu.memory_space<vmem>>) attributes {dimension_semantics = [#tpu.dimension_semantics<arbitrary>], iteration_bounds = array<i64: 32>, scalar_prefetch = 0 : i64, scratch_operands = 0 : i64, tpu.core_type = #tpu.core_type<tc>, window_params = [{transform_indices = @transform_0, window_bounds = array<i64: 256, 1024>}, {pipeline_mode = #tpu.pipeline_mode<synchronous>, transform_indices = @transform_1, window_bounds = array<i64: 1024, 128>}, {pipeline_mode = #tpu.pipeline_mode<synchronous>, transform_indices = @transform_2, window_bounds = array<i64: 1, 128>}, {transform_indices = @transform_3, window_bounds = array<i64: 256, 128>}]} {
    %get3A = arith.constant 0 : index
    %get3A_0 = arith.constant 0 : index
    %get3A_1 = vector.load %arg1[%get3A, %get3A_0] : memref<256x1024xf32, #tpu.memory_space<vmem>>, vector<256x1024xf32>
    %get3A_2 = arith.constant 0 : index
    %get3A_3 = arith.constant 0 : index
    %get3A_4 = vector.load %arg2[%get3A_2, %get3A_3] : memref<1024x128xf32, #tpu.memory_space<vmem>>, vector<1024x128xf32>
    %dot_general3A = arith.constant dense<0.000000e+00> : vector<256x128xf32>
    %dot_general3A_5 = tpu.matmul %get3A_1, %get3A_4, %dot_general3A {dimension_numbers = #tpu.dot_dimension_numbers<[1], [0], [0], [1], [0, 0, 1, 1], [], []>, transpose_lhs_hint = false} : vector<256x1024xf32>, vector<1024x128xf32>, vector<256x128xf32> -> vector<256x128xf32>
    %get3A_6 = arith.constant 0 : index
    %get3A_7 = arith.constant 0 : index
    %get3A_8 = vector.load %arg3[%get3A_6, %get3A_7] : memref<1x128xf32, #tpu.memory_space<vmem>>, vector<1x128xf32>
    %add3A = vector.broadcast %get3A_8 : vector<1x128xf32> to vector<256x128xf32>
    %add3A_9 = arith.addf %dot_general3A_5, %add3A : vector<256x128xf32>
    %swap3A = arith.constant 0 : index
    %swap3A_10 = arith.constant 0 : index
    %swap3A_11 = vector.load %arg4[%swap3A, %swap3A_10] : memref<256x128xf32, #tpu.memory_space<vmem>>, vector<256x128xf32>
    tpu.vector_store %arg4[%swap3A, %swap3A_10], %add3A_9 {strides = array<i32>} : memref<256x128xf32, #tpu.memory_space<vmem>>, vector<256x128xf32>,
    return
  }
  func.func @transform_0(%arg0: i32) -> (i32, i32) {
    %c0_i32 = arith.constant 0 : i32
    %c0_i32_0 = arith.constant 0 : i32
    return %arg0, %c0_i32 : i32, i32
  }
  func.func @transform_1(%arg0: i32) -> (i32, i32) {
    %c0_i32 = arith.constant 0 : i32
    %c0_i32_0 = arith.constant 0 : i32
    %c0_i32_1 = arith.constant 0 : i32
    return %c0_i32, %c0_i32_0 : i32, i32
  }
  func.func @transform_2(%arg0: i32) -> (i32, i32) {
    %c0_i32 = arith.constant 0 : i32
    %c0_i32_0 = arith.constant 0 : i32
    %c0_i32_1 = arith.constant 0 : i32
    return %c0_i32, %c0_i32_0 : i32, i32
  }
  func.func @transform_3(%arg0: i32) -> (i32, i32) {
    %c0_i32 = arith.constant 0 : i32
    %c0_i32_0 = arith.constant 0 : i32
    return %arg0, %c0_i32 : i32, i32
  }
}

</mosaic_0001>

<sc_bundles>
// kernel: kernel.11.cloned.1.call-start
scs
__scs_entry_jumppad:
0x0: {  	(pc) =	sbr.rel $0x88, $3  }
0x1: {  	(tag) =	ssettag $0x0;
	lr =	simm.s32 $0x1  }
0x2: {  	[smem:$0x3F9D] =	sst lr;
	_ =	strace $0xD0000000  }
0x3: {  	_ = 	snop  }
0x4: {  	_ = 	snop  }
0x5: {  	_ = 	snop  }
0x6: {  	_ = 	snop  }
0x7: {  	_ = 	snop  }
__scs_overlays_trampoline_lowered:
0x8: {  	[smem:$0x3FAC] =	sst s0  }
0x9: {  	[smem:$0x3FAD] =	sst s1  }
0xa: {  	[smem:$0x3FAE] =	sst s2  }
0xb: {  	[smem:$0x3FAF] =	sst s3  }
0xc: {  	[smem:$0x3FB0] =	sst s4  }
0xd: {  	[smem:$0x3FB1] =	sst s5  }
0xe: {  	[smem:$0x3FB2] =	sst s6  }
0xf: {  	[smem:$0x3FB3] =	sst s7  }
0x10: {  	[smem:$0x3FB4] =	sst s8  }
0x11: {  	[smem:$0x3FB5] =	sst s9;
	s0 =	simm.s32 @!p0 $0x0  }
0x12: {  	s1 =	sld [smem:$0x3F9B];
	s0 =	simm.s32 @p0 $0x1  }
0x13: {  	[smem:$0x3FB6] =	sst s0;
	s0 =	simm.s32 @!p1 $0x0  }
0x14: {  	s2 =	sld [smem:$0x3F9A];
	s0 =	simm.s32 @p1 $0x1  }
0x15: {  	[smem:$0x3FB7] =	sst s0;
	s0 =	simm.s32 @!p2 $0x0  }
0x16: {  	s3 =	sld [smem:$0x3FDB];
	s0 =	simm.s32 @p2 $0x1  }
0x17: {  	s4 =	simm.s32 $0x1BF5;
	[smem:$0x3FB9] =	sst s0  }
0x18: {  	s0 =	sld [smem:$0x3F9C];
	_ =	swait.ge [sflag:s4], $0x0  }
0x19: {  	s7 =	sld [smem:$0x3F9D]  }
0x1a: {  	s8 =	sadd.s32 $0xFFFFE003, lr  }
0x1b: {  	s9 =	sadd.s32 $0xFFFFFEF7, lr;
	s5 =	simm.s32 $0xFFFFFFFF;
	p2 =	slt.u32 s8, $0xFFFFF086  }
0x1c: {  	p1 =	slt.u32 s9, $0xF7A;
	s5 =	simm.s32 @!p2 $0x0  }
0x1d: {  	s5 =	simm.s32 @p1 $0x1;
	p0 =	seq.s32 s7, s2  }
0x1e: {  	s7 =	smul.u32 @!p0 $0xF7A, s2;
	p2 =	seq.s32 @!p0 s5, $0x0  }
0x1f: {  	s9 =	smul.u32 $0xF7A, s1;
	s8 =	simm.s32 @!p0 $0x1BF5;
	p2 =	por !p2, p0  }
0x20: {  	[sflag:s8] =	ssyncset.s32 @!p0 $0xFFFFF086;
	s6 =	sadd.s32 @!p0 s3, s7;
	s7 =	simm.s32 @!p0 $0x108  }
0x21: {  	s3 =	sadd.s32 s3, s9;
	s6 =	sadd.s32 @!p0 $0x88, s6;
	s7 =	simm.s32 @p2 $0x1082  }
0x22: {  	[simem:s7], [sflag:s8] =	dma.local @!p0 [hbm:s6], $0xF7A  }
0x23: {  	s9 =	sor.u32 $0xD0000000, s2;
	s6 =	simm.s32 $0x108;
	_ =	swait.ge @!p0 [sflag:s8], $0x0  }
0x24: {  	s3 =	sadd.s32 $0x88, s3;
	s6 =	simm.s32 @!p1 $0x1082;
	[sflag:s4] =	ssyncset.s32 $0xFFFFF086  }
0x25: {  	[simem:s6], [sflag:s4] =	dma.local [hbm:s3], $0xF7A  }
0x26: {  	[smem:$0x3F9D] =	sst s1;
	(tag) =	ssettag s2;
	_ =	strace s9  }
0x27: {  	s1 =	sld [smem:$0x3FAD]  }
0x28: {  	s2 =	sld [smem:$0x3FAE]  }
0x29: {  	s4 =	sld [smem:$0x3FB0]  }
0x2a: {  	p0 =	seq.s32 s5, $0x0;
	s5 =	sld [smem:$0x3FB1]  }
0x2b: {  	s6 =	sld [smem:$0x3FB2]  }
0x2c: {  	s7 =	sld [smem:$0x3FB3]  }
0x2d: {  	s3 =	simm.s32 $0x108;
	s8 =	sld [smem:$0x3FB4]  }
0x2e: {  	s3 =	simm.s32 @!p0 $0x1082;
	s9 =	sld [smem:$0x3FB5]  }
0x2f: {  	lr =	sadd.s32 s0, s3;
	s0 =	sld [smem:$0x3FAC]  }
0x30: {  	s3 =	sld [smem:$0x3FAF]  }
0x31: {  	[smem:$0x3FB8] =	sst s10  }
0x32: {  	s10 =	sld [smem:$0x3FB6];
	_ =	sdelay $0x3  }
0x33: {  	p0 =	seq.s32 s10, $0x1;
	s10 =	sld [smem:$0x3FB8];
	_ =	sdelay $0x3  }
0x34: {  	[smem:$0x3FB8] =	sst s10  }
0x35: {  	s10 =	sld [smem:$0x3FB7];
	_ =	sdelay $0x3  }
0x36: {  	p1 =	seq.s32 s10, $0x1;
	s10 =	sld [smem:$0x3FB8];
	_ =	sdelay $0x3  }
0x37: {  	[smem:$0x3FB8] =	sst s10  }
0x38: {  	s10 =	sld [smem:$0x3FB9]  }
0x39: {  	_ = 	snop;
	(pc) =	sbr.ind lr, $3  }
0x3a: {  	_ = 	snop  }
0x3b: {  	_ = 	snop  }
0x3c: {  	p2 =	seq.s32 s10, $0x1;
	s10 =	sld [smem:$0x3FB8]  }
0x3d: {  	_ =	shalt  }
0x3e: {  	_ =	shalt  }
0x3f: {  	_ =	shalt  }
0x40: {  	_ =	shalt  }
0x41: {  	_ =	shalt  }
0x42: {  	_ =	shalt  }
0x43: {  	_ =	shalt  }
0x44: {  	_ =	shalt  }
0x45: {  	_ =	shalt  }
0x46: {  	_ =	shalt  }
0x47: {  	_ =	shalt  }
0x48: {  	_ =	shalt  }
0x49: {  	_ =	shalt  }
0x4a: {  	_ =	shalt  }
0x4b: {  	_ =	shalt  }
0x4c: {  	_ =	shalt  }
0x4d: {  	_ =	shalt  }
0x4e: {  	_ =	shalt  }
0x4f: {  	_ =	shalt  }
0x50: {  	_ =	shalt  }
0x51: {  	_ =	shalt  }
0x52: {  	_ =	shalt  }
0x53: {  	_ =	shalt  }
0x54: {  	_ =	shalt  }
0x55: {  	_ =	shalt  }
0x56: {  	_ =	shalt  }
0x57: {  	_ =	shalt  }
0x58: {  	_ =	shalt  }
0x59: {  	_ =	shalt  }
0x5a: {  	_ =	shalt  }
0x5b: {  	_ =	shalt  }
0x5c: {  	_ =	shalt  }
0x5d: {  	_ =	shalt  }
0x5e: {  	_ =	shalt  }
0x5f: {  	_ =	shalt  }
0x60: {  	_ =	shalt  }
0x61: {  	_ =	shalt  }
0x62: {  	_ =	shalt  }
0x63: {  	_ =	shalt  }
0x64: {  	_ =	shalt  }
0x65: {  	_ =	shalt  }
0x66: {  	_ =	shalt  }
0x67: {  	_ =	shalt  }
0x68: {  	_ =	shalt  }
0x69: {  	_ =	shalt  }
0x6a: {  	_ =	shalt  }
0x6b: {  	_ =	shalt  }
0x6c: {  	_ =	shalt  }
0x6d: {  	_ =	shalt  }
0x6e: {  	_ =	shalt  }
0x6f: {  	_ =	shalt  }
0x70: {  	_ =	shalt  }
0x71: {  	_ =	shalt  }
0x72: {  	_ =	shalt  }
0x73: {  	_ =	shalt  }
0x74: {  	_ =	shalt  }
0x75: {  	_ =	shalt  }
0x76: {  	_ =	shalt  }
0x77: {  	_ =	shalt  }
0x78: {  	_ =	shalt  }
0x79: {  	_ =	shalt  }
0x7a: {  	_ =	shalt  }
0x7b: {  	_ =	shalt  }
0x7c: {  	_ =	shalt  }
0x7d: {  	_ =	shalt  }
0x7e: {  	_ =	shalt  }
0x7f: {  	_ =	shalt  }
0x80: {  	_ =	shalt  }
0x81: {  	_ =	shalt  }
0x82: {  	_ =	shalt  }
0x83: {  	_ =	shalt  }
0x84: {  	_ =	shalt  }
0x85: {  	_ =	shalt  }
0x86: {  	_ =	shalt  }
0x87: {  	_ =	shalt  }
.Lfunc_end0:
.L_simem_size_0:
called_computation_lowered:
.L_overlay_start_0:
0x88: {  	s2 =	sld [smem:$0x3FD9]  }
0x89: {  	s3 =	sld [smem:$0x3FFE];
	_ =	sdelay $0x1  }
0x8a: {  	s1 =	srdreg.scid  }
0x8b: {  	s0 =	sand.u32 $0x1, s1  }
0x8c: {  	s16 =	sshll.u32 s0, $0xA;
	s2 =	sadd.s32 s3, s2  }
0x8d: {  	s2 =	sadd.s32 s2, s16  }
0x8e: {  	[smem:$0x3FC4] =	sst s2  }
0x8f: {  	_ = 	snop  }
0x90: {  	(tm) =	ssettm $0x1  }
0x91: {  	s17 =	sld [smem:$0x3FFB];
	_ =	sdelay $0x3  }
0x92: {  	_ =	strace s17  }
0x93: {  	s2 =	sld [smem:$0x3FFC];
	_ =	sdelay $0x3  }
0x94: {  	_ =	strace s2  }
0x95: {  	s2 =	sld [smem:$0x3FFD];
	_ =	sdelay $0x3  }
0x96: {  	_ =	strace s2  }
0x97: {  	_ =	strace $0x8FFFFFFF  }
0x98: {  	s18 =	sld [smem:$0x3FDB];
	_ =	sdelay $0x1  }
0x99: {  	s19 =	simm.s32 $_scs_section_size  }
0x9a: {  	s4 =	simm.s32 $_size__tile_overlayer_lowered;
	s5 =	simm.s32 $_tile_overlayer_lowered  }
0x9b: {  	s22 =	simm.s32 $0x1BFF;
	s21 =	sshll.u32 s5, $0x1;
	s2 =	sadd.s32 s19, s18  }
0x9c: {  	s6 =	simm.s32 $0x0;
	s20 =	sshll.u32 s4, $0x1;
	s4 =	sadd.s32 s21, s2  }
0x9d: {  	[timem:s6], [sflag:s22] =	dma.local [hbm:s4], s20  }
0x9e: {  	_ =	swait.ge [sflag:s22], s20  }
0x9f: {  	s3 =	ssub.s32 $0x0, s20;
	[sflag:s22] =	ssyncset.done $0x0  }
0xa0: {  	[sflag:s22] =	ssyncadd.s32 s3;
	_ =	sdelay $0x1  }
0xa1: {  	s23 =	simm.s32 $0x1B8B  }
0xa2: {  	_ =	swait.ge [sflag:s23], $0x1  }
0xa3: {  	[sflag:s23] =	ssyncset.done $0x0  }
0xa4: {  	s25 =	simm.s32 $0x1B8E;
	s24 =	sld [smem:$0x3FFE];
	[sflag:s23] =	ssyncadd.s32 $0xFFFFFFFF  }
0xa5: {  	s26 =	simm.s32 $execute0_lowered;
	[smem:$0x3FD2] =	sst s25  }
0xa6: {  	s4 =	sshll.u32 s26, $0x1;
	_ =	strace $0x80000046;
	[dreg:$0x1] =	wrdreg $0xFFFFFFFF  }
0xa7: {  	s28 =	simm.s32 $_size_execute0_lowered;
	s2 =	sadd.s32 s2, s4;
	[dreg:$0x0] =	wrdreg $0x0  }
0xa8: {  	s4 =	sshll.u32 s28, $0x1;
	[dreg:$0x2] =	wrdreg s2  }
0xa9: {  	[dreg:$0x3] =	wrdreg s4  }
0xaa: {  	[dreg:$0x4] =	wrdreg $0xC0  }
0xab: {  	_ =	task [dreg:s6], $0x5FFFF  }
0xac: {  	[dreg:$0x1] =	wrdreg $0xFFFFFFFF  }
0xad: {  	[dreg:$0x0] =	wrdreg $0x60  }
0xae: {  	[dreg:$0x2] =	wrdreg s24  }
0xaf: {  	[dreg:$0x3] =	wrdreg $0x2000  }
0xb0: {  	[dreg:$0x4] =	wrdreg $0x9  }
0xb1: {  	_ =	task.clear_ibuf [dreg:s6], $0x5FFFF;
	_ =	strace $0x90000046  }
0xb2: {  	s29 =	simm.s32 $0x9;
	_ =	strace $0x80000048  }
0xb3: {  	_ =	swait.ge [sflag:s29], $0x1  }
0xb4: {  	[sflag:s29] =	ssyncadd.s32 $0xFFFFFFFF  }
0xb5: {  	_ =	strace $0x90000048  }
0xb6: {  	_ =	sfence  }
0xb7: {  	s30 =	sld [smem:$0x0];
	_ =	sdelay $0x2  }
0xb8: {  	s31 =	sshll.u32 s1, $0xD;
	s1 =	sshrl.u32 s1, $0x2  }
0xb9: {  	s3 =	sand.u32 $0x4000, s31;
	s1 =	sadd.s32 s1, s30  }
0xba: {  	s0 =	sor.u32 s3, s0;
	s1 =	sshll.u32 s1, $0x11  }
0xbb: {  	s0 =	sor.u32 s1, s0  }
0xbc: {  	s0 =	sadd.s32 $0x8F2B, s0  }
0xbd: {  	[sflag:s0] =	ssyncadd.remote.s32 $0x1  }
0xbe: {  	_ =	sfence.sel $0xFFFF  }
0xbf: {  	[dreg:$0x0] =	wrdreg $0xFFFFFFFF;
	(pc) =	sbr.abs _section_cstart, $3  }
0xc0: {  	[dreg:$0x1] =	wrdreg $0xFFFFFFFF  }
0xc1: {  	_ =	task.clear_ibuf [dreg:s6], $0x2FFFF;
	_ =	strace $0x9FFFFFFF  }
0xc2: {  	(tm) =	ssettm $0x7FFFFFFF  }
0xc3: {  	_ =	shalt  }
tec
execute0_lowered:
.L_overlay_start_1:
0x0: {  	(tag) =	ssettag $0x1  }
0x1: {  	s2 =	rddreg [dreg:$0x0]  }
0x2: {  	s4 =	rddreg [dreg:$0x1]  }
0x3: {  	s0 =	rddreg [dreg:$0x2];
	s3 =	srdreg.scid;
	s1 =	simm.s32 $0x0  }
0x4: {  	s6 =	stileid.u32;
	s17 =	simm.s32 $0x80;
	s14 =	simm.s32 $0x4208  }
0x5: {  	s11 =	simm.s32 $0x8208;
	s18 =	simm.s32 $0x100;
	s3 =	sand.u32 $0x1, s3  }
0x6: {  	s8 =	simm.s32 $0xC208;
	s7 =	sshll.u32 s3, $0x9;
	s3 =	ssub.s32 $0x2, s3  }
0x7: {  	s19 =	simm.s32 $0x180;
	s20 =	simm.s32 $0x1;
	s31 =	sshrl.u32 s3, $0x1  }
0x8: {  	s16 =	simm.s32 $0x2;
	s13 =	simm.s32 $0x3;
	s3 =	ssub.s32 s3, s31  }
0x9: {  	p1 =	por $0x0, $0x0;
	[smem:$0x7FF] =	sst s1;
	s10 =	smax.u32 s3, $0x1  }
0xa: {  	s5 =	sshll.u32 s6, $0xA;
	s12 =	sadd.s32 $0x2A00, s2;
	s24 =	sadd.s32 $0xFFFFFFFF, s10  }
0xb: {  	p0 =	sne.s32 s6, $0x0;
	s6 =	simm.s32 $0x10208;
	p2 =	sne.s32 s24, $0x0  }
.Ltmp0:
0xc: {  	_ =	strace $0x80000047;
	s5 =	sor.u32 s7, s5;
	(pc) =	sbr.rel @!p2 .LBB2_3-.Ltmp0, $4  }
0xd: {  	s21 =	sshrl.u32 @!p0 s4, $0x3;
	s7 =	sshrl.u32 s5, $0x3;
	s5 =	sshll.u32 s5, $0x4  }
0xe: {  	s7 =	sadd.s32 s7, s2;
	s2 =	sadd.s32 s5, s2;
	s3 =	simm.s32 $0x5  }
0xf: {  	s15 =	sadd.s32 $0x2200, s7;
	s9 =	sadd.s32 $0xAC00, s2;
	s7 =	sadd.s32 $0xB400, s2  }
0x10: {  	s5 =	sadd.s32 $0xBC00, s2;
	s2 =	sadd.s32 $0xC400, s2;
	s10 =	simm.s32 $0x4  }
0x11: {  	s22 =	simm.s32 @!p0 $0x1C05;
	s23 =	simm.s32 @!p0 $0x5  }
0x12: {  	[spmem:s21], [sflag:s22] =	dma.local @!p0 [hbm:s12], $0x8010  }
0x13: {  	_ =	swait.ge @!p0 [sflag:s23], $0x8010  }
0x14: {  	[sflag:s23] =	ssyncset.done @!p0 $0x0  }
0x15: {  	[sflag:s23] =	ssyncadd.s32 @!p0 $0xFFFF7FF0  }
0x16: {  	[bflag:$0x0] =	sbarrier.arrive $0xFFFF  }
0x17: {  	[tilespmem:s1], [sflag:$0x5] =	stream.linear.gather [hbm4b:s15+s1], $0x200, $0x38;
	[tilespmem:$0x14208] =	vst v63  }
0x18: {  	_ =	swait.ge [sflag:s3], $0x200  }
0x19: {  	[sflag:s3] =	ssyncset.done $0x0  }
0x1a: {  	[sflag:s3] =	ssyncadd.s32 $0xFFFFFE00  }
0x1b: {  	[tilespmem:s14], [sflag:$0x1] =	stream.indirect.gather [spmem:s4], $0x80, s1, s17, $0xb8;
	[tilespmem:$0x14208] =	vst v63  }
0x1c: {  	_ = 	snop  }
0x1d: {  	[tilespmem:s11], [sflag:$0x2] =	stream.indirect.gather [spmem:s4], $0x80, s17, s17, $0xb8;
	[tilespmem:$0x14208] =	vst v63  }
0x1e: {  	_ = 	snop  }
0x1f: {  	[tilespmem:s8], [sflag:$0x3] =	stream.indirect.gather [spmem:s4], $0x80, s18, s17, $0xb8;
	[tilespmem:$0x14208] =	vst v63  }
0x20: {  	_ = 	snop  }
0x21: {  	[tilespmem:s6], [sflag:$0x4] =	stream.indirect.gather [spmem:s4], $0x80, s19, s17, $0xb8;
	[tilespmem:$0x14208] =	vst v63  }
0x22: {  	_ =	swait.ge [sflag:s20], $0x4000  }
0x23: {  	[sflag:s20] =	ssyncset.done $0x0  }
0x24: {  	[sflag:s20] =	ssyncadd.s32 $0xFFFFC000  }
0x25: {  	[hbm4b:s9+s1] =	stream.linear.scatter [tilespmem:s14], [sflag:$0x5], $0x4000, $0x38;
	[tilespmem:$0x14208] =	vst v63  }
0x26: {  	_ =	swait.ge [sflag:s3], $0x4000  }
0x27: {  	[sflag:s3] =	ssyncset.done $0x0  }
0x28: {  	[sflag:s3] =	ssyncadd.s32 $0xFFFFC000  }
0x29: {  	_ =	swait.ge [sflag:s16], $0x4000  }
0x2a: {  	[sflag:s16] =	ssyncset.done $0x0  }
0x2b: {  	[sflag:s16] =	ssyncadd.s32 $0xFFFFC000  }
0x2c: {  	[hbm4b:s7+s1] =	stream.linear.scatter [tilespmem:s11], [sflag:$0x5], $0x4000, $0x38;
	[tilespmem:$0x14208] =	vst v63  }
0x2d: {  	_ =	swait.ge [sflag:s3], $0x4000  }
0x2e: {  	[sflag:s3] =	ssyncset.done $0x0  }
0x2f: {  	[sflag:s3] =	ssyncadd.s32 $0xFFFFC000  }
0x30: {  	_ =	swait.ge [sflag:s13], $0x4000  }
0x31: {  	[sflag:s13] =	ssyncset.done $0x0  }
0x32: {  	[sflag:s13] =	ssyncadd.s32 $0xFFFFC000  }
0x33: {  	[hbm4b:s5+s1] =	stream.linear.scatter [tilespmem:s8], [sflag:$0x5], $0x4000, $0x38;
	[tilespmem:$0x14208] =	vst v63  }
0x34: {  	_ =	swait.ge [sflag:s3], $0x4000  }
0x35: {  	[sflag:s3] =	ssyncset.done $0x0  }
0x36: {  	s24 =	sadd.s32 $0xFFFFFFFF, s24;
	[sflag:s3] =	ssyncadd.s32 $0xFFFFC000  }
0x37: {  	p2 =	sne.s32 s24, $0x0;
	_ =	swait.ge [sflag:s10], $0x4000  }
.Ltmp1:
0x38: {  	[sflag:s10] =	ssyncset.done $0x0;
	(pc) =	sbr.rel @!p2 .LBB2_3-.Ltmp1, $4  }
0x39: {  	[sflag:s10] =	ssyncadd.s32 $0xFFFFC000  }
0x3a: {  	[hbm4b:s2+s1] =	stream.linear.scatter [tilespmem:s6], [sflag:$0x5], $0x4000, $0x38;
	[tilespmem:$0x14208] =	vst v63  }
0x3b: {  	_ =	swait.ge [sflag:s3], $0x4000  }
0x3c: {  	p1 =	por $0x1, $0x1;
	[sflag:s3] =	ssyncset.done $0x0  }
.LBB2_2:
0x3d: {  	[sflag:s3] =	ssyncadd.s32 $0xFFFFC000  }
0x3e: {  	[spmem:s21], [sflag:s22] =	dma.local @!p0 [hbm:s12], $0x8010  }
0x3f: {  	s24 =	sadd.s32 $0xFFFFFFFF, s24;
	_ =	swait.ge @!p0 [sflag:s23], $0x8010  }
0x40: {  	p2 =	sne.s32 s24, $0x0;
	[sflag:s23] =	ssyncset.done @!p0 $0x0  }
0x41: {  	[sflag:s23] =	ssyncadd.s32 @!p0 $0xFFFF7FF0  }
0x42: {  	[bflag:$0x0] =	sbarrier.arrive $0xFFFF  }
0x43: {  	[tilespmem:s1], [sflag:$0x5] =	stream.linear.gather [hbm4b:s15+s1], $0x200, $0x38;
	[tilespmem:$0x14208] =	vst v63  }
0x44: {  	_ =	swait.ge [sflag:s3], $0x200  }
0x45: {  	[sflag:s3] =	ssyncset.done $0x0  }
0x46: {  	[sflag:s3] =	ssyncadd.s32 $0xFFFFFE00  }
0x47: {  	[tilespmem:s14], [sflag:$0x1] =	stream.indirect.gather [spmem:s4], $0x80, s1, s17, $0xb8;
	[tilespmem:$0x14208] =	vst v63  }
0x48: {  	_ = 	snop  }
0x49: {  	[tilespmem:s11], [sflag:$0x2] =	stream.indirect.gather [spmem:s4], $0x80, s17, s17, $0xb8;
	[tilespmem:$0x14208] =	vst v63  }
0x4a: {  	_ = 	snop  }
0x4b: {  	[tilespmem:s8], [sflag:$0x3] =	stream.indirect.gather [spmem:s4], $0x80, s18, s17, $0xb8;
	[tilespmem:$0x14208] =	vst v63  }
0x4c: {  	_ = 	snop  }
0x4d: {  	[tilespmem:s6], [sflag:$0x4] =	stream.indirect.gather [spmem:s4], $0x80, s19, s17, $0xb8;
	[tilespmem:$0x14208] =	vst v63  }
0x4e: {  	_ =	swait.ge [sflag:s20], $0x4000  }
0x4f: {  	[sflag:s20] =	ssyncset.done $0x0  }
0x50: {  	[sflag:s20] =	ssyncadd.s32 $0xFFFFC000  }
0x51: {  	[hbm4b:s9+s1] =	stream.linear.scatter [tilespmem:s14], [sflag:$0x5], $0x4000, $0x38;
	[tilespmem:$0x14208] =	vst v63  }
0x52: {  	_ =	swait.ge [sflag:s3], $0x4000  }
0x53: {  	[sflag:s3] =	ssyncset.done $0x0  }
0x54: {  	[sflag:s3] =	ssyncadd.s32 $0xFFFFC000  }
0x55: {  	_ =	swait.ge [sflag:s16], $0x4000  }
0x56: {  	[sflag:s16] =	ssyncset.done $0x0  }
0x57: {  	[sflag:s16] =	ssyncadd.s32 $0xFFFFC000  }
0x58: {  	[hbm4b:s7+s1] =	stream.linear.scatter [tilespmem:s11], [sflag:$0x5], $0x4000, $0x38;
	[tilespmem:$0x14208] =	vst v63  }
0x59: {  	_ =	swait.ge [sflag:s3], $0x4000  }
0x5a: {  	[sflag:s3] =	ssyncset.done $0x0  }
0x5b: {  	[sflag:s3] =	ssyncadd.s32 $0xFFFFC000  }
0x5c: {  	_ =	swait.ge [sflag:s13], $0x4000  }
0x5d: {  	[sflag:s13] =	ssyncset.done $0x0  }
0x5e: {  	[sflag:s13] =	ssyncadd.s32 $0xFFFFC000  }
0x5f: {  	[hbm4b:s5+s1] =	stream.linear.scatter [tilespmem:s8], [sflag:$0x5], $0x4000, $0x38;
	[tilespmem:$0x14208] =	vst v63  }
0x60: {  	_ =	swait.ge [sflag:s3], $0x4000  }
0x61: {  	[sflag:s3] =	ssyncset.done $0x0  }
0x62: {  	[sflag:s3] =	ssyncadd.s32 $0xFFFFC000  }
0x63: {  	_ =	swait.ge [sflag:s10], $0x4000  }
.Ltmp2:
0x64: {  	[sflag:s10] =	ssyncset.done $0x0;
	(pc) =	sbr.rel @p2 .LBB2_2-.Ltmp2, $4  }
0x65: {  	[sflag:s10] =	ssyncadd.s32 $0xFFFFC000  }
0x66: {  	[hbm4b:s2+s1] =	stream.linear.scatter [tilespmem:s6], [sflag:$0x5], $0x4000, $0x38;
	[tilespmem:$0x14208] =	vst v63  }
0x67: {  	_ =	swait.ge [sflag:s3], $0x4000  }
0x68: {  	[sflag:s3] =	ssyncset.done $0x0  }
.LBB2_3:
0x69: {  	s22 =	simm.s32 @!p0 $0x1C05;
	s23 =	simm.s32 @!p0 $0x5;
	[sflag:s3] =	ssyncadd.s32 @p1 $0xFFFFC000  }
0x6a: {  	[spmem:s21], [sflag:s22] =	dma.local @!p0 [hbm:s12], $0x8010  }
0x6b: {  	_ =	swait.ge @!p0 [sflag:s23], $0x8010  }
0x6c: {  	[sflag:s23] =	ssyncset.done @!p0 $0x0  }
0x6d: {  	[sflag:s23] =	ssyncadd.s32 @!p0 $0xFFFF7FF0  }
0x6e: {  	[bflag:$0x0] =	sbarrier.arrive $0xFFFF  }
0x6f: {  	[tilespmem:s1], [sflag:$0x5] =	stream.linear.gather [hbm4b:s15+s1], $0x200, $0x38;
	[tilespmem:$0x14208] =	vst v63  }
0x70: {  	_ =	swait.ge [sflag:s3], $0x200  }
0x71: {  	[sflag:s3] =	ssyncset.done $0x0  }
0x72: {  	[sflag:s3] =	ssyncadd.s32 $0xFFFFFE00  }
0x73: {  	[tilespmem:s14], [sflag:$0x1] =	stream.indirect.gather [spmem:s4], $0x80, s1, s17, $0xb8;
	[tilespmem:$0x14208] =	vst v63  }
0x74: {  	_ = 	snop  }
0x75: {  	[tilespmem:s11], [sflag:$0x2] =	stream.indirect.gather [spmem:s4], $0x80, s17, s17, $0xb8;
	[tilespmem:$0x14208] =	vst v63  }
0x76: {  	_ = 	snop  }
0x77: {  	[tilespmem:s8], [sflag:$0x3] =	stream.indirect.gather [spmem:s4], $0x80, s18, s17, $0xb8;
	[tilespmem:$0x14208] =	vst v63  }
0x78: {  	_ = 	snop  }
0x79: {  	[tilespmem:s6], [sflag:$0x4] =	stream.indirect.gather [spmem:s4], $0x80, s19, s17, $0xb8;
	[tilespmem:$0x14208] =	vst v63  }
0x7a: {  	_ =	swait.ge [sflag:s20], $0x4000  }
0x7b: {  	[sflag:s20] =	ssyncset.done $0x0  }
0x7c: {  	[sflag:s20] =	ssyncadd.s32 $0xFFFFC000  }
0x7d: {  	[hbm4b:s9+s1] =	stream.linear.scatter [tilespmem:s14], [sflag:$0x5], $0x4000, $0x38;
	[tilespmem:$0x14208] =	vst v63  }
0x7e: {  	_ =	swait.ge [sflag:s3], $0x4000  }
0x7f: {  	[sflag:s3] =	ssyncset.done $0x0  }
0x80: {  	[sflag:s3] =	ssyncadd.s32 $0xFFFFC000  }
0x81: {  	_ =	swait.ge [sflag:s16], $0x4000  }
0x82: {  	[sflag:s16] =	ssyncset.done $0x0  }
0x83: {  	[sflag:s16] =	ssyncadd.s32 $0xFFFFC000  }
0x84: {  	[hbm4b:s7+s1] =	stream.linear.scatter [tilespmem:s11], [sflag:$0x5], $0x4000, $0x38;
	[tilespmem:$0x14208] =	vst v63  }
0x85: {  	_ =	swait.ge [sflag:s3], $0x4000  }
0x86: {  	[sflag:s3] =	ssyncset.done $0x0  }
0x87: {  	[sflag:s3] =	ssyncadd.s32 $0xFFFFC000  }
0x88: {  	_ =	swait.ge [sflag:s13], $0x4000  }
0x89: {  	[sflag:s13] =	ssyncset.done $0x0  }
0x8a: {  	[sflag:s13] =	ssyncadd.s32 $0xFFFFC000  }
0x8b: {  	[hbm4b:s5+s1] =	stream.linear.scatter [tilespmem:s8], [sflag:$0x5], $0x4000, $0x38;
	[tilespmem:$0x14208] =	vst v63  }
0x8c: {  	_ =	swait.ge [sflag:s3], $0x4000  }
0x8d: {  	[sflag:s3] =	ssyncset.done $0x0  }
0x8e: {  	[sflag:s3] =	ssyncadd.s32 $0xFFFFC000  }
0x8f: {  	_ =	swait.ge [sflag:s10], $0x4000  }
0x90: {  	[sflag:s10] =	ssyncset.done $0x0  }
0x91: {  	[sflag:s10] =	ssyncadd.s32 $0xFFFFC000  }
0x92: {  	[hbm4b:s2+s1] =	stream.linear.scatter [tilespmem:s6], [sflag:$0x5], $0x4000, $0x38;
	[tilespmem:$0x14208] =	vst v63  }
0x93: {  	_ =	swait.ge [sflag:s3], $0x4000  }
0x94: {  	[sflag:s3] =	ssyncset.done $0x0  }
0x95: {  	[sflag:s3] =	ssyncadd.s32 $0xFFFFC000  }
0x96: {  	_ =	sfence.sel $0x180000  }
0x97: {  	[bflag:$0x0] =	sbarrier.arrive $0xFFFF  }
0x98: {  	_ =	strace $0x90000047  }
0x99: {  	s0 =	sadd.s32 @!p0 $0x100000, s0;
	[bflag:$0x2] =	sbarrier.arrive $0xFFFF  }
0x9a: {  	[sflag:s0] =	ssyncadd.tile.s32 @!p0 $0x1;
	_ =	shalt  }
.Lfunc_end2:
_tile_overlayer_lowered:
.L_overlay_start_2:
0x9b: {  	(tag) =	ssettag $0x2  }
0x9c: {  	s0 =	rddreg [dreg:$0x0];
	s2 =	stileid.u32  }
0x9d: {  	s1 =	rddreg [dreg:$0x1];
	p0 =	sne.s32 s2, $0x0  }
0x9e: {  	s3 =	rddreg [dreg:$0x2];
	[bflag:$0x3] =	sbarrier.arrive $0xFFFF;
	s2 =	simm.s32 @!p0 $0x1C05  }
0x9f: {  	[timem:s3], [sflag:s2] =	dma.local @!p0 [hbm:s0], s1  }
0xa0: {  	s0 =	simm.s32 @!p0 $0x5  }
0xa1: {  	_ =	swait.ge @!p0 [sflag:s0], s1  }
0xa2: {  	s1 =	ssub.s32 @!p0 $0x0, s1;
	[sflag:s0] =	ssyncset.done @!p0 $0x0  }
0xa3: {  	[sflag:s0] =	ssyncadd.s32 @!p0 s1  }
0xa4: {  	[bflag:$0x3] =	sbarrier.arrive $0xFFFF  }
0xa5: {  	_ =	shalt  }

// kernel: kernel.14.cloned.1.call-start
scs
__scs_entry_jumppad:
0x0: {  	(pc) =	sbr.rel $0x88, $3  }
0x1: {  	(tag) =	ssettag $0x0;
	lr =	simm.s32 $0x1  }
0x2: {  	[smem:$0x3F9D] =	sst lr;
	_ =	strace $0xD0000000  }
0x3: {  	_ = 	snop  }
0x4: {  	_ = 	snop  }
0x5: {  	_ = 	snop  }
0x6: {  	_ = 	snop  }
0x7: {  	_ = 	snop  }
__scs_overlays_trampoline_lowered:
0x8: {  	[smem:$0x3FAC] =	sst s0  }
0x9: {  	[smem:$0x3FAD] =	sst s1  }
0xa: {  	[smem:$0x3FAE] =	sst s2  }
0xb: {  	[smem:$0x3FAF] =	sst s3  }
0xc: {  	[smem:$0x3FB0] =	sst s4  }
0xd: {  	[smem:$0x3FB1] =	sst s5  }
0xe: {  	[smem:$0x3FB2] =	sst s6  }
0xf: {  	[smem:$0x3FB3] =	sst s7  }
0x10: {  	[smem:$0x3FB4] =	sst s8  }
0x11: {  	[smem:$0x3FB5] =	sst s9;
	s0 =	simm.s32 @!p0 $0x0  }
0x12: {  	s1 =	sld [smem:$0x3F9B];
	s0 =	simm.s32 @p0 $0x1  }
0x13: {  	[smem:$0x3FB6] =	sst s0;
	s0 =	simm.s32 @!p1 $0x0  }
0x14: {  	s2 =	sld [smem:$0x3F9A];
	s0 =	simm.s32 @p1 $0x1  }
0x15: {  	[smem:$0x3FB7] =	sst s0;
	s0 =	simm.s32 @!p2 $0x0  }
0x16: {  	s3 =	sld [smem:$0x3FDB];
	s0 =	simm.s32 @p2 $0x1  }
0x17: {  	s4 =	simm.s32 $0x1BF5;
	[smem:$0x3FB9] =	sst s0  }
0x18: {  	s0 =	sld [smem:$0x3F9C];
	_ =	swait.ge [sflag:s4], $0x0  }
0x19: {  	s7 =	sld [smem:$0x3F9D]  }
0x1a: {  	s8 =	sadd.s32 $0xFFFFE003, lr  }
0x1b: {  	s9 =	sadd.s32 $0xFFFFFEF7, lr;
	s5 =	simm.s32 $0xFFFFFFFF;
	p2 =	slt.u32 s8, $0xFFFFF086  }
0x1c: {  	p1 =	slt.u32 s9, $0xF7A;
	s5 =	simm.s32 @!p2 $0x0  }
0x1d: {  	s5 =	simm.s32 @p1 $0x1;
	p0 =	seq.s32 s7, s2  }
0x1e: {  	s7 =	smul.u32 @!p0 $0xF7A, s2;
	p2 =	seq.s32 @!p0 s5, $0x0  }
0x1f: {  	s9 =	smul.u32 $0xF7A, s1;
	s8 =	simm.s32 @!p0 $0x1BF5;
	p2 =	por !p2, p0  }
0x20: {  	[sflag:s8] =	ssyncset.s32 @!p0 $0xFFFFF086;
	s6 =	sadd.s32 @!p0 s3, s7;
	s7 =	simm.s32 @!p0 $0x108  }
0x21: {  	s3 =	sadd.s32 s3, s9;
	s6 =	sadd.s32 @!p0 $0x88, s6;
	s7 =	simm.s32 @p2 $0x1082  }
0x22: {  	[simem:s7], [sflag:s8] =	dma.local @!p0 [hbm:s6], $0xF7A  }
0x23: {  	s9 =	sor.u32 $0xD0000000, s2;
	s6 =	simm.s32 $0x108;
	_ =	swait.ge @!p0 [sflag:s8], $0x0  }
0x24: {  	s3 =	sadd.s32 $0x88, s3;
	s6 =	simm.s32 @!p1 $0x1082;
	[sflag:s4] =	ssyncset.s32 $0xFFFFF086  }
0x25: {  	[simem:s6], [sflag:s4] =	dma.local [hbm:s3], $0xF7A  }
0x26: {  	[smem:$0x3F9D] =	sst s1;
	(tag) =	ssettag s2;
	_ =	strace s9  }
0x27: {  	s1 =	sld [smem:$0x3FAD]  }
0x28: {  	s2 =	sld [smem:$0x3FAE]  }
0x29: {  	s4 =	sld [smem:$0x3FB0]  }
0x2a: {  	p0 =	seq.s32 s5, $0x0;
	s5 =	sld [smem:$0x3FB1]  }
0x2b: {  	s6 =	sld [smem:$0x3FB2]  }
0x2c: {  	s7 =	sld [smem:$0x3FB3]  }
0x2d: {  	s3 =	simm.s32 $0x108;
	s8 =	sld [smem:$0x3FB4]  }
0x2e: {  	s3 =	simm.s32 @!p0 $0x1082;
	s9 =	sld [smem:$0x3FB5]  }
0x2f: {  	lr =	sadd.s32 s0, s3;
	s0 =	sld [smem:$0x3FAC]  }
0x30: {  	s3 =	sld [smem:$0x3FAF]  }
0x31: {  	[smem:$0x3FB8] =	sst s10  }
0x32: {  	s10 =	sld [smem:$0x3FB6];
	_ =	sdelay $0x3  }
0x33: {  	p0 =	seq.s32 s10, $0x1;
	s10 =	sld [smem:$0x3FB8];
	_ =	sdelay $0x3  }
0x34: {  	[smem:$0x3FB8] =	sst s10  }
0x35: {  	s10 =	sld [smem:$0x3FB7];
	_ =	sdelay $0x3  }
0x36: {  	p1 =	seq.s32 s10, $0x1;
	s10 =	sld [smem:$0x3FB8];
	_ =	sdelay $0x3  }
0x37: {  	[smem:$0x3FB8] =	sst s10  }
0x38: {  	s10 =	sld [smem:$0x3FB9]  }
0x39: {  	_ = 	snop;
	(pc) =	sbr.ind lr, $3  }
0x3a: {  	_ = 	snop  }
0x3b: {  	_ = 	snop  }
0x3c: {  	p2 =	seq.s32 s10, $0x1;
	s10 =	sld [smem:$0x3FB8]  }
0x3d: {  	_ =	shalt  }
0x3e: {  	_ =	shalt  }
0x3f: {  	_ =	shalt  }
0x40: {  	_ =	shalt  }
0x41: {  	_ =	shalt  }
0x42: {  	_ =	shalt  }
0x43: {  	_ =	shalt  }
0x44: {  	_ =	shalt  }
0x45: {  	_ =	shalt  }
0x46: {  	_ =	shalt  }
0x47: {  	_ =	shalt  }
0x48: {  	_ =	shalt  }
0x49: {  	_ =	shalt  }
0x4a: {  	_ =	shalt  }
0x4b: {  	_ =	shalt  }
0x4c: {  	_ =	shalt  }
0x4d: {  	_ =	shalt  }
0x4e: {  	_ =	shalt  }
0x4f: {  	_ =	shalt  }
0x50: {  	_ =	shalt  }
0x51: {  	_ =	shalt  }
0x52: {  	_ =	shalt  }
0x53: {  	_ =	shalt  }
0x54: {  	_ =	shalt  }
0x55: {  	_ =	shalt  }
0x56: {  	_ =	shalt  }
0x57: {  	_ =	shalt  }
0x58: {  	_ =	shalt  }
0x59: {  	_ =	shalt  }
0x5a: {  	_ =	shalt  }
0x5b: {  	_ =	shalt  }
0x5c: {  	_ =	shalt  }
0x5d: {  	_ =	shalt  }
0x5e: {  	_ =	shalt  }
0x5f: {  	_ =	shalt  }
0x60: {  	_ =	shalt  }
0x61: {  	_ =	shalt  }
0x62: {  	_ =	shalt  }
0x63: {  	_ =	shalt  }
0x64: {  	_ =	shalt  }
0x65: {  	_ =	shalt  }
0x66: {  	_ =	shalt  }
0x67: {  	_ =	shalt  }
0x68: {  	_ =	shalt  }
0x69: {  	_ =	shalt  }
0x6a: {  	_ =	shalt  }
0x6b: {  	_ =	shalt  }
0x6c: {  	_ =	shalt  }
0x6d: {  	_ =	shalt  }
0x6e: {  	_ =	shalt  }
0x6f: {  	_ =	shalt  }
0x70: {  	_ =	shalt  }
0x71: {  	_ =	shalt  }
0x72: {  	_ =	shalt  }
0x73: {  	_ =	shalt  }
0x74: {  	_ =	shalt  }
0x75: {  	_ =	shalt  }
0x76: {  	_ =	shalt  }
0x77: {  	_ =	shalt  }
0x78: {  	_ =	shalt  }
0x79: {  	_ =	shalt  }
0x7a: {  	_ =	shalt  }
0x7b: {  	_ =	shalt  }
0x7c: {  	_ =	shalt  }
0x7d: {  	_ =	shalt  }
0x7e: {  	_ =	shalt  }
0x7f: {  	_ =	shalt  }
0x80: {  	_ =	shalt  }
0x81: {  	_ =	shalt  }
0x82: {  	_ =	shalt  }
0x83: {  	_ =	shalt  }
0x84: {  	_ =	shalt  }
0x85: {  	_ =	shalt  }
0x86: {  	_ =	shalt  }
0x87: {  	_ =	shalt  }
.Lfunc_end0:
.L_simem_size_0:
called_computation.1_lowered:
.L_overlay_start_0:
0x88: {  	s2 =	sld [smem:$0x3FD9]  }
0x89: {  	s3 =	sld [smem:$0x3FFE];
	_ =	sdelay $0x1  }
0x8a: {  	s1 =	srdreg.scid  }
0x8b: {  	s0 =	sand.u32 $0x1, s1  }
0x8c: {  	s17 =	sshll.u32 s0, $0xA;
	s2 =	sadd.s32 s3, s2  }
0x8d: {  	s2 =	sadd.s32 s2, s17  }
0x8e: {  	[smem:$0x3FC4] =	sst s2  }
0x8f: {  	_ = 	snop  }
0x90: {  	(tm) =	ssettm $0x1  }
0x91: {  	s18 =	sld [smem:$0x3FFB];
	_ =	sdelay $0x3  }
0x92: {  	_ =	strace s18  }
0x93: {  	s2 =	sld [smem:$0x3FFC];
	_ =	sdelay $0x3  }
0x94: {  	_ =	strace s2  }
0x95: {  	s2 =	sld [smem:$0x3FFD];
	_ =	sdelay $0x3  }
0x96: {  	_ =	strace s2  }
0x97: {  	_ =	strace $0x8FFFFFFF  }
0x98: {  	s19 =	sld [smem:$0x3FDB];
	_ =	sdelay $0x1  }
0x99: {  	s20 =	simm.s32 $_scs_section_size  }
0x9a: {  	s4 =	simm.s32 $_size__tile_overlayer_lowered;
	s5 =	simm.s32 $_tile_overlayer_lowered  }
0x9b: {  	s6 =	simm.s32 $0x1BFF;
	s21 =	sshll.u32 s5, $0x1;
	s3 =	sadd.s32 s20, s19  }
0x9c: {  	s22 =	simm.s32 $0x0;
	s4 =	sshll.u32 s4, $0x1;
	s5 =	sadd.s32 s21, s3  }
0x9d: {  	[timem:s22], [sflag:s6] =	dma.local [hbm:s5], s4  }
0x9e: {  	_ =	swait.ge [sflag:s6], s4  }
0x9f: {  	s4 =	ssub.s32 $0x0, s4;
	[sflag:s6] =	ssyncset.done $0x0  }
0xa0: {  	[sflag:s6] =	ssyncadd.s32 s4;
	_ =	sdelay $0x1  }
0xa1: {  	s23 =	simm.s32 $0x1B8B  }
0xa2: {  	_ =	swait.ge [sflag:s23], $0x1  }
0xa3: {  	[sflag:s23] =	ssyncset.done $0x0  }
0xa4: {  	[sflag:s23] =	ssyncadd.s32 $0xFFFFFFFF  }
0xa5: {  	s4 =	sld [smem:$0x0]  }
0xa6: {  	s5 =	sand.u32 $0xFFFFFFFE, s1  }
0xa7: {  	p0 =	sne.s32 s1, s5  }
0xa8: {  	s5 =	sshll.u32 @p0 s5, $0xE  }
0xa9: {  	s5 =	sadd.s32 @p0 $0x11B8D, s5;
	s6 =	sshll.u32 @p0 s4, $0x11  }
0xaa: {  	s5 =	sor.u32 @p0 s6, s5  }
0xab: {  	[sflag:s5] =	ssyncadd.remote.s32 @p0 $0x1;
	_ =	sdelay $0x1  }
0xac: {  	s5 =	simm.s32 @p0 $0x1B8D  }
0xad: {  	_ =	swait.eq @p0 [sflag:s5], $0x1  }
0xae: {  	[sflag:s5] =	ssyncadd.s32 @p0 $0xFFFFFFFF  }
0xaf: {  	s6 =	sshll.u32 @!p0 s1, $0xE  }
0xb0: {  	s6 =	sor.u32 @!p0 $0x4000, s6;
	s5 =	simm.s32 @!p0 $0x1B8D  }
0xb1: {  	s4 =	sshll.u32 @!p0 s4, $0x11;
	s6 =	sadd.s32 @!p0 $0x11B8D, s6;
	_ =	swait.eq @!p0 [sflag:s5], $0x1  }
0xb2: {  	s4 =	sor.u32 @!p0 s4, s6;
	[sflag:s5] =	ssyncadd.s32 @!p0 $0xFFFFFFFF  }
0xb3: {  	s25 =	simm.s32 $0x1B8E;
	s24 =	sld [smem:$0x3FFE];
	[sflag:s4] =	ssyncadd.remote.s32 @!p0 $0x1  }
0xb4: {  	s26 =	simm.s32 $execute0_lowered;
	[smem:$0x3FD2] =	sst s25  }
0xb5: {  	s5 =	sshll.u32 s26, $0x1;
	_ =	strace $0x80000049;
	[dreg:$0x1] =	wrdreg $0xFFFFFFFF  }
0xb6: {  	s28 =	simm.s32 $_size_execute0_lowered;
	s3 =	sadd.s32 s3, s5;
	[dreg:$0x0] =	wrdreg $0x0  }
0xb7: {  	s5 =	sshll.u32 s28, $0x1;
	[dreg:$0x2] =	wrdreg s3  }
0xb8: {  	[dreg:$0x3] =	wrdreg s5  }
0xb9: {  	[dreg:$0x4] =	wrdreg $0xC0  }
0xba: {  	_ =	task [dreg:s22], $0x5FFFF  }
0xbb: {  	[dreg:$0x1] =	wrdreg $0xFFFFFFFF  }
0xbc: {  	[dreg:$0x0] =	wrdreg $0x60  }
0xbd: {  	[dreg:$0x2] =	wrdreg s24  }
0xbe: {  	[dreg:$0x3] =	wrdreg $0x2000  }
0xbf: {  	[dreg:$0x4] =	wrdreg $0xA  }
0xc0: {  	_ =	task.clear_ibuf [dreg:s22], $0x5FFFF;
	_ =	strace $0x90000049  }
0xc1: {  	s29 =	simm.s32 $0xA;
	_ =	strace $0x8000004B  }
0xc2: {  	_ =	swait.ge [sflag:s29], $0x1  }
0xc3: {  	[sflag:s29] =	ssyncadd.s32 $0xFFFFFFFF  }
0xc4: {  	_ =	strace $0x9000004B  }
0xc5: {  	_ =	sfence  }
0xc6: {  	s30 =	sld [smem:$0x0];
	_ =	sdelay $0x2  }
0xc7: {  	s31 =	sshll.u32 s1, $0xD;
	s1 =	sshrl.u32 s1, $0x2  }
0xc8: {  	s4 =	sand.u32 $0x4000, s31;
	s1 =	sadd.s32 s1, s30  }
0xc9: {  	s0 =	sor.u32 s4, s0;
	s1 =	sshll.u32 s1, $0x11  }
0xca: {  	s0 =	sor.u32 s1, s0  }
0xcb: {  	s0 =	sadd.s32 $0x8F2B, s0  }
0xcc: {  	[sflag:s0] =	ssyncadd.remote.s32 $0x1  }
0xcd: {  	_ =	sfence.sel $0xFFFF  }
0xce: {  	[dreg:$0x0] =	wrdreg $0xFFFFFFFF;
	(pc) =	sbr.abs _section_cstart, $3  }
0xcf: {  	[dreg:$0x1] =	wrdreg $0xFFFFFFFF  }
0xd0: {  	_ =	task.clear_ibuf [dreg:s22], $0x2FFFF;
	_ =	strace $0x9FFFFFFF  }
0xd1: {  	(tm) =	ssettm $0x7FFFFFFF  }
tec
execute0_lowered:
.L_overlay_start_1:
0x0: {  	(tag) =	ssettag $0x1  }
0x1: {  	s2 =	rddreg [dreg:$0x0]  }
0x2: {  	s4 =	rddreg [dreg:$0x1]  }
0x3: {  	s0 =	rddreg [dreg:$0x2];
	s3 =	srdreg.scid;
	s1 =	simm.s32 $0x0  }
0x4: {  	s6 =	stileid.u32;
	s17 =	simm.s32 $0x80;
	s14 =	simm.s32 $0x4208  }
0x5: {  	s11 =	simm.s32 $0x8208;
	s18 =	simm.s32 $0x100;
	s3 =	sand.u32 $0x1, s3  }
0x6: {  	s8 =	simm.s32 $0xC208;
	s7 =	sshll.u32 s3, $0x9;
	s3 =	ssub.s32 $0x2, s3  }
0x7: {  	s19 =	simm.s32 $0x180;
	s20 =	simm.s32 $0x1;
	s31 =	sshrl.u32 s3, $0x1  }
0x8: {  	s16 =	simm.s32 $0x2;
	s13 =	simm.s32 $0x3;
	s3 =	ssub.s32 s3, s31  }
0x9: {  	p1 =	por $0x0, $0x0;
	[smem:$0x7FF] =	sst s1;
	s10 =	smax.u32 s3, $0x1  }
0xa: {  	s5 =	sshll.u32 s6, $0xA;
	s12 =	sadd.s32 $0x4B400, s2;
	s24 =	sadd.s32 $0xFFFFFFFF, s10  }
0xb: {  	p0 =	sne.s32 s6, $0x0;
	s6 =	simm.s32 $0x10208;
	p2 =	sne.s32 s24, $0x0  }
.Ltmp0:
0xc: {  	_ =	strace $0x8000004A;
	s5 =	sor.u32 s7, s5;
	(pc) =	sbr.rel @!p2 .LBB2_3-.Ltmp0, $4  }
0xd: {  	s21 =	sshrl.u32 @!p0 s4, $0x3;
	s7 =	sshrl.u32 s5, $0x3;
	s5 =	sshll.u32 s5, $0x4  }
0xe: {  	s7 =	sadd.s32 s7, s2;
	s2 =	sadd.s32 s5, s2;
	s3 =	simm.s32 $0x5  }
0xf: {  	s15 =	sadd.s32 $0x4AC00, s7;
	s9 =	sadd.s32 $0x53600, s2;
	s7 =	sadd.s32 $0x53E00, s2  }
0x10: {  	s5 =	sadd.s32 $0x54600, s2;
	s2 =	sadd.s32 $0x54E00, s2;
	s10 =	simm.s32 $0x4  }
0x11: {  	s22 =	simm.s32 @!p0 $0x1C05;
	s23 =	simm.s32 @!p0 $0x5  }
0x12: {  	[spmem:s21], [sflag:s22] =	dma.local @!p0 [hbm:s12], $0x8010  }
0x13: {  	_ =	swait.ge @!p0 [sflag:s23], $0x8010  }
0x14: {  	[sflag:s23] =	ssyncset.done @!p0 $0x0  }
0x15: {  	[sflag:s23] =	ssyncadd.s32 @!p0 $0xFFFF7FF0  }
0x16: {  	[bflag:$0x0] =	sbarrier.arrive $0xFFFF  }
0x17: {  	[tilespmem:s1], [sflag:$0x5] =	stream.linear.gather [hbm4b:s15+s1], $0x200, $0x38;
	[tilespmem:$0x14208] =	vst v63  }
0x18: {  	_ =	swait.ge [sflag:s3], $0x200  }
0x19: {  	[sflag:s3] =	ssyncset.done $0x0  }
0x1a: {  	[sflag:s3] =	ssyncadd.s32 $0xFFFFFE00  }
0x1b: {  	[tilespmem:s14], [sflag:$0x1] =	stream.indirect.gather [spmem:s4], $0x80, s1, s17, $0xb8;
	[tilespmem:$0x14208] =	vst v63  }
0x1c: {  	_ = 	snop  }
0x1d: {  	[tilespmem:s11], [sflag:$0x2] =	stream.indirect.gather [spmem:s4], $0x80, s17, s17, $0xb8;
	[tilespmem:$0x14208] =	vst v63  }
0x1e: {  	_ = 	snop  }
0x1f: {  	[tilespmem:s8], [sflag:$0x3] =	stream.indirect.gather [spmem:s4], $0x80, s18, s17, $0xb8;
	[tilespmem:$0x14208] =	vst v63  }
0x20: {  	_ = 	snop  }
0x21: {  	[tilespmem:s6], [sflag:$0x4] =	stream.indirect.gather [spmem:s4], $0x80, s19, s17, $0xb8;
	[tilespmem:$0x14208] =	vst v63  }
0x22: {  	_ =	swait.ge [sflag:s20], $0x4000  }
0x23: {  	[sflag:s20] =	ssyncset.done $0x0  }
0x24: {  	[sflag:s20] =	ssyncadd.s32 $0xFFFFC000  }
0x25: {  	[hbm4b:s9+s1] =	stream.linear.scatter [tilespmem:s14], [sflag:$0x5], $0x4000, $0x38;
	[tilespmem:$0x14208] =	vst v63  }
0x26: {  	_ =	swait.ge [sflag:s3], $0x4000  }
0x27: {  	[sflag:s3] =	ssyncset.done $0x0  }
0x28: {  	[sflag:s3] =	ssyncadd.s32 $0xFFFFC000  }
0x29: {  	_ =	swait.ge [sflag:s16], $0x4000  }
0x2a: {  	[sflag:s16] =	ssyncset.done $0x0  }
0x2b: {  	[sflag:s16] =	ssyncadd.s32 $0xFFFFC000  }
0x2c: {  	[hbm4b:s7+s1] =	stream.linear.scatter [tilespmem:s11], [sflag:$0x5], $0x4000, $0x38;
	[tilespmem:$0x14208] =	vst v63  }
0x2d: {  	_ =	swait.ge [sflag:s3], $0x4000  }
0x2e: {  	[sflag:s3] =	ssyncset.done $0x0  }
0x2f: {  	[sflag:s3] =	ssyncadd.s32 $0xFFFFC000  }
0x30: {  	_ =	swait.ge [sflag:s13], $0x4000  }
0x31: {  	[sflag:s13] =	ssyncset.done $0x0  }
0x32: {  	[sflag:s13] =	ssyncadd.s32 $0xFFFFC000  }
0x33: {  	[hbm4b:s5+s1] =	stream.linear.scatter [tilespmem:s8], [sflag:$0x5], $0x4000, $0x38;
	[tilespmem:$0x14208] =	vst v63  }
0x34: {  	_ =	swait.ge [sflag:s3], $0x4000  }
0x35: {  	[sflag:s3] =	ssyncset.done $0x0  }
0x36: {  	s24 =	sadd.s32 $0xFFFFFFFF, s24;
	[sflag:s3] =	ssyncadd.s32 $0xFFFFC000  }
0x37: {  	p2 =	sne.s32 s24, $0x0;
	_ =	swait.ge [sflag:s10], $0x4000  }
.Ltmp1:
0x38: {  	[sflag:s10] =	ssyncset.done $0x0;
	(pc) =	sbr.rel @!p2 .LBB2_3-.Ltmp1, $4  }
0x39: {  	[sflag:s10] =	ssyncadd.s32 $0xFFFFC000  }
0x3a: {  	[hbm4b:s2+s1] =	stream.linear.scatter [tilespmem:s6], [sflag:$0x5], $0x4000, $0x38;
	[tilespmem:$0x14208] =	vst v63  }
0x3b: {  	_ =	swait.ge [sflag:s3], $0x4000  }
0x3c: {  	p1 =	por $0x1, $0x1;
	[sflag:s3] =	ssyncset.done $0x0  }
.LBB2_2:
0x3d: {  	[sflag:s3] =	ssyncadd.s32 $0xFFFFC000  }
0x3e: {  	[spmem:s21], [sflag:s22] =	dma.local @!p0 [hbm:s12], $0x8010  }
0x3f: {  	s24 =	sadd.s32 $0xFFFFFFFF, s24;
	_ =	swait.ge @!p0 [sflag:s23], $0x8010  }
0x40: {  	p2 =	sne.s32 s24, $0x0;
	[sflag:s23] =	ssyncset.done @!p0 $0x0  }
0x41: {  	[sflag:s23] =	ssyncadd.s32 @!p0 $0xFFFF7FF0  }
0x42: {  	[bflag:$0x0] =	sbarrier.arrive $0xFFFF  }
0x43: {  	[tilespmem:s1], [sflag:$0x5] =	stream.linear.gather [hbm4b:s15+s1], $0x200, $0x38;
	[tilespmem:$0x14208] =	vst v63  }
0x44: {  	_ =	swait.ge [sflag:s3], $0x200  }
0x45: {  	[sflag:s3] =	ssyncset.done $0x0  }
0x46: {  	[sflag:s3] =	ssyncadd.s32 $0xFFFFFE00  }
0x47: {  	[tilespmem:s14], [sflag:$0x1] =	stream.indirect.gather [spmem:s4], $0x80, s1, s17, $0xb8;
	[tilespmem:$0x14208] =	vst v63  }
0x48: {  	_ = 	snop  }
0x49: {  	[tilespmem:s11], [sflag:$0x2] =	stream.indirect.gather [spmem:s4], $0x80, s17, s17, $0xb8;
	[tilespmem:$0x14208] =	vst v63  }
0x4a: {  	_ = 	snop  }
0x4b: {  	[tilespmem:s8], [sflag:$0x3] =	stream.indirect.gather [spmem:s4], $0x80, s18, s17, $0xb8;
	[tilespmem:$0x14208] =	vst v63  }
0x4c: {  	_ = 	snop  }
0x4d: {  	[tilespmem:s6], [sflag:$0x4] =	stream.indirect.gather [spmem:s4], $0x80, s19, s17, $0xb8;
	[tilespmem:$0x14208] =	vst v63  }
0x4e: {  	_ =	swait.ge [sflag:s20], $0x4000  }
0x4f: {  	[sflag:s20] =	ssyncset.done $0x0  }
0x50: {  	[sflag:s20] =	ssyncadd.s32 $0xFFFFC000  }
0x51: {  	[hbm4b:s9+s1] =	stream.linear.scatter [tilespmem:s14], [sflag:$0x5], $0x4000, $0x38;
	[tilespmem:$0x14208] =	vst v63  }
0x52: {  	_ =	swait.ge [sflag:s3], $0x4000  }
0x53: {  	[sflag:s3] =	ssyncset.done $0x0  }
0x54: {  	[sflag:s3] =	ssyncadd.s32 $0xFFFFC000  }
0x55: {  	_ =	swait.ge [sflag:s16], $0x4000  }
0x56: {  	[sflag:s16] =	ssyncset.done $0x0  }
0x57: {  	[sflag:s16] =	ssyncadd.s32 $0xFFFFC000  }
0x58: {  	[hbm4b:s7+s1] =	stream.linear.scatter [tilespmem:s11], [sflag:$0x5], $0x4000, $0x38;
	[tilespmem:$0x14208] =	vst v63  }
0x59: {  	_ =	swait.ge [sflag:s3], $0x4000  }
0x5a: {  	[sflag:s3] =	ssyncset.done $0x0  }
0x5b: {  	[sflag:s3] =	ssyncadd.s32 $0xFFFFC000  }
0x5c: {  	_ =	swait.ge [sflag:s13], $0x4000  }
0x5d: {  	[sflag:s13] =	ssyncset.done $0x0  }
0x5e: {  	[sflag:s13] =	ssyncadd.s32 $0xFFFFC000  }
0x5f: {  	[hbm4b:s5+s1] =	stream.linear.scatter [tilespmem:s8], [sflag:$0x5], $0x4000, $0x38;
	[tilespmem:$0x14208] =	vst v63  }
0x60: {  	_ =	swait.ge [sflag:s3], $0x4000  }
0x61: {  	[sflag:s3] =	ssyncset.done $0x0  }
0x62: {  	[sflag:s3] =	ssyncadd.s32 $0xFFFFC000  }
0x63: {  	_ =	swait.ge [sflag:s10], $0x4000  }
.Ltmp2:
0x64: {  	[sflag:s10] =	ssyncset.done $0x0;
	(pc) =	sbr.rel @p2 .LBB2_2-.Ltmp2, $4  }
0x65: {  	[sflag:s10] =	ssyncadd.s32 $0xFFFFC000  }
0x66: {  	[hbm4b:s2+s1] =	stream.linear.scatter [tilespmem:s6], [sflag:$0x5], $0x4000, $0x38;
	[tilespmem:$0x14208] =	vst v63  }
0x67: {  	_ =	swait.ge [sflag:s3], $0x4000  }
0x68: {  	[sflag:s3] =	ssyncset.done $0x0  }
.LBB2_3:
0x69: {  	s22 =	simm.s32 @!p0 $0x1C05;
	s23 =	simm.s32 @!p0 $0x5;
	[sflag:s3] =	ssyncadd.s32 @p1 $0xFFFFC000  }
0x6a: {  	[spmem:s21], [sflag:s22] =	dma.local @!p0 [hbm:s12], $0x8010  }
0x6b: {  	_ =	swait.ge @!p0 [sflag:s23], $0x8010  }
0x6c: {  	[sflag:s23] =	ssyncset.done @!p0 $0x0  }
0x6d: {  	[sflag:s23] =	ssyncadd.s32 @!p0 $0xFFFF7FF0  }
0x6e: {  	[bflag:$0x0] =	sbarrier.arrive $0xFFFF  }
0x6f: {  	[tilespmem:s1], [sflag:$0x5] =	stream.linear.gather [hbm4b:s15+s1], $0x200, $0x38;
	[tilespmem:$0x14208] =	vst v63  }
0x70: {  	_ =	swait.ge [sflag:s3], $0x200  }
0x71: {  	[sflag:s3] =	ssyncset.done $0x0  }
0x72: {  	[sflag:s3] =	ssyncadd.s32 $0xFFFFFE00  }
0x73: {  	[tilespmem:s14], [sflag:$0x1] =	stream.indirect.gather [spmem:s4], $0x80, s1, s17, $0xb8;
	[tilespmem:$0x14208] =	vst v63  }
0x74: {  	_ = 	snop  }
0x75: {  	[tilespmem:s11], [sflag:$0x2] =	stream.indirect.gather [spmem:s4], $0x80, s17, s17, $0xb8;
	[tilespmem:$0x14208] =	vst v63  }
0x76: {  	_ = 	snop  }
0x77: {  	[tilespmem:s8], [sflag:$0x3] =	stream.indirect.gather [spmem:s4], $0x80, s18, s17, $0xb8;
	[tilespmem:$0x14208] =	vst v63  }
0x78: {  	_ = 	snop  }
0x79: {  	[tilespmem:s6], [sflag:$0x4] =	stream.indirect.gather [spmem:s4], $0x80, s19, s17, $0xb8;
	[tilespmem:$0x14208] =	vst v63  }
0x7a: {  	_ =	swait.ge [sflag:s20], $0x4000  }
0x7b: {  	[sflag:s20] =	ssyncset.done $0x0  }
0x7c: {  	[sflag:s20] =	ssyncadd.s32 $0xFFFFC000  }
0x7d: {  	[hbm4b:s9+s1] =	stream.linear.scatter [tilespmem:s14], [sflag:$0x5], $0x4000, $0x38;
	[tilespmem:$0x14208] =	vst v63  }
0x7e: {  	_ =	swait.ge [sflag:s3], $0x4000  }
0x7f: {  	[sflag:s3] =	ssyncset.done $0x0  }
0x80: {  	[sflag:s3] =	ssyncadd.s32 $0xFFFFC000  }
0x81: {  	_ =	swait.ge [sflag:s16], $0x4000  }
0x82: {  	[sflag:s16] =	ssyncset.done $0x0  }
0x83: {  	[sflag:s16] =	ssyncadd.s32 $0xFFFFC000  }
0x84: {  	[hbm4b:s7+s1] =	stream.linear.scatter [tilespmem:s11], [sflag:$0x5], $0x4000, $0x38;
	[tilespmem:$0x14208] =	vst v63  }
0x85: {  	_ =	swait.ge [sflag:s3], $0x4000  }
0x86: {  	[sflag:s3] =	ssyncset.done $0x0  }
0x87: {  	[sflag:s3] =	ssyncadd.s32 $0xFFFFC000  }
0x88: {  	_ =	swait.ge [sflag:s13], $0x4000  }
0x89: {  	[sflag:s13] =	ssyncset.done $0x0  }
0x8a: {  	[sflag:s13] =	ssyncadd.s32 $0xFFFFC000  }
0x8b: {  	[hbm4b:s5+s1] =	stream.linear.scatter [tilespmem:s8], [sflag:$0x5], $0x4000, $0x38;
	[tilespmem:$0x14208] =	vst v63  }
0x8c: {  	_ =	swait.ge [sflag:s3], $0x4000  }
0x8d: {  	[sflag:s3] =	ssyncset.done $0x0  }
0x8e: {  	[sflag:s3] =	ssyncadd.s32 $0xFFFFC000  }
0x8f: {  	_ =	swait.ge [sflag:s10], $0x4000  }
0x90: {  	[sflag:s10] =	ssyncset.done $0x0  }
0x91: {  	[sflag:s10] =	ssyncadd.s32 $0xFFFFC000  }
0x92: {  	[hbm4b:s2+s1] =	stream.linear.scatter [tilespmem:s6], [sflag:$0x5], $0x4000, $0x38;
	[tilespmem:$0x14208] =	vst v63  }
0x93: {  	_ =	swait.ge [sflag:s3], $0x4000  }
0x94: {  	[sflag:s3] =	ssyncset.done $0x0  }
0x95: {  	[sflag:s3] =	ssyncadd.s32 $0xFFFFC000  }
0x96: {  	_ =	sfence.sel $0x180000  }
0x97: {  	[bflag:$0x0] =	sbarrier.arrive $0xFFFF  }
0x98: {  	_ =	strace $0x9000004A  }
0x99: {  	s0 =	sadd.s32 @!p0 $0x100000, s0;
	[bflag:$0x2] =	sbarrier.arrive $0xFFFF  }
0x9a: {  	[sflag:s0] =	ssyncadd.tile.s32 @!p0 $0x1;
	_ =	shalt  }
.Lfunc_end2:
_tile_overlayer_lowered:
.L_overlay_start_2:
0x9b: {  	(tag) =	ssettag $0x2  }
0x9c: {  	s0 =	rddreg [dreg:$0x0];
	s2 =	stileid.u32  }
0x9d: {  	s1 =	rddreg [dreg:$0x1];
	p0 =	sne.s32 s2, $0x0  }
0x9e: {  	s3 =	rddreg [dreg:$0x2];
	[bflag:$0x3] =	sbarrier.arrive $0xFFFF;
	s2 =	simm.s32 @!p0 $0x1C05  }
0x9f: {  	[timem:s3], [sflag:s2] =	dma.local @!p0 [hbm:s0], s1  }
0xa0: {  	s0 =	simm.s32 @!p0 $0x5  }
0xa1: {  	_ =	swait.ge @!p0 [sflag:s0], s1  }
0xa2: {  	s1 =	ssub.s32 @!p0 $0x0, s1;
	[sflag:s0] =	ssyncset.done @!p0 $0x0  }
0xa3: {  	[sflag:s0] =	ssyncadd.s32 @!p0 s1  }
0xa4: {  	[bflag:$0x3] =	sbarrier.arrive $0xFFFF  }
0xa5: {  	_ =	shalt  }

// kernel: kernel.17.cloned.1.call-start
scs
__scs_entry_jumppad:
0x0: {  	(pc) =	sbr.rel $0x88, $3  }
0x1: {  	(tag) =	ssettag $0x0;
	lr =	simm.s32 $0x1  }
0x2: {  	[smem:$0x3F9D] =	sst lr;
	_ =	strace $0xD0000000  }
0x3: {  	_ = 	snop  }
0x4: {  	_ = 	snop  }
0x5: {  	_ = 	snop  }
0x6: {  	_ = 	snop  }
0x7: {  	_ = 	snop  }
__scs_overlays_trampoline_lowered:
0x8: {  	[smem:$0x3FAC] =	sst s0  }
0x9: {  	[smem:$0x3FAD] =	sst s1  }
0xa: {  	[smem:$0x3FAE] =	sst s2  }
0xb: {  	[smem:$0x3FAF] =	sst s3  }
0xc: {  	[smem:$0x3FB0] =	sst s4  }
0xd: {  	[smem:$0x3FB1] =	sst s5  }
0xe: {  	[smem:$0x3FB2] =	sst s6  }
0xf: {  	[smem:$0x3FB3] =	sst s7  }
0x10: {  	[smem:$0x3FB4] =	sst s8  }
0x11: {  	[smem:$0x3FB5] =	sst s9;
	s0 =	simm.s32 @!p0 $0x0  }
0x12: {  	s1 =	sld [smem:$0x3F9B];
	s0 =	simm.s32 @p0 $0x1  }
0x13: {  	[smem:$0x3FB6] =	sst s0;
	s0 =	simm.s32 @!p1 $0x0  }
0x14: {  	s2 =	sld [smem:$0x3F9A];
	s0 =	simm.s32 @p1 $0x1  }
0x15: {  	[smem:$0x3FB7] =	sst s0;
	s0 =	simm.s32 @!p2 $0x0  }
0x16: {  	s3 =	sld [smem:$0x3FDB];
	s0 =	simm.s32 @p2 $0x1  }
0x17: {  	s4 =	simm.s32 $0x1BF5;
	[smem:$0x3FB9] =	sst s0  }
0x18: {  	s0 =	sld [smem:$0x3F9C];
	_ =	swait.ge [sflag:s4], $0x0  }
0x19: {  	s7 =	sld [smem:$0x3F9D]  }
0x1a: {  	s8 =	sadd.s32 $0xFFFFE003, lr  }
0x1b: {  	s9 =	sadd.s32 $0xFFFFFEF7, lr;
	s5 =	simm.s32 $0xFFFFFFFF;
	p2 =	slt.u32 s8, $0xFFFFF086  }
0x1c: {  	p1 =	slt.u32 s9, $0xF7A;
	s5 =	simm.s32 @!p2 $0x0  }
0x1d: {  	s5 =	simm.s32 @p1 $0x1;
	p0 =	seq.s32 s7, s2  }
0x1e: {  	s7 =	smul.u32 @!p0 $0xF7A, s2;
	p2 =	seq.s32 @!p0 s5, $0x0  }
0x1f: {  	s9 =	smul.u32 $0xF7A, s1;
	s8 =	simm.s32 @!p0 $0x1BF5;
	p2 =	por !p2, p0  }
0x20: {  	[sflag:s8] =	ssyncset.s32 @!p0 $0xFFFFF086;
	s6 =	sadd.s32 @!p0 s3, s7;
	s7 =	simm.s32 @!p0 $0x108  }
0x21: {  	s3 =	sadd.s32 s3, s9;
	s6 =	sadd.s32 @!p0 $0x88, s6;
	s7 =	simm.s32 @p2 $0x1082  }
0x22: {  	[simem:s7], [sflag:s8] =	dma.local @!p0 [hbm:s6], $0xF7A  }
0x23: {  	s9 =	sor.u32 $0xD0000000, s2;
	s6 =	simm.s32 $0x108;
	_ =	swait.ge @!p0 [sflag:s8], $0x0  }
0x24: {  	s3 =	sadd.s32 $0x88, s3;
	s6 =	simm.s32 @!p1 $0x1082;
	[sflag:s4] =	ssyncset.s32 $0xFFFFF086  }
0x25: {  	[simem:s6], [sflag:s4] =	dma.local [hbm:s3], $0xF7A  }
0x26: {  	[smem:$0x3F9D] =	sst s1;
	(tag) =	ssettag s2;
	_ =	strace s9  }
0x27: {  	s1 =	sld [smem:$0x3FAD]  }
0x28: {  	s2 =	sld [smem:$0x3FAE]  }
0x29: {  	s4 =	sld [smem:$0x3FB0]  }
0x2a: {  	p0 =	seq.s32 s5, $0x0;
	s5 =	sld [smem:$0x3FB1]  }
0x2b: {  	s6 =	sld [smem:$0x3FB2]  }
0x2c: {  	s7 =	sld [smem:$0x3FB3]  }
0x2d: {  	s3 =	simm.s32 $0x108;
	s8 =	sld [smem:$0x3FB4]  }
0x2e: {  	s3 =	simm.s32 @!p0 $0x1082;
	s9 =	sld [smem:$0x3FB5]  }
0x2f: {  	lr =	sadd.s32 s0, s3;
	s0 =	sld [smem:$0x3FAC]  }
0x30: {  	s3 =	sld [smem:$0x3FAF]  }
0x31: {  	[smem:$0x3FB8] =	sst s10  }
0x32: {  	s10 =	sld [smem:$0x3FB6];
	_ =	sdelay $0x3  }
0x33: {  	p0 =	seq.s32 s10, $0x1;
	s10 =	sld [smem:$0x3FB8];
	_ =	sdelay $0x3  }
0x34: {  	[smem:$0x3FB8] =	sst s10  }
0x35: {  	s10 =	sld [smem:$0x3FB7];
	_ =	sdelay $0x3  }
0x36: {  	p1 =	seq.s32 s10, $0x1;
	s10 =	sld [smem:$0x3FB8];
	_ =	sdelay $0x3  }
0x37: {  	[smem:$0x3FB8] =	sst s10  }
0x38: {  	s10 =	sld [smem:$0x3FB9]  }
0x39: {  	_ = 	snop;
	(pc) =	sbr.ind lr, $3  }
0x3a: {  	_ = 	snop  }
0x3b: {  	_ = 	snop  }
0x3c: {  	p2 =	seq.s32 s10, $0x1;
	s10 =	sld [smem:$0x3FB8]  }
0x3d: {  	_ =	shalt  }
0x3e: {  	_ =	shalt  }
0x3f: {  	_ =	shalt  }
0x40: {  	_ =	shalt  }
0x41: {  	_ =	shalt  }
0x42: {  	_ =	shalt  }
0x43: {  	_ =	shalt  }
0x44: {  	_ =	shalt  }
0x45: {  	_ =	shalt  }
0x46: {  	_ =	shalt  }
0x47: {  	_ =	shalt  }
0x48: {  	_ =	shalt  }
0x49: {  	_ =	shalt  }
0x4a: {  	_ =	shalt  }
0x4b: {  	_ =	shalt  }
0x4c: {  	_ =	shalt  }
0x4d: {  	_ =	shalt  }
0x4e: {  	_ =	shalt  }
0x4f: {  	_ =	shalt  }
0x50: {  	_ =	shalt  }
0x51: {  	_ =	shalt  }
0x52: {  	_ =	shalt  }
0x53: {  	_ =	shalt  }
0x54: {  	_ =	shalt  }
0x55: {  	_ =	shalt  }
0x56: {  	_ =	shalt  }
0x57: {  	_ =	shalt  }
0x58: {  	_ =	shalt  }
0x59: {  	_ =	shalt  }
0x5a: {  	_ =	shalt  }
0x5b: {  	_ =	shalt  }
0x5c: {  	_ =	shalt  }
0x5d: {  	_ =	shalt  }
0x5e: {  	_ =	shalt  }
0x5f: {  	_ =	shalt  }
0x60: {  	_ =	shalt  }
0x61: {  	_ =	shalt  }
0x62: {  	_ =	shalt  }
0x63: {  	_ =	shalt  }
0x64: {  	_ =	shalt  }
0x65: {  	_ =	shalt  }
0x66: {  	_ =	shalt  }
0x67: {  	_ =	shalt  }
0x68: {  	_ =	shalt  }
0x69: {  	_ =	shalt  }
0x6a: {  	_ =	shalt  }
0x6b: {  	_ =	shalt  }
0x6c: {  	_ =	shalt  }
0x6d: {  	_ =	shalt  }
0x6e: {  	_ =	shalt  }
0x6f: {  	_ =	shalt  }
0x70: {  	_ =	shalt  }
0x71: {  	_ =	shalt  }
0x72: {  	_ =	shalt  }
0x73: {  	_ =	shalt  }
0x74: {  	_ =	shalt  }
0x75: {  	_ =	shalt  }
0x76: {  	_ =	shalt  }
0x77: {  	_ =	shalt  }
0x78: {  	_ =	shalt  }
0x79: {  	_ =	shalt  }
0x7a: {  	_ =	shalt  }
0x7b: {  	_ =	shalt  }
0x7c: {  	_ =	shalt  }
0x7d: {  	_ =	shalt  }
0x7e: {  	_ =	shalt  }
0x7f: {  	_ =	shalt  }
0x80: {  	_ =	shalt  }
0x81: {  	_ =	shalt  }
0x82: {  	_ =	shalt  }
0x83: {  	_ =	shalt  }
0x84: {  	_ =	shalt  }
0x85: {  	_ =	shalt  }
0x86: {  	_ =	shalt  }
0x87: {  	_ =	shalt  }
.Lfunc_end0:
.L_simem_size_0:
called_computation.2_lowered:
.L_overlay_start_0:
0x88: {  	s2 =	sld [smem:$0x3FD9]  }
0x89: {  	s3 =	sld [smem:$0x3FFE];
	_ =	sdelay $0x1  }
0x8a: {  	s1 =	srdreg.scid  }
0x8b: {  	s0 =	sand.u32 $0x1, s1  }
0x8c: {  	s17 =	sshll.u32 s0, $0xA;
	s2 =	sadd.s32 s3, s2  }
0x8d: {  	s2 =	sadd.s32 s2, s17  }
0x8e: {  	[smem:$0x3FC4] =	sst s2  }
0x8f: {  	_ = 	snop  }
0x90: {  	(tm) =	ssettm $0x1  }
0x91: {  	s18 =	sld [smem:$0x3FFB];
	_ =	sdelay $0x3  }
0x92: {  	_ =	strace s18  }
0x93: {  	s2 =	sld [smem:$0x3FFC];
	_ =	sdelay $0x3  }
0x94: {  	_ =	strace s2  }
0x95: {  	s2 =	sld [smem:$0x3FFD];
	_ =	sdelay $0x3  }
0x96: {  	_ =	strace s2  }
0x97: {  	_ =	strace $0x8FFFFFFF  }
0x98: {  	s19 =	sld [smem:$0x3FDB];
	_ =	sdelay $0x1  }
0x99: {  	s20 =	simm.s32 $_scs_section_size  }
0x9a: {  	s4 =	simm.s32 $_size__tile_overlayer_lowered;
	s5 =	simm.s32 $_tile_overlayer_lowered  }
0x9b: {  	s6 =	simm.s32 $0x1BFF;
	s21 =	sshll.u32 s5, $0x1;
	s3 =	sadd.s32 s20, s19  }
0x9c: {  	s22 =	simm.s32 $0x0;
	s4 =	sshll.u32 s4, $0x1;
	s5 =	sadd.s32 s21, s3  }
0x9d: {  	[timem:s22], [sflag:s6] =	dma.local [hbm:s5], s4  }
0x9e: {  	_ =	swait.ge [sflag:s6], s4  }
0x9f: {  	s4 =	ssub.s32 $0x0, s4;
	[sflag:s6] =	ssyncset.done $0x0  }
0xa0: {  	[sflag:s6] =	ssyncadd.s32 s4;
	_ =	sdelay $0x1  }
0xa1: {  	s23 =	simm.s32 $0x1B8B  }
0xa2: {  	_ =	swait.ge [sflag:s23], $0x1  }
0xa3: {  	[sflag:s23] =	ssyncset.done $0x0  }
0xa4: {  	[sflag:s23] =	ssyncadd.s32 $0xFFFFFFFF  }
0xa5: {  	s4 =	sld [smem:$0x0]  }
0xa6: {  	s5 =	sand.u32 $0xFFFFFFFE, s1  }
0xa7: {  	p0 =	sne.s32 s1, s5  }
0xa8: {  	s5 =	sshll.u32 @p0 s5, $0xE  }
0xa9: {  	s5 =	sadd.s32 @p0 $0x11B8D, s5;
	s6 =	sshll.u32 @p0 s4, $0x11  }
0xaa: {  	s5 =	sor.u32 @p0 s6, s5  }
0xab: {  	[sflag:s5] =	ssyncadd.remote.s32 @p0 $0x1;
	_ =	sdelay $0x1  }
0xac: {  	s5 =	simm.s32 @p0 $0x1B8D  }
0xad: {  	_ =	swait.eq @p0 [sflag:s5], $0x1  }
0xae: {  	[sflag:s5] =	ssyncadd.s32 @p0 $0xFFFFFFFF  }
0xaf: {  	s6 =	sshll.u32 @!p0 s1, $0xE  }
0xb0: {  	s6 =	sor.u32 @!p0 $0x4000, s6;
	s5 =	simm.s32 @!p0 $0x1B8D  }
0xb1: {  	s4 =	sshll.u32 @!p0 s4, $0x11;
	s6 =	sadd.s32 @!p0 $0x11B8D, s6;
	_ =	swait.eq @!p0 [sflag:s5], $0x1  }
0xb2: {  	s4 =	sor.u32 @!p0 s4, s6;
	[sflag:s5] =	ssyncadd.s32 @!p0 $0xFFFFFFFF  }
0xb3: {  	s25 =	simm.s32 $0x1B8E;
	s24 =	sld [smem:$0x3FFE];
	[sflag:s4] =	ssyncadd.remote.s32 @!p0 $0x1  }
0xb4: {  	s26 =	simm.s32 $execute0_lowered;
	[smem:$0x3FD2] =	sst s25  }
0xb5: {  	s5 =	sshll.u32 s26, $0x1;
	_ =	strace $0x8000004C;
	[dreg:$0x1] =	wrdreg $0xFFFFFFFF  }
0xb6: {  	s28 =	simm.s32 $_size_execute0_lowered;
	s3 =	sadd.s32 s3, s5;
	[dreg:$0x0] =	wrdreg $0x0  }
0xb7: {  	s5 =	sshll.u32 s28, $0x1;
	[dreg:$0x2] =	wrdreg s3  }
0xb8: {  	[dreg:$0x3] =	wrdreg s5  }
0xb9: {  	[dreg:$0x4] =	wrdreg $0xC0  }
0xba: {  	_ =	task [dreg:s22], $0x5FFFF  }
0xbb: {  	[dreg:$0x1] =	wrdreg $0xFFFFFFFF  }
0xbc: {  	[dreg:$0x0] =	wrdreg $0x60  }
0xbd: {  	[dreg:$0x2] =	wrdreg s24  }
0xbe: {  	[dreg:$0x3] =	wrdreg $0x2000  }
0xbf: {  	[dreg:$0x4] =	wrdreg $0xB  }
0xc0: {  	_ =	task.clear_ibuf [dreg:s22], $0x5FFFF;
	_ =	strace $0x9000004C  }
0xc1: {  	s29 =	simm.s32 $0xB;
	_ =	strace $0x8000004E  }
0xc2: {  	_ =	swait.ge [sflag:s29], $0x1  }
0xc3: {  	[sflag:s29] =	ssyncadd.s32 $0xFFFFFFFF  }
0xc4: {  	_ =	strace $0x9000004E  }
0xc5: {  	_ =	sfence  }
0xc6: {  	s30 =	sld [smem:$0x0];
	_ =	sdelay $0x2  }
0xc7: {  	s31 =	sshll.u32 s1, $0xD;
	s1 =	sshrl.u32 s1, $0x2  }
0xc8: {  	s4 =	sand.u32 $0x4000, s31;
	s1 =	sadd.s32 s1, s30  }
0xc9: {  	s0 =	sor.u32 s4, s0;
	s1 =	sshll.u32 s1, $0x11  }
0xca: {  	s0 =	sor.u32 s1, s0  }
0xcb: {  	s0 =	sadd.s32 $0x8F2B, s0  }
0xcc: {  	[sflag:s0] =	ssyncadd.remote.s32 $0x1  }
0xcd: {  	_ =	sfence.sel $0xFFFF  }
0xce: {  	[dreg:$0x0] =	wrdreg $0xFFFFFFFF;
	(pc) =	sbr.abs _section_cstart, $3  }
0xcf: {  	[dreg:$0x1] =	wrdreg $0xFFFFFFFF  }
0xd0: {  	_ =	task.clear_ibuf [dreg:s22], $0x2FFFF;
	_ =	strace $0x9FFFFFFF  }
0xd1: {  	(tm) =	ssettm $0x7FFFFFFF  }
tec
execute0_lowered:
.L_overlay_start_1:
0x0: {  	(tag) =	ssettag $0x1  }
0x1: {  	s2 =	rddreg [dreg:$0x0]  }
0x2: {  	s4 =	rddreg [dreg:$0x1]  }
0x3: {  	s0 =	rddreg [dreg:$0x2];
	s3 =	srdreg.scid;
	s1 =	simm.s32 $0x0  }
0x4: {  	s6 =	stileid.u32;
	s17 =	simm.s32 $0x80;
	s14 =	simm.s32 $0x4208  }
0x5: {  	s11 =	simm.s32 $0x8208;
	s18 =	simm.s32 $0x100;
	s3 =	sand.u32 $0x1, s3  }
0x6: {  	s8 =	simm.s32 $0xC208;
	s7 =	sshll.u32 s3, $0x9;
	s3 =	ssub.s32 $0x2, s3  }
0x7: {  	s19 =	simm.s32 $0x180;
	s20 =	simm.s32 $0x1;
	s31 =	sshrl.u32 s3, $0x1  }
0x8: {  	s16 =	simm.s32 $0x2;
	s13 =	simm.s32 $0x3;
	s3 =	ssub.s32 s3, s31  }
0x9: {  	p1 =	por $0x0, $0x0;
	[smem:$0x7FF] =	sst s1;
	s10 =	smax.u32 s3, $0x1  }
0xa: {  	s5 =	sshll.u32 s6, $0xA;
	s12 =	sadd.s32 $0x93E00, s2;
	s24 =	sadd.s32 $0xFFFFFFFF, s10  }
0xb: {  	p0 =	sne.s32 s6, $0x0;
	s6 =	simm.s32 $0x10208;
	p2 =	sne.s32 s24, $0x0  }
.Ltmp0:
0xc: {  	_ =	strace $0x8000004D;
	s5 =	sor.u32 s7, s5;
	(pc) =	sbr.rel @!p2 .LBB2_3-.Ltmp0, $4  }
0xd: {  	s21 =	sshrl.u32 @!p0 s4, $0x3;
	s7 =	sshrl.u32 s5, $0x3;
	s5 =	sshll.u32 s5, $0x4  }
0xe: {  	s7 =	sadd.s32 s7, s2;
	s2 =	sadd.s32 s5, s2;
	s3 =	simm.s32 $0x5  }
0xf: {  	s15 =	sadd.s32 $0x93600, s7;
	s9 =	sadd.s32 $0x9C000, s2;
	s7 =	sadd.s32 $0x9C800, s2  }
0x10: {  	s5 =	sadd.s32 $0x9D000, s2;
	s2 =	sadd.s32 $0x9D800, s2;
	s10 =	simm.s32 $0x4  }
0x11: {  	s22 =	simm.s32 @!p0 $0x1C05;
	s23 =	simm.s32 @!p0 $0x5  }
0x12: {  	[spmem:s21], [sflag:s22] =	dma.local @!p0 [hbm:s12], $0x8010  }
0x13: {  	_ =	swait.ge @!p0 [sflag:s23], $0x8010  }
0x14: {  	[sflag:s23] =	ssyncset.done @!p0 $0x0  }
0x15: {  	[sflag:s23] =	ssyncadd.s32 @!p0 $0xFFFF7FF0  }
0x16: {  	[bflag:$0x0] =	sbarrier.arrive $0xFFFF  }
0x17: {  	[tilespmem:s1], [sflag:$0x5] =	stream.linear.gather [hbm4b:s15+s1], $0x200, $0x38;
	[tilespmem:$0x14208] =	vst v63  }
0x18: {  	_ =	swait.ge [sflag:s3], $0x200  }
0x19: {  	[sflag:s3] =	ssyncset.done $0x0  }
0x1a: {  	[sflag:s3] =	ssyncadd.s32 $0xFFFFFE00  }
0x1b: {  	[tilespmem:s14], [sflag:$0x1] =	stream.indirect.gather [spmem:s4], $0x80, s1, s17, $0xb8;
	[tilespmem:$0x14208] =	vst v63  }
0x1c: {  	_ = 	snop  }
0x1d: {  	[tilespmem:s11], [sflag:$0x2] =	stream.indirect.gather [spmem:s4], $0x80, s17, s17, $0xb8;
	[tilespmem:$0x14208] =	vst v63  }
0x1e: {  	_ = 	snop  }
0x1f: {  	[tilespmem:s8], [sflag:$0x3] =	stream.indirect.gather [spmem:s4], $0x80, s18, s17, $0xb8;
	[tilespmem:$0x14208] =	vst v63  }
0x20: {  	_ = 	snop  }
0x21: {  	[tilespmem:s6], [sflag:$0x4] =	stream.indirect.gather [spmem:s4], $0x80, s19, s17, $0xb8;
	[tilespmem:$0x14208] =	vst v63  }
0x22: {  	_ =	swait.ge [sflag:s20], $0x4000  }
0x23: {  	[sflag:s20] =	ssyncset.done $0x0  }
0x24: {  	[sflag:s20] =	ssyncadd.s32 $0xFFFFC000  }
0x25: {  	[hbm4b:s9+s1] =	stream.linear.scatter [tilespmem:s14], [sflag:$0x5], $0x4000, $0x38;
	[tilespmem:$0x14208] =	vst v63  }
0x26: {  	_ =	swait.ge [sflag:s3], $0x4000  }
0x27: {  	[sflag:s3] =	ssyncset.done $0x0  }
0x28: {  	[sflag:s3] =	ssyncadd.s32 $0xFFFFC000  }
0x29: {  	_ =	swait.ge [sflag:s16], $0x4000  }
0x2a: {  	[sflag:s16] =	ssyncset.done $0x0  }
0x2b: {  	[sflag:s16] =	ssyncadd.s32 $0xFFFFC000  }
0x2c: {  	[hbm4b:s7+s1] =	stream.linear.scatter [tilespmem:s11], [sflag:$0x5], $0x4000, $0x38;
	[tilespmem:$0x14208] =	vst v63  }
0x2d: {  	_ =	swait.ge [sflag:s3], $0x4000  }
0x2e: {  	[sflag:s3] =	ssyncset.done $0x0  }
0x2f: {  	[sflag:s3] =	ssyncadd.s32 $0xFFFFC000  }
0x30: {  	_ =	swait.ge [sflag:s13], $0x4000  }
0x31: {  	[sflag:s13] =	ssyncset.done $0x0  }
0x32: {  	[sflag:s13] =	ssyncadd.s32 $0xFFFFC000  }
0x33: {  	[hbm4b:s5+s1] =	stream.linear.scatter [tilespmem:s8], [sflag:$0x5], $0x4000, $0x38;
	[tilespmem:$0x14208] =	vst v63  }
0x34: {  	_ =	swait.ge [sflag:s3], $0x4000  }
0x35: {  	[sflag:s3] =	ssyncset.done $0x0  }
0x36: {  	s24 =	sadd.s32 $0xFFFFFFFF, s24;
	[sflag:s3] =	ssyncadd.s32 $0xFFFFC000  }
0x37: {  	p2 =	sne.s32 s24, $0x0;
	_ =	swait.ge [sflag:s10], $0x4000  }
.Ltmp1:
0x38: {  	[sflag:s10] =	ssyncset.done $0x0;
	(pc) =	sbr.rel @!p2 .LBB2_3-.Ltmp1, $4  }
0x39: {  	[sflag:s10] =	ssyncadd.s32 $0xFFFFC000  }
0x3a: {  	[hbm4b:s2+s1] =	stream.linear.scatter [tilespmem:s6], [sflag:$0x5], $0x4000, $0x38;
	[tilespmem:$0x14208] =	vst v63  }
0x3b: {  	_ =	swait.ge [sflag:s3], $0x4000  }
0x3c: {  	p1 =	por $0x1, $0x1;
	[sflag:s3] =	ssyncset.done $0x0  }
.LBB2_2:
0x3d: {  	[sflag:s3] =	ssyncadd.s32 $0xFFFFC000  }
0x3e: {  	[spmem:s21], [sflag:s22] =	dma.local @!p0 [hbm:s12], $0x8010  }
0x3f: {  	s24 =	sadd.s32 $0xFFFFFFFF, s24;
	_ =	swait.ge @!p0 [sflag:s23], $0x8010  }
0x40: {  	p2 =	sne.s32 s24, $0x0;
	[sflag:s23] =	ssyncset.done @!p0 $0x0  }
0x41: {  	[sflag:s23] =	ssyncadd.s32 @!p0 $0xFFFF7FF0  }
0x42: {  	[bflag:$0x0] =	sbarrier.arrive $0xFFFF  }
0x43: {  	[tilespmem:s1], [sflag:$0x5] =	stream.linear.gather [hbm4b:s15+s1], $0x200, $0x38;
	[tilespmem:$0x14208] =	vst v63  }
0x44: {  	_ =	swait.ge [sflag:s3], $0x200  }
0x45: {  	[sflag:s3] =	ssyncset.done $0x0  }
0x46: {  	[sflag:s3] =	ssyncadd.s32 $0xFFFFFE00  }
0x47: {  	[tilespmem:s14], [sflag:$0x1] =	stream.indirect.gather [spmem:s4], $0x80, s1, s17, $0xb8;
	[tilespmem:$0x14208] =	vst v63  }
0x48: {  	_ = 	snop  }
0x49: {  	[tilespmem:s11], [sflag:$0x2] =	stream.indirect.gather [spmem:s4], $0x80, s17, s17, $0xb8;
	[tilespmem:$0x14208] =	vst v63  }
0x4a: {  	_ = 	snop  }
0x4b: {  	[tilespmem:s8], [sflag:$0x3] =	stream.indirect.gather [spmem:s4], $0x80, s18, s17, $0xb8;
	[tilespmem:$0x14208] =	vst v63  }
0x4c: {  	_ = 	snop  }
0x4d: {  	[tilespmem:s6], [sflag:$0x4] =	stream.indirect.gather [spmem:s4], $0x80, s19, s17, $0xb8;
	[tilespmem:$0x14208] =	vst v63  }
0x4e: {  	_ =	swait.ge [sflag:s20], $0x4000  }
0x4f: {  	[sflag:s20] =	ssyncset.done $0x0  }
0x50: {  	[sflag:s20] =	ssyncadd.s32 $0xFFFFC000  }
0x51: {  	[hbm4b:s9+s1] =	stream.linear.scatter [tilespmem:s14], [sflag:$0x5], $0x4000, $0x38;
	[tilespmem:$0x14208] =	vst v63  }
0x52: {  	_ =	swait.ge [sflag:s3], $0x4000  }
0x53: {  	[sflag:s3] =	ssyncset.done $0x0  }
0x54: {  	[sflag:s3] =	ssyncadd.s32 $0xFFFFC000  }
0x55: {  	_ =	swait.ge [sflag:s16], $0x4000  }
0x56: {  	[sflag:s16] =	ssyncset.done $0x0  }
0x57: {  	[sflag:s16] =	ssyncadd.s32 $0xFFFFC000  }
0x58: {  	[hbm4b:s7+s1] =	stream.linear.scatter [tilespmem:s11], [sflag:$0x5], $0x4000, $0x38;
	[tilespmem:$0x14208] =	vst v63  }
0x59: {  	_ =	swait.ge [sflag:s3], $0x4000  }
0x5a: {  	[sflag:s3] =	ssyncset.done $0x0  }
0x5b: {  	[sflag:s3] =	ssyncadd.s32 $0xFFFFC000  }
0x5c: {  	_ =	swait.ge [sflag:s13], $0x4000  }
0x5d: {  	[sflag:s13] =	ssyncset.done $0x0  }
0x5e: {  	[sflag:s13] =	ssyncadd.s32 $0xFFFFC000  }
0x5f: {  	[hbm4b:s5+s1] =	stream.linear.scatter [tilespmem:s8], [sflag:$0x5], $0x4000, $0x38;
	[tilespmem:$0x14208] =	vst v63  }
0x60: {  	_ =	swait.ge [sflag:s3], $0x4000  }
0x61: {  	[sflag:s3] =	ssyncset.done $0x0  }
0x62: {  	[sflag:s3] =	ssyncadd.s32 $0xFFFFC000  }
0x63: {  	_ =	swait.ge [sflag:s10], $0x4000  }
.Ltmp2:
0x64: {  	[sflag:s10] =	ssyncset.done $0x0;
	(pc) =	sbr.rel @p2 .LBB2_2-.Ltmp2, $4  }
0x65: {  	[sflag:s10] =	ssyncadd.s32 $0xFFFFC000  }
0x66: {  	[hbm4b:s2+s1] =	stream.linear.scatter [tilespmem:s6], [sflag:$0x5], $0x4000, $0x38;
	[tilespmem:$0x14208] =	vst v63  }
0x67: {  	_ =	swait.ge [sflag:s3], $0x4000  }
0x68: {  	[sflag:s3] =	ssyncset.done $0x0  }
.LBB2_3:
0x69: {  	s22 =	simm.s32 @!p0 $0x1C05;
	s23 =	simm.s32 @!p0 $0x5;
	[sflag:s3] =	ssyncadd.s32 @p1 $0xFFFFC000  }
0x6a: {  	[spmem:s21], [sflag:s22] =	dma.local @!p0 [hbm:s12], $0x8010  }
0x6b: {  	_ =	swait.ge @!p0 [sflag:s23], $0x8010  }
0x6c: {  	[sflag:s23] =	ssyncset.done @!p0 $0x0  }
0x6d: {  	[sflag:s23] =	ssyncadd.s32 @!p0 $0xFFFF7FF0  }
0x6e: {  	[bflag:$0x0] =	sbarrier.arrive $0xFFFF  }
0x6f: {  	[tilespmem:s1], [sflag:$0x5] =	stream.linear.gather [hbm4b:s15+s1], $0x200, $0x38;
	[tilespmem:$0x14208] =	vst v63  }
0x70: {  	_ =	swait.ge [sflag:s3], $0x200  }
0x71: {  	[sflag:s3] =	ssyncset.done $0x0  }
0x72: {  	[sflag:s3] =	ssyncadd.s32 $0xFFFFFE00  }
0x73: {  	[tilespmem:s14], [sflag:$0x1] =	stream.indirect.gather [spmem:s4], $0x80, s1, s17, $0xb8;
	[tilespmem:$0x14208] =	vst v63  }
0x74: {  	_ = 	snop  }
0x75: {  	[tilespmem:s11], [sflag:$0x2] =	stream.indirect.gather [spmem:s4], $0x80, s17, s17, $0xb8;
	[tilespmem:$0x14208] =	vst v63  }
0x76: {  	_ = 	snop  }
0x77: {  	[tilespmem:s8], [sflag:$0x3] =	stream.indirect.gather [spmem:s4], $0x80, s18, s17, $0xb8;
	[tilespmem:$0x14208] =	vst v63  }
0x78: {  	_ = 	snop  }
0x79: {  	[tilespmem:s6], [sflag:$0x4] =	stream.indirect.gather [spmem:s4], $0x80, s19, s17, $0xb8;
	[tilespmem:$0x14208] =	vst v63  }
0x7a: {  	_ =	swait.ge [sflag:s20], $0x4000  }
0x7b: {  	[sflag:s20] =	ssyncset.done $0x0  }
0x7c: {  	[sflag:s20] =	ssyncadd.s32 $0xFFFFC000  }
0x7d: {  	[hbm4b:s9+s1] =	stream.linear.scatter [tilespmem:s14], [sflag:$0x5], $0x4000, $0x38;
	[tilespmem:$0x14208] =	vst v63  }
0x7e: {  	_ =	swait.ge [sflag:s3], $0x4000  }
0x7f: {  	[sflag:s3] =	ssyncset.done $0x0  }
0x80: {  	[sflag:s3] =	ssyncadd.s32 $0xFFFFC000  }
0x81: {  	_ =	swait.ge [sflag:s16], $0x4000  }
0x82: {  	[sflag:s16] =	ssyncset.done $0x0  }
0x83: {  	[sflag:s16] =	ssyncadd.s32 $0xFFFFC000  }
0x84: {  	[hbm4b:s7+s1] =	stream.linear.scatter [tilespmem:s11], [sflag:$0x5], $0x4000, $0x38;
	[tilespmem:$0x14208] =	vst v63  }
0x85: {  	_ =	swait.ge [sflag:s3], $0x4000  }
0x86: {  	[sflag:s3] =	ssyncset.done $0x0  }
0x87: {  	[sflag:s3] =	ssyncadd.s32 $0xFFFFC000  }
0x88: {  	_ =	swait.ge [sflag:s13], $0x4000  }
0x89: {  	[sflag:s13] =	ssyncset.done $0x0  }
0x8a: {  	[sflag:s13] =	ssyncadd.s32 $0xFFFFC000  }
0x8b: {  	[hbm4b:s5+s1] =	stream.linear.scatter [tilespmem:s8], [sflag:$0x5], $0x4000, $0x38;
	[tilespmem:$0x14208] =	vst v63  }
0x8c: {  	_ =	swait.ge [sflag:s3], $0x4000  }
0x8d: {  	[sflag:s3] =	ssyncset.done $0x0  }
0x8e: {  	[sflag:s3] =	ssyncadd.s32 $0xFFFFC000  }
0x8f: {  	_ =	swait.ge [sflag:s10], $0x4000  }
0x90: {  	[sflag:s10] =	ssyncset.done $0x0  }
0x91: {  	[sflag:s10] =	ssyncadd.s32 $0xFFFFC000  }
0x92: {  	[hbm4b:s2+s1] =	stream.linear.scatter [tilespmem:s6], [sflag:$0x5], $0x4000, $0x38;
	[tilespmem:$0x14208] =	vst v63  }
0x93: {  	_ =	swait.ge [sflag:s3], $0x4000  }
0x94: {  	[sflag:s3] =	ssyncset.done $0x0  }
0x95: {  	[sflag:s3] =	ssyncadd.s32 $0xFFFFC000  }
0x96: {  	_ =	sfence.sel $0x180000  }
0x97: {  	[bflag:$0x0] =	sbarrier.arrive $0xFFFF  }
0x98: {  	_ =	strace $0x9000004D  }
0x99: {  	s0 =	sadd.s32 @!p0 $0x100000, s0;
	[bflag:$0x2] =	sbarrier.arrive $0xFFFF  }
0x9a: {  	[sflag:s0] =	ssyncadd.tile.s32 @!p0 $0x1;
	_ =	shalt  }
.Lfunc_end2:
_tile_overlayer_lowered:
.L_overlay_start_2:
0x9b: {  	(tag) =	ssettag $0x2  }
0x9c: {  	s0 =	rddreg [dreg:$0x0];
	s2 =	stileid.u32  }
0x9d: {  	s1 =	rddreg [dreg:$0x1];
	p0 =	sne.s32 s2, $0x0  }
0x9e: {  	s3 =	rddreg [dreg:$0x2];
	[bflag:$0x3] =	sbarrier.arrive $0xFFFF;
	s2 =	simm.s32 @!p0 $0x1C05  }
0x9f: {  	[timem:s3], [sflag:s2] =	dma.local @!p0 [hbm:s0], s1  }
0xa0: {  	s0 =	simm.s32 @!p0 $0x5  }
0xa1: {  	_ =	swait.ge @!p0 [sflag:s0], s1  }
0xa2: {  	s1 =	ssub.s32 @!p0 $0x0, s1;
	[sflag:s0] =	ssyncset.done @!p0 $0x0  }
0xa3: {  	[sflag:s0] =	ssyncadd.s32 @!p0 s1  }
0xa4: {  	[bflag:$0x3] =	sbarrier.arrive $0xFFFF  }
0xa5: {  	_ =	shalt  }

// kernel: kernel.20.cloned.1.call-start
scs
__scs_entry_jumppad:
0x0: {  	(pc) =	sbr.rel $0x88, $3  }
0x1: {  	(tag) =	ssettag $0x0;
	lr =	simm.s32 $0x1  }
0x2: {  	[smem:$0x3F9D] =	sst lr;
	_ =	strace $0xD0000000  }
0x3: {  	_ = 	snop  }
0x4: {  	_ = 	snop  }
0x5: {  	_ = 	snop  }
0x6: {  	_ = 	snop  }
0x7: {  	_ = 	snop  }
__scs_overlays_trampoline_lowered:
0x8: {  	[smem:$0x3FAC] =	sst s0  }
0x9: {  	[smem:$0x3FAD] =	sst s1  }
0xa: {  	[smem:$0x3FAE] =	sst s2  }
0xb: {  	[smem:$0x3FAF] =	sst s3  }
0xc: {  	[smem:$0x3FB0] =	sst s4  }
0xd: {  	[smem:$0x3FB1] =	sst s5  }
0xe: {  	[smem:$0x3FB2] =	sst s6  }
0xf: {  	[smem:$0x3FB3] =	sst s7  }
0x10: {  	[smem:$0x3FB4] =	sst s8  }
0x11: {  	[smem:$0x3FB5] =	sst s9;
	s0 =	simm.s32 @!p0 $0x0  }
0x12: {  	s1 =	sld [smem:$0x3F9B];
	s0 =	simm.s32 @p0 $0x1  }
0x13: {  	[smem:$0x3FB6] =	sst s0;
	s0 =	simm.s32 @!p1 $0x0  }
0x14: {  	s2 =	sld [smem:$0x3F9A];
	s0 =	simm.s32 @p1 $0x1  }
0x15: {  	[smem:$0x3FB7] =	sst s0;
	s0 =	simm.s32 @!p2 $0x0  }
0x16: {  	s3 =	sld [smem:$0x3FDB];
	s0 =	simm.s32 @p2 $0x1  }
0x17: {  	s4 =	simm.s32 $0x1BF5;
	[smem:$0x3FB9] =	sst s0  }
0x18: {  	s0 =	sld [smem:$0x3F9C];
	_ =	swait.ge [sflag:s4], $0x0  }
0x19: {  	s7 =	sld [smem:$0x3F9D]  }
0x1a: {  	s8 =	sadd.s32 $0xFFFFE003, lr  }
0x1b: {  	s9 =	sadd.s32 $0xFFFFFEF7, lr;
	s5 =	simm.s32 $0xFFFFFFFF;
	p2 =	slt.u32 s8, $0xFFFFF086  }
0x1c: {  	p1 =	slt.u32 s9, $0xF7A;
	s5 =	simm.s32 @!p2 $0x0  }
0x1d: {  	s5 =	simm.s32 @p1 $0x1;
	p0 =	seq.s32 s7, s2  }
0x1e: {  	s7 =	smul.u32 @!p0 $0xF7A, s2;
	p2 =	seq.s32 @!p0 s5, $0x0  }
0x1f: {  	s9 =	smul.u32 $0xF7A, s1;
	s8 =	simm.s32 @!p0 $0x1BF5;
	p2 =	por !p2, p0  }
0x20: {  	[sflag:s8] =	ssyncset.s32 @!p0 $0xFFFFF086;
	s6 =	sadd.s32 @!p0 s3, s7;
	s7 =	simm.s32 @!p0 $0x108  }
0x21: {  	s3 =	sadd.s32 s3, s9;
	s6 =	sadd.s32 @!p0 $0x88, s6;
	s7 =	simm.s32 @p2 $0x1082  }
0x22: {  	[simem:s7], [sflag:s8] =	dma.local @!p0 [hbm:s6], $0xF7A  }
0x23: {  	s9 =	sor.u32 $0xD0000000, s2;
	s6 =	simm.s32 $0x108;
	_ =	swait.ge @!p0 [sflag:s8], $0x0  }
0x24: {  	s3 =	sadd.s32 $0x88, s3;
	s6 =	simm.s32 @!p1 $0x1082;
	[sflag:s4] =	ssyncset.s32 $0xFFFFF086  }
0x25: {  	[simem:s6], [sflag:s4] =	dma.local [hbm:s3], $0xF7A  }
0x26: {  	[smem:$0x3F9D] =	sst s1;
	(tag) =	ssettag s2;
	_ =	strace s9  }
0x27: {  	s1 =	sld [smem:$0x3FAD]  }
0x28: {  	s2 =	sld [smem:$0x3FAE]  }
0x29: {  	s4 =	sld [smem:$0x3FB0]  }
0x2a: {  	p0 =	seq.s32 s5, $0x0;
	s5 =	sld [smem:$0x3FB1]  }
0x2b: {  	s6 =	sld [smem:$0x3FB2]  }
0x2c: {  	s7 =	sld [smem:$0x3FB3]  }
0x2d: {  	s3 =	simm.s32 $0x108;
	s8 =	sld [smem:$0x3FB4]  }
0x2e: {  	s3 =	simm.s32 @!p0 $0x1082;
	s9 =	sld [smem:$0x3FB5]  }
0x2f: {  	lr =	sadd.s32 s0, s3;
	s0 =	sld [smem:$0x3FAC]  }
0x30: {  	s3 =	sld [smem:$0x3FAF]  }
0x31: {  	[smem:$0x3FB8] =	sst s10  }
0x32: {  	s10 =	sld [smem:$0x3FB6];
	_ =	sdelay $0x3  }
0x33: {  	p0 =	seq.s32 s10, $0x1;
	s10 =	sld [smem:$0x3FB8];
	_ =	sdelay $0x3  }
0x34: {  	[smem:$0x3FB8] =	sst s10  }
0x35: {  	s10 =	sld [smem:$0x3FB7];
	_ =	sdelay $0x3  }
0x36: {  	p1 =	seq.s32 s10, $0x1;
	s10 =	sld [smem:$0x3FB8];
	_ =	sdelay $0x3  }
0x37: {  	[smem:$0x3FB8] =	sst s10  }
0x38: {  	s10 =	sld [smem:$0x3FB9]  }
0x39: {  	_ = 	snop;
	(pc) =	sbr.ind lr, $3  }
0x3a: {  	_ = 	snop  }
0x3b: {  	_ = 	snop  }
0x3c: {  	p2 =	seq.s32 s10, $0x1;
	s10 =	sld [smem:$0x3FB8]  }
0x3d: {  	_ =	shalt  }
0x3e: {  	_ =	shalt  }
0x3f: {  	_ =	shalt  }
0x40: {  	_ =	shalt  }
0x41: {  	_ =	shalt  }
0x42: {  	_ =	shalt  }
0x43: {  	_ =	shalt  }
0x44: {  	_ =	shalt  }
0x45: {  	_ =	shalt  }
0x46: {  	_ =	shalt  }
0x47: {  	_ =	shalt  }
0x48: {  	_ =	shalt  }
0x49: {  	_ =	shalt  }
0x4a: {  	_ =	shalt  }
0x4b: {  	_ =	shalt  }
0x4c: {  	_ =	shalt  }
0x4d: {  	_ =	shalt  }
0x4e: {  	_ =	shalt  }
0x4f: {  	_ =	shalt  }
0x50: {  	_ =	shalt  }
0x51: {  	_ =	shalt  }
0x52: {  	_ =	shalt  }
0x53: {  	_ =	shalt  }
0x54: {  	_ =	shalt  }
0x55: {  	_ =	shalt  }
0x56: {  	_ =	shalt  }
0x57: {  	_ =	shalt  }
0x58: {  	_ =	shalt  }
0x59: {  	_ =	shalt  }
0x5a: {  	_ =	shalt  }
0x5b: {  	_ =	shalt  }
0x5c: {  	_ =	shalt  }
0x5d: {  	_ =	shalt  }
0x5e: {  	_ =	shalt  }
0x5f: {  	_ =	shalt  }
0x60: {  	_ =	shalt  }
0x61: {  	_ =	shalt  }
0x62: {  	_ =	shalt  }
0x63: {  	_ =	shalt  }
0x64: {  	_ =	shalt  }
0x65: {  	_ =	shalt  }
0x66: {  	_ =	shalt  }
0x67: {  	_ =	shalt  }
0x68: {  	_ =	shalt  }
0x69: {  	_ =	shalt  }
0x6a: {  	_ =	shalt  }
0x6b: {  	_ =	shalt  }
0x6c: {  	_ =	shalt  }
0x6d: {  	_ =	shalt  }
0x6e: {  	_ =	shalt  }
0x6f: {  	_ =	shalt  }
0x70: {  	_ =	shalt  }
0x71: {  	_ =	shalt  }
0x72: {  	_ =	shalt  }
0x73: {  	_ =	shalt  }
0x74: {  	_ =	shalt  }
0x75: {  	_ =	shalt  }
0x76: {  	_ =	shalt  }
0x77: {  	_ =	shalt  }
0x78: {  	_ =	shalt  }
0x79: {  	_ =	shalt  }
0x7a: {  	_ =	shalt  }
0x7b: {  	_ =	shalt  }
0x7c: {  	_ =	shalt  }
0x7d: {  	_ =	shalt  }
0x7e: {  	_ =	shalt  }
0x7f: {  	_ =	shalt  }
0x80: {  	_ =	shalt  }
0x81: {  	_ =	shalt  }
0x82: {  	_ =	shalt  }
0x83: {  	_ =	shalt  }
0x84: {  	_ =	shalt  }
0x85: {  	_ =	shalt  }
0x86: {  	_ =	shalt  }
0x87: {  	_ =	shalt  }
.Lfunc_end0:
.L_simem_size_0:
called_computation.3_lowered:
.L_overlay_start_0:
0x88: {  	s2 =	sld [smem:$0x3FD9]  }
0x89: {  	s3 =	sld [smem:$0x3FFE];
	_ =	sdelay $0x1  }
0x8a: {  	s1 =	srdreg.scid  }
0x8b: {  	s0 =	sand.u32 $0x1, s1  }
0x8c: {  	s17 =	sshll.u32 s0, $0xA;
	s2 =	sadd.s32 s3, s2  }
0x8d: {  	s2 =	sadd.s32 s2, s17  }
0x8e: {  	[smem:$0x3FC4] =	sst s2  }
0x8f: {  	_ = 	snop  }
0x90: {  	s18 =	sld [smem:$0x3FD0];
	(tm) =	ssettm $0x1  }
0x91: {  	s19 =	sld [smem:$0x3FFB];
	_ =	sdelay $0x3  }
0x92: {  	_ =	strace s19  }
0x93: {  	s2 =	sld [smem:$0x3FFC];
	_ =	sdelay $0x3  }
0x94: {  	_ =	strace s2  }
0x95: {  	s2 =	sld [smem:$0x3FFD];
	_ =	sdelay $0x3  }
0x96: {  	_ =	strace s2  }
0x97: {  	_ =	strace $0x8FFFFFFF  }
0x98: {  	s20 =	sld [smem:$0x3FDB];
	_ =	sdelay $0x1  }
0x99: {  	s4 =	simm.s32 $_scs_section_size  }
0x9a: {  	s5 =	simm.s32 $_size__tile_overlayer_lowered;
	s6 =	simm.s32 $_tile_overlayer_lowered  }
0x9b: {  	s7 =	simm.s32 $0x1BFF;
	s21 =	sshll.u32 s6, $0x1;
	s4 =	sadd.s32 s4, s20  }
0x9c: {  	s22 =	simm.s32 $0x0;
	s5 =	sshll.u32 s5, $0x1;
	s6 =	sadd.s32 s21, s4  }
0x9d: {  	[timem:s22], [sflag:s7] =	dma.local [hbm:s6], s5  }
0x9e: {  	_ =	swait.ge [sflag:s7], s5  }
0x9f: {  	s5 =	ssub.s32 $0x0, s5;
	[sflag:s7] =	ssyncset.done $0x0  }
0xa0: {  	[sflag:s7] =	ssyncadd.s32 s5;
	_ =	sdelay $0x1  }
0xa1: {  	s23 =	simm.s32 $0x1B8B  }
0xa2: {  	_ =	swait.ge [sflag:s23], $0x1  }
0xa3: {  	[sflag:s23] =	ssyncset.done $0x0  }
0xa4: {  	[sflag:s23] =	ssyncadd.s32 $0xFFFFFFFF  }
0xa5: {  	s5 =	sld [smem:$0x0]  }
0xa6: {  	s6 =	sand.u32 $0xFFFFFFFE, s1  }
0xa7: {  	p0 =	sne.s32 s1, s6  }
0xa8: {  	s6 =	sshll.u32 @p0 s6, $0xE  }
0xa9: {  	s6 =	sadd.s32 @p0 $0x11B8D, s6;
	s7 =	sshll.u32 @p0 s5, $0x11  }
0xaa: {  	s6 =	sor.u32 @p0 s7, s6  }
0xab: {  	[sflag:s6] =	ssyncadd.remote.s32 @p0 $0x1;
	_ =	sdelay $0x1  }
0xac: {  	s6 =	simm.s32 @p0 $0x1B8D  }
0xad: {  	_ =	swait.eq @p0 [sflag:s6], $0x1  }
0xae: {  	[sflag:s6] =	ssyncadd.s32 @p0 $0xFFFFFFFF  }
0xaf: {  	s7 =	sshll.u32 @!p0 s1, $0xE  }
0xb0: {  	s7 =	sor.u32 @!p0 $0x4000, s7;
	s6 =	simm.s32 @!p0 $0x1B8D  }
0xb1: {  	s5 =	sshll.u32 @!p0 s5, $0x11;
	s7 =	sadd.s32 @!p0 $0x11B8D, s7;
	_ =	swait.eq @!p0 [sflag:s6], $0x1  }
0xb2: {  	s5 =	sor.u32 @!p0 s5, s7;
	[sflag:s6] =	ssyncadd.s32 @!p0 $0xFFFFFFFF  }
0xb3: {  	s25 =	simm.s32 $0x1B8E;
	s24 =	sld [smem:$0x3FFE];
	[sflag:s5] =	ssyncadd.remote.s32 @!p0 $0x1  }
0xb4: {  	s26 =	simm.s32 $execute0_lowered;
	[smem:$0x3FD2] =	sst s25  }
0xb5: {  	s6 =	sshll.u32 s26, $0x1;
	_ =	strace $0x8000004F;
	[dreg:$0x1] =	wrdreg $0xFFFFFFFF  }
0xb6: {  	s28 =	simm.s32 $_size_execute0_lowered;
	s4 =	sadd.s32 s4, s6;
	[dreg:$0x0] =	wrdreg $0x0  }
0xb7: {  	s6 =	sshll.u32 s28, $0x1;
	[dreg:$0x2] =	wrdreg s4  }
0xb8: {  	[dreg:$0x3] =	wrdreg s6  }
0xb9: {  	[dreg:$0x4] =	wrdreg $0xC0  }
0xba: {  	_ =	task [dreg:s22], $0x5FFFF  }
0xbb: {  	[dreg:$0x1] =	wrdreg $0xFFFFFFFF  }
0xbc: {  	[dreg:$0x0] =	wrdreg $0x60  }
0xbd: {  	[dreg:$0x2] =	wrdreg s18  }
0xbe: {  	[dreg:$0x3] =	wrdreg s24  }
0xbf: {  	[dreg:$0x4] =	wrdreg $0x2000  }
0xc0: {  	[dreg:$0x5] =	wrdreg $0xC  }
0xc1: {  	_ =	task.clear_ibuf [dreg:s22], $0x6FFFF;
	_ =	strace $0x9000004F  }
0xc2: {  	s29 =	simm.s32 $0xC;
	_ =	strace $0x80000051  }
0xc3: {  	_ =	swait.ge [sflag:s29], $0x1  }
0xc4: {  	[sflag:s29] =	ssyncadd.s32 $0xFFFFFFFF  }
0xc5: {  	_ =	strace $0x90000051  }
0xc6: {  	_ =	sfence  }
0xc7: {  	s30 =	sld [smem:$0x0];
	_ =	sdelay $0x2  }
0xc8: {  	s31 =	sshll.u32 s1, $0xD;
	s1 =	sshrl.u32 s1, $0x2  }
0xc9: {  	s4 =	sand.u32 $0x4000, s31;
	s1 =	sadd.s32 s1, s30  }
0xca: {  	s0 =	sor.u32 s4, s0;
	s1 =	sshll.u32 s1, $0x11  }
0xcb: {  	s0 =	sor.u32 s1, s0  }
0xcc: {  	s0 =	sadd.s32 $0x8F2B, s0  }
0xcd: {  	[sflag:s0] =	ssyncadd.remote.s32 $0x1  }
0xce: {  	_ =	sfence.sel $0xFFFF  }
0xcf: {  	[dreg:$0x0] =	wrdreg $0xFFFFFFFF;
	(pc) =	sbr.abs _section_cstart, $3  }
0xd0: {  	[dreg:$0x1] =	wrdreg $0xFFFFFFFF  }
0xd1: {  	_ =	task.clear_ibuf [dreg:s22], $0x2FFFF;
	_ =	strace $0x9FFFFFFF  }
0xd2: {  	(tm) =	ssettm $0x7FFFFFFF  }
0xd3: {  	_ =	shalt  }
tec
execute0_lowered:
.L_overlay_start_1:
0x0: {  	(tag) =	ssettag $0x1  }
0x1: {  	s8 =	rddreg [dreg:$0x0]  }
0x2: {  	s2 =	rddreg [dreg:$0x1]  }
0x3: {  	s4 =	rddreg [dreg:$0x2]  }
0x4: {  	s0 =	rddreg [dreg:$0x3];
	s3 =	srdreg.scid  }
0x5: {  	s1 =	simm.s32 $0x0;
	s6 =	stileid.u32;
	s17 =	simm.s32 $0x80  }
0x6: {  	s14 =	simm.s32 $0x4208;
	s12 =	simm.s32 $0x8208;
	s3 =	sand.u32 $0x1, s3  }
0x7: {  	s18 =	simm.s32 $0x100;
	s7 =	sshll.u32 s3, $0x9;
	s3 =	ssub.s32 $0x2, s3  }
0x8: {  	s9 =	simm.s32 $0xC208;
	s19 =	simm.s32 $0x180;
	s31 =	sshrl.u32 s3, $0x1  }
0x9: {  	s20 =	simm.s32 $0x1;
	s16 =	simm.s32 $0x2;
	s3 =	ssub.s32 s3, s31  }
0xa: {  	s13 =	simm.s32 $0x3;
	p1 =	por $0x0, $0x0;
	s11 =	smax.u32 s3, $0x1  }
0xb: {  	[smem:$0x7FF] =	sst s1;
	s5 =	sshll.u32 s6, $0xA;
	s24 =	sadd.s32 $0xFFFFFFFF, s11  }
0xc: {  	p0 =	sne.s32 s6, $0x0;
	s6 =	simm.s32 $0x10208;
	p2 =	sne.s32 s24, $0x0  }
.Ltmp0:
0xd: {  	_ =	strace $0x80000050;
	s5 =	sor.u32 s7, s5;
	(pc) =	sbr.rel @!p2 .LBB2_3-.Ltmp0, $4  }
0xe: {  	s21 =	sshrl.u32 @!p0 s4, $0x3;
	s7 =	sshrl.u32 s5, $0x3;
	s5 =	sshll.u32 s5, $0x4  }
0xf: {  	s7 =	sadd.s32 s7, s2;
	s2 =	sadd.s32 s5, s2;
	s3 =	simm.s32 $0x5  }
0x10: {  	s15 =	sadd.s32 $0xDC000, s7;
	s10 =	sadd.s32 $0xDC800, s2;
	s7 =	sadd.s32 $0xDD000, s2  }
0x11: {  	s5 =	sadd.s32 $0xDD800, s2;
	s2 =	sadd.s32 $0xDE000, s2;
	s11 =	simm.s32 $0x4  }
0x12: {  	s22 =	simm.s32 @!p0 $0x1C05;
	s23 =	simm.s32 @!p0 $0x5  }
0x13: {  	[spmem:s21], [sflag:s22] =	dma.local @!p0 [hbm:s8], $0x8010  }
0x14: {  	_ =	swait.ge @!p0 [sflag:s23], $0x8010  }
0x15: {  	[sflag:s23] =	ssyncset.done @!p0 $0x0  }
0x16: {  	[sflag:s23] =	ssyncadd.s32 @!p0 $0xFFFF7FF0  }
0x17: {  	[bflag:$0x0] =	sbarrier.arrive $0xFFFF  }
0x18: {  	[tilespmem:s1], [sflag:$0x5] =	stream.linear.gather [hbm4b:s15+s1], $0x200, $0x38;
	[tilespmem:$0x14208] =	vst v63  }
0x19: {  	_ =	swait.ge [sflag:s3], $0x200  }
0x1a: {  	[sflag:s3] =	ssyncset.done $0x0  }
0x1b: {  	[sflag:s3] =	ssyncadd.s32 $0xFFFFFE00  }
0x1c: {  	[tilespmem:s14], [sflag:$0x1] =	stream.indirect.gather [spmem:s4], $0x80, s1, s17, $0xb8;
	[tilespmem:$0x14208] =	vst v63  }
0x1d: {  	_ = 	snop  }
0x1e: {  	[tilespmem:s12], [sflag:$0x2] =	stream.indirect.gather [spmem:s4], $0x80, s17, s17, $0xb8;
	[tilespmem:$0x14208] =	vst v63  }
0x1f: {  	_ = 	snop  }
0x20: {  	[tilespmem:s9], [sflag:$0x3] =	stream.indirect.gather [spmem:s4], $0x80, s18, s17, $0xb8;
	[tilespmem:$0x14208] =	vst v63  }
0x21: {  	_ = 	snop  }
0x22: {  	[tilespmem:s6], [sflag:$0x4] =	stream.indirect.gather [spmem:s4], $0x80, s19, s17, $0xb8;
	[tilespmem:$0x14208] =	vst v63  }
0x23: {  	_ =	swait.ge [sflag:s20], $0x4000  }
0x24: {  	[sflag:s20] =	ssyncset.done $0x0  }
0x25: {  	[sflag:s20] =	ssyncadd.s32 $0xFFFFC000  }
0x26: {  	[hbm4b:s10+s1] =	stream.linear.scatter [tilespmem:s14], [sflag:$0x5], $0x4000, $0x38;
	[tilespmem:$0x14208] =	vst v63  }
0x27: {  	_ =	swait.ge [sflag:s3], $0x4000  }
0x28: {  	[sflag:s3] =	ssyncset.done $0x0  }
0x29: {  	[sflag:s3] =	ssyncadd.s32 $0xFFFFC000  }
0x2a: {  	_ =	swait.ge [sflag:s16], $0x4000  }
0x2b: {  	[sflag:s16] =	ssyncset.done $0x0  }
0x2c: {  	[sflag:s16] =	ssyncadd.s32 $0xFFFFC000  }
0x2d: {  	[hbm4b:s7+s1] =	stream.linear.scatter [tilespmem:s12], [sflag:$0x5], $0x4000, $0x38;
	[tilespmem:$0x14208] =	vst v63  }
0x2e: {  	_ =	swait.ge [sflag:s3], $0x4000  }
0x2f: {  	[sflag:s3] =	ssyncset.done $0x0  }
0x30: {  	[sflag:s3] =	ssyncadd.s32 $0xFFFFC000  }
0x31: {  	_ =	swait.ge [sflag:s13], $0x4000  }
0x32: {  	[sflag:s13] =	ssyncset.done $0x0  }
0x33: {  	[sflag:s13] =	ssyncadd.s32 $0xFFFFC000  }
0x34: {  	[hbm4b:s5+s1] =	stream.linear.scatter [tilespmem:s9], [sflag:$0x5], $0x4000, $0x38;
	[tilespmem:$0x14208] =	vst v63  }
0x35: {  	_ =	swait.ge [sflag:s3], $0x4000  }
0x36: {  	[sflag:s3] =	ssyncset.done $0x0  }
0x37: {  	s24 =	sadd.s32 $0xFFFFFFFF, s24;
	[sflag:s3] =	ssyncadd.s32 $0xFFFFC000  }
0x38: {  	p2 =	sne.s32 s24, $0x0;
	_ =	swait.ge [sflag:s11], $0x4000  }
.Ltmp1:
0x39: {  	[sflag:s11] =	ssyncset.done $0x0;
	(pc) =	sbr.rel @!p2 .LBB2_3-.Ltmp1, $4  }
0x3a: {  	[sflag:s11] =	ssyncadd.s32 $0xFFFFC000  }
0x3b: {  	[hbm4b:s2+s1] =	stream.linear.scatter [tilespmem:s6], [sflag:$0x5], $0x4000, $0x38;
	[tilespmem:$0x14208] =	vst v63  }
0x3c: {  	_ =	swait.ge [sflag:s3], $0x4000  }
0x3d: {  	p1 =	por $0x1, $0x1;
	[sflag:s3] =	ssyncset.done $0x0  }
.LBB2_2:
0x3e: {  	[sflag:s3] =	ssyncadd.s32 $0xFFFFC000  }
0x3f: {  	[spmem:s21], [sflag:s22] =	dma.local @!p0 [hbm:s8], $0x8010  }
0x40: {  	s24 =	sadd.s32 $0xFFFFFFFF, s24;
	_ =	swait.ge @!p0 [sflag:s23], $0x8010  }
0x41: {  	p2 =	sne.s32 s24, $0x0;
	[sflag:s23] =	ssyncset.done @!p0 $0x0  }
0x42: {  	[sflag:s23] =	ssyncadd.s32 @!p0 $0xFFFF7FF0  }
0x43: {  	[bflag:$0x0] =	sbarrier.arrive $0xFFFF  }
0x44: {  	[tilespmem:s1], [sflag:$0x5] =	stream.linear.gather [hbm4b:s15+s1], $0x200, $0x38;
	[tilespmem:$0x14208] =	vst v63  }
0x45: {  	_ =	swait.ge [sflag:s3], $0x200  }
0x46: {  	[sflag:s3] =	ssyncset.done $0x0  }
0x47: {  	[sflag:s3] =	ssyncadd.s32 $0xFFFFFE00  }
0x48: {  	[tilespmem:s14], [sflag:$0x1] =	stream.indirect.gather [spmem:s4], $0x80, s1, s17, $0xb8;
	[tilespmem:$0x14208] =	vst v63  }
0x49: {  	_ = 	snop  }
0x4a: {  	[tilespmem:s12], [sflag:$0x2] =	stream.indirect.gather [spmem:s4], $0x80, s17, s17, $0xb8;
	[tilespmem:$0x14208] =	vst v63  }
0x4b: {  	_ = 	snop  }
0x4c: {  	[tilespmem:s9], [sflag:$0x3] =	stream.indirect.gather [spmem:s4], $0x80, s18, s17, $0xb8;
	[tilespmem:$0x14208] =	vst v63  }
0x4d: {  	_ = 	snop  }
0x4e: {  	[tilespmem:s6], [sflag:$0x4] =	stream.indirect.gather [spmem:s4], $0x80, s19, s17, $0xb8;
	[tilespmem:$0x14208] =	vst v63  }
0x4f: {  	_ =	swait.ge [sflag:s20], $0x4000  }
0x50: {  	[sflag:s20] =	ssyncset.done $0x0  }
0x51: {  	[sflag:s20] =	ssyncadd.s32 $0xFFFFC000  }
0x52: {  	[hbm4b:s10+s1] =	stream.linear.scatter [tilespmem:s14], [sflag:$0x5], $0x4000, $0x38;
	[tilespmem:$0x14208] =	vst v63  }
0x53: {  	_ =	swait.ge [sflag:s3], $0x4000  }
0x54: {  	[sflag:s3] =	ssyncset.done $0x0  }
0x55: {  	[sflag:s3] =	ssyncadd.s32 $0xFFFFC000  }
0x56: {  	_ =	swait.ge [sflag:s16], $0x4000  }
0x57: {  	[sflag:s16] =	ssyncset.done $0x0  }
0x58: {  	[sflag:s16] =	ssyncadd.s32 $0xFFFFC000  }
0x59: {  	[hbm4b:s7+s1] =	stream.linear.scatter [tilespmem:s12], [sflag:$0x5], $0x4000, $0x38;
	[tilespmem:$0x14208] =	vst v63  }
0x5a: {  	_ =	swait.ge [sflag:s3], $0x4000  }
0x5b: {  	[sflag:s3] =	ssyncset.done $0x0  }
0x5c: {  	[sflag:s3] =	ssyncadd.s32 $0xFFFFC000  }
0x5d: {  	_ =	swait.ge [sflag:s13], $0x4000  }
0x5e: {  	[sflag:s13] =	ssyncset.done $0x0  }
0x5f: {  	[sflag:s13] =	ssyncadd.s32 $0xFFFFC000  }
0x60: {  	[hbm4b:s5+s1] =	stream.linear.scatter [tilespmem:s9], [sflag:$0x5], $0x4000, $0x38;
	[tilespmem:$0x14208] =	vst v63  }
0x61: {  	_ =	swait.ge [sflag:s3], $0x4000  }
0x62: {  	[sflag:s3] =	ssyncset.done $0x0  }
0x63: {  	[sflag:s3] =	ssyncadd.s32 $0xFFFFC000  }
0x64: {  	_ =	swait.ge [sflag:s11], $0x4000  }
.Ltmp2:
0x65: {  	[sflag:s11] =	ssyncset.done $0x0;
	(pc) =	sbr.rel @p2 .LBB2_2-.Ltmp2, $4  }
0x66: {  	[sflag:s11] =	ssyncadd.s32 $0xFFFFC000  }
0x67: {  	[hbm4b:s2+s1] =	stream.linear.scatter [tilespmem:s6], [sflag:$0x5], $0x4000, $0x38;
	[tilespmem:$0x14208] =	vst v63  }
0x68: {  	_ =	swait.ge [sflag:s3], $0x4000  }
0x69: {  	[sflag:s3] =	ssyncset.done $0x0  }
.LBB2_3:
0x6a: {  	s22 =	simm.s32 @!p0 $0x1C05;
	s23 =	simm.s32 @!p0 $0x5;
	[sflag:s3] =	ssyncadd.s32 @p1 $0xFFFFC000  }
0x6b: {  	[spmem:s21], [sflag:s22] =	dma.local @!p0 [hbm:s8], $0x8010  }
0x6c: {  	_ =	swait.ge @!p0 [sflag:s23], $0x8010  }
0x6d: {  	[sflag:s23] =	ssyncset.done @!p0 $0x0  }
0x6e: {  	[sflag:s23] =	ssyncadd.s32 @!p0 $0xFFFF7FF0  }
0x6f: {  	[bflag:$0x0] =	sbarrier.arrive $0xFFFF  }
0x70: {  	[tilespmem:s1], [sflag:$0x5] =	stream.linear.gather [hbm4b:s15+s1], $0x200, $0x38;
	[tilespmem:$0x14208] =	vst v63  }
0x71: {  	_ =	swait.ge [sflag:s3], $0x200  }
0x72: {  	[sflag:s3] =	ssyncset.done $0x0  }
0x73: {  	[sflag:s3] =	ssyncadd.s32 $0xFFFFFE00  }
0x74: {  	[tilespmem:s14], [sflag:$0x1] =	stream.indirect.gather [spmem:s4], $0x80, s1, s17, $0xb8;
	[tilespmem:$0x14208] =	vst v63  }
0x75: {  	_ = 	snop  }
0x76: {  	[tilespmem:s12], [sflag:$0x2] =	stream.indirect.gather [spmem:s4], $0x80, s17, s17, $0xb8;
	[tilespmem:$0x14208] =	vst v63  }
0x77: {  	_ = 	snop  }
0x78: {  	[tilespmem:s9], [sflag:$0x3] =	stream.indirect.gather [spmem:s4], $0x80, s18, s17, $0xb8;
	[tilespmem:$0x14208] =	vst v63  }
0x79: {  	_ = 	snop  }
0x7a: {  	[tilespmem:s6], [sflag:$0x4] =	stream.indirect.gather [spmem:s4], $0x80, s19, s17, $0xb8;
	[tilespmem:$0x14208] =	vst v63  }
0x7b: {  	_ =	swait.ge [sflag:s20], $0x4000  }
0x7c: {  	[sflag:s20] =	ssyncset.done $0x0  }
0x7d: {  	[sflag:s20] =	ssyncadd.s32 $0xFFFFC000  }
0x7e: {  	[hbm4b:s10+s1] =	stream.linear.scatter [tilespmem:s14], [sflag:$0x5], $0x4000, $0x38;
	[tilespmem:$0x14208] =	vst v63  }
0x7f: {  	_ =	swait.ge [sflag:s3], $0x4000  }
0x80: {  	[sflag:s3] =	ssyncset.done $0x0  }
0x81: {  	[sflag:s3] =	ssyncadd.s32 $0xFFFFC000  }
0x82: {  	_ =	swait.ge [sflag:s16], $0x4000  }
0x83: {  	[sflag:s16] =	ssyncset.done $0x0  }
0x84: {  	[sflag:s16] =	ssyncadd.s32 $0xFFFFC000  }
0x85: {  	[hbm4b:s7+s1] =	stream.linear.scatter [tilespmem:s12], [sflag:$0x5], $0x4000, $0x38;
	[tilespmem:$0x14208] =	vst v63  }
0x86: {  	_ =	swait.ge [sflag:s3], $0x4000  }
0x87: {  	[sflag:s3] =	ssyncset.done $0x0  }
0x88: {  	[sflag:s3] =	ssyncadd.s32 $0xFFFFC000  }
0x89: {  	_ =	swait.ge [sflag:s13], $0x4000  }
0x8a: {  	[sflag:s13] =	ssyncset.done $0x0  }
0x8b: {  	[sflag:s13] =	ssyncadd.s32 $0xFFFFC000  }
0x8c: {  	[hbm4b:s5+s1] =	stream.linear.scatter [tilespmem:s9], [sflag:$0x5], $0x4000, $0x38;
	[tilespmem:$0x14208] =	vst v63  }
0x8d: {  	_ =	swait.ge [sflag:s3], $0x4000  }
0x8e: {  	[sflag:s3] =	ssyncset.done $0x0  }
0x8f: {  	[sflag:s3] =	ssyncadd.s32 $0xFFFFC000  }
0x90: {  	_ =	swait.ge [sflag:s11], $0x4000  }
0x91: {  	[sflag:s11] =	ssyncset.done $0x0  }
0x92: {  	[sflag:s11] =	ssyncadd.s32 $0xFFFFC000  }
0x93: {  	[hbm4b:s2+s1] =	stream.linear.scatter [tilespmem:s6], [sflag:$0x5], $0x4000, $0x38;
	[tilespmem:$0x14208] =	vst v63  }
0x94: {  	_ =	swait.ge [sflag:s3], $0x4000  }
0x95: {  	[sflag:s3] =	ssyncset.done $0x0  }
0x96: {  	[sflag:s3] =	ssyncadd.s32 $0xFFFFC000  }
0x97: {  	_ =	sfence.sel $0x180000  }
0x98: {  	[bflag:$0x0] =	sbarrier.arrive $0xFFFF  }
0x99: {  	_ =	strace $0x90000050  }
0x9a: {  	s0 =	sadd.s32 @!p0 $0x100000, s0;
	[bflag:$0x2] =	sbarrier.arrive $0xFFFF  }
0x9b: {  	[sflag:s0] =	ssyncadd.tile.s32 @!p0 $0x1;
	_ =	shalt  }
.Lfunc_end2:
_tile_overlayer_lowered:
.L_overlay_start_2:
0x9c: {  	(tag) =	ssettag $0x2  }
0x9d: {  	s0 =	rddreg [dreg:$0x0];
	s2 =	stileid.u32  }
0x9e: {  	s1 =	rddreg [dreg:$0x1];
	p0 =	sne.s32 s2, $0x0  }
0x9f: {  	s3 =	rddreg [dreg:$0x2];
	[bflag:$0x3] =	sbarrier.arrive $0xFFFF;
	s2 =	simm.s32 @!p0 $0x1C05  }
0xa0: {  	[timem:s3], [sflag:s2] =	dma.local @!p0 [hbm:s0], s1  }
0xa1: {  	s0 =	simm.s32 @!p0 $0x5  }
0xa2: {  	_ =	swait.ge @!p0 [sflag:s0], s1  }
0xa3: {  	s1 =	ssub.s32 @!p0 $0x0, s1;
	[sflag:s0] =	ssyncset.done @!p0 $0x0  }
0xa4: {  	[sflag:s0] =	ssyncadd.s32 @!p0 s1  }
0xa5: {  	[bflag:$0x3] =	sbarrier.arrive $0xFFFF  }
0xa6: {  	_ =	shalt  }

</sc_bundles>
